<compile_context>
chip_gen: v7x
topology: tpu7x:2x2x1
jax: 0.10.2.dev20260603
libtpu: 0.0.44.dev20260713+nightly
codegen_flags: <defaults>
</compile_context>

<pallas_src>
import functools

import jax
import jax.numpy as jnp
from jax import lax
from jax.experimental import pallas as pl
from jax.experimental.pallas import tpu as pltpu
from jax.experimental.pallas import tpu_sc as plsc

K = 20
KP = 24
B = 8
N = 1024
ROWS = 256
NB = (B * N) // ROWS
NTILES = 32
PPT = (B * N) // NTILES
EPS = 1e-5
NEG_SLOPE = 0.2


def _topk_body(xr_ref, xa_ref, idx_ref):
    b = pl.program_id(0)
    xr = xr_ref[0]
    xa = xa_ref[0]
    cn = (((1,), (1,)), ((), ()))
    g = lax.dot_general(xr, xa, cn, preferred_element_type=jnp.float32)
    inner = -2.0 * g
    xxr = jnp.sum(xr * xr, axis=-1, keepdims=True)
    xxa = jnp.sum(xa * xa, axis=-1, keepdims=True)
    a = (-xxr) - inner - jnp.transpose(xxa)
    iota = lax.broadcasted_iota(jnp.int32, (ROWS, N), 1)
    cols = []
    for _ in range(K):
        m = jnp.max(a, axis=1, keepdims=True)
        cand = jnp.where(a >= m, iota, N)
        j = jnp.min(cand, axis=1, keepdims=True)
        cols.append(j)
        a = jnp.where(iota == j, -jnp.inf, a)
    idx = jnp.concatenate(cols + [cols[0]] * (KP - K), axis=1)
    idx_ref[0] = idx + b * N


def _tc_topk(xt):
    _, _, C = xt.shape
    grid = (B, N // ROWS)
    return pl.pallas_call(
        _topk_body,
        grid=grid,
        in_specs=[
            pl.BlockSpec((1, ROWS, C), lambda b, r: (b, r, 0)),
            pl.BlockSpec((1, N, C), lambda b, r: (b, 0, 0)),
        ],
        out_specs=pl.BlockSpec((1, ROWS, KP), lambda b, r: (b, r, 0)),
        out_shape=jax.ShapeDtypeStruct((B, N, KP), jnp.int32),
    )(xt, xt)


def _sc_gather_body(x_hbm, idx_hbm, out_hbm, idx_v, rows_v, gsem):
    cid = lax.axis_index("c")
    sid = lax.axis_index("s")
    wid = sid * 2 + cid
    base = wid * PPT
    pltpu.sync_copy(idx_hbm.at[pl.ds(base, PPT)], idx_v)

    def body(i, _):
        gcp = pltpu.async_copy(x_hbm.at[idx_v.at[i]], rows_v, gsem)
        gcp.wait()
        pltpu.sync_copy(rows_v, out_hbm.at[pl.ds((base + i) * KP, KP)])
        return 0

    lax.fori_loop(0, PPT, body, 0, unroll=False)


def _sc_gather(x2d, idx2d):
    C = x2d.shape[1]
    mesh = plsc.VectorSubcoreMesh(core_axis_name="c", subcore_axis_name="s")
    f = pl.kernel(
        _sc_gather_body,
        out_type=jax.ShapeDtypeStruct((B * N * KP, C), jnp.float32),
        mesh=mesh,
        scratch_types=[
            pltpu.VMEM((PPT, KP), jnp.int32),
            pltpu.VMEM((KP, C), jnp.float32),
            pltpu.SemaphoreType.DMA,
        ],
    )
    return f(x2d, idx2d)


def _conv_body(C, O, x_ref, n_ref, w_ref, m_ref, part_ref):
    xc = x_ref[...]
    w = w_ref[...]
    cn = (((1,), (0,)), ((), ()))
    mx = None
    s1 = None
    s2 = None
    for k in range(K):
        nk = n_ref[:, pl.ds(k * C, C)]
        ef = jnp.concatenate([nk - xc, xc], axis=1)
        h = lax.dot_general(ef, w, cn, preferred_element_type=jnp.float32)
        if k == 0:
            mx = h
            s1 = h
            s2 = h * h
        else:
            mx = jnp.maximum(mx, h)
            s1 = s1 + h
            s2 = s2 + h * h
    m_ref[...] = mx
    part_ref[0, 0] = jnp.sum(s1, axis=0)
    part_ref[0, 1] = jnp.sum(s2, axis=0)


def _tc_conv(x2d, neigh, w2):
    C = x2d.shape[1]
    O = w2.shape[1]
    grid = (NB,)
    return pl.pallas_call(
        functools.partial(_conv_body, C, O),
        grid=grid,
        in_specs=[
            pl.BlockSpec((ROWS, C), lambda r: (r, 0)),
            pl.BlockSpec((ROWS, KP * C), lambda r: (r, 0)),
            pl.BlockSpec((2 * C, O), lambda r: (0, 0)),
        ],
        out_specs=[
            pl.BlockSpec((ROWS, O), lambda r: (r, 0)),
            pl.BlockSpec((1, 2, O), lambda r: (r, 0, 0)),
        ],
        out_shape=[
            jax.ShapeDtypeStruct((B * N, O), jnp.float32),
            jax.ShapeDtypeStruct((NB, 2, O), jnp.float32),
        ],
    )(x2d, neigh, w2)


def _norm_body(Op, g_ref, b_ref, part_ref, m_ref, o_ref):
    inv_cnt = 1.0 / float(B * N * K)
    s1 = jnp.sum(part_ref[:, 0], axis=0, keepdims=True) * inv_cnt
    s2 = jnp.sum(part_ref[:, 1], axis=0, keepdims=True) * inv_cnt
    var = s2 - s1 * s1
    h = (m_ref[...] - s1) / jnp.sqrt(var + EPS) * g_ref[...] + b_ref[...]
    out = jnp.where(h > 0, h, NEG_SLOPE * h)
    o_ref[...] = jnp.pad(out, ((0, 0), (0, Op - out.shape[1])))


def _tc_norm(m2d, part, gl, bl, Op):
    O = m2d.shape[1]
    rows = 1024
    grid = ((B * N) // rows,)
    return pl.pallas_call(
        functools.partial(_norm_body, Op),
        grid=grid,
        in_specs=[
            pl.BlockSpec((1, O), lambda r: (0, 0)),
            pl.BlockSpec((1, O), lambda r: (0, 0)),
            pl.BlockSpec((NB, 2, O), lambda r: (0, 0, 0)),
            pl.BlockSpec((rows, O), lambda r: (r, 0)),
        ],
        out_specs=pl.BlockSpec((rows, Op), lambda r: (r, 0)),
        out_shape=jax.ShapeDtypeStruct((B * N, Op), jnp.float32),
    )(gl.reshape(1, O), bl.reshape(1, O), part, m2d)


def _edge_conv_layer(x2d, W, gl, bl, Op):
    Cp = x2d.shape[1]
    O = W.shape[0]
    C = W.shape[1] // 2
    wa = jnp.transpose(W[:, :C])
    wb = jnp.transpose(W[:, C:])
    z = jnp.zeros((Cp - C, O), jnp.float32)
    w2 = jnp.concatenate([wa, z, wb, z], axis=0)
    idx = _tc_topk(x2d.reshape(B, N, Cp))
    neigh = _sc_gather(x2d, idx.reshape(B * N, KP))
    m2d, part = _tc_conv(x2d, neigh.reshape(B * N, KP * Cp), w2)
    return _tc_norm(m2d, part, gl, bl, Op)


def kernel(x, W0, g0, b0, W1, g1, b1, W2, g2, b2, W3, g3, b3, W4, g4, b4):
    xt = jnp.transpose(x, (0, 2, 1)).reshape(B * N, 3)
    x2d = jnp.pad(xt, ((0, 0), (0, 125)))
    outs = []
    for W, g, bb in ((W0, g0, b0), (W1, g1, b1), (W2, g2, b2),
                     (W3, g3, b3), (W4, g4, b4)):
        O = W.shape[0]
        Op = max(O, 128)
        x2d = _edge_conv_layer(x2d, W, g, bb, Op)
        outs.append(x2d[:, :O].reshape(B, N, O))
    y = jnp.concatenate(outs, axis=-1)
    return jnp.transpose(y, (0, 2, 1))

# --- scband reference (transcript-rebuilt; emitter-appended) ---
"""Pipeline reference for scband-encoder-33827162423727 (READ-ONLY COPY).

The authoritative reference and input builder live on the scoring server;
editing this copy changes nothing except your own understanding.
"""

import jax, jax.numpy as jnp
import numpy as np

K = 20
LAYERS = [(3, 64), (64, 64), (64, 128), (128, 256), (256, 512)]


def setup_inputs(seed: int = 0) -> dict:
    key = jax.random.key(seed)
    ks = jax.random.split(key, 1 + len(LAYERS))
    inp = {"x": jax.random.normal(ks[0], (8, 3, 1024), dtype=jnp.float32)}
    for i, (cin, cout) in enumerate(LAYERS):
        inp[f"W{i}"] = jax.random.normal(ks[1 + i], (cout, 2 * cin), dtype=jnp.float32) * (1.0 / np.sqrt(2 * cin))
        inp[f"g{i}"] = jnp.ones((cout,), dtype=jnp.float32)
        inp[f"b{i}"] = jnp.zeros((cout,), dtype=jnp.float32)
    return inp


def _edge_conv(x, W, g, b, k):
    # x: [B, C, N] -> out: [B, O, N]
    B, C, N = x.shape
    xt = jnp.transpose(x, (0, 2, 1))  # [B, N, C]
    # pairwise negative squared distances (DGCNN knn)
    inner = -2.0 * jnp.einsum('bnc,bmc->bnm', xt, xt)
    xx = jnp.sum(xt * xt, axis=-1)  # [B, N]
    pair = -xx[:, :, None] - inner - xx[:, None, :]  # [B, N, N]
    idx = jax.lax.top_k(pair, k)[1]  # [B, N, k] int32, includes self
    # gather neighbor features
    neigh = jax.vmap(lambda f, i: f[i])(xt, idx)  # [B, N, k, C]
    center = jnp.broadcast_to(xt[:, :, None, :], neigh.shape)
    ef = jnp.concatenate([neigh - center, center], axis=-1)  # [B, N, k, 2C]
    # 1x1 Conv2d (no bias) == matmul over channel dim
    h = jnp.einsum('bnkc,oc->bnko', ef, W)  # [B, N, k, O]
    # BatchNorm2d (training-mode batch statistics, biased var)
    mean = jnp.mean(h, axis=(0, 1, 2))
    var = jnp.var(h, axis=(0, 1, 2))
    h = (h - mean) / jnp.sqrt(var + 1e-5) * g + b
    # LeakyReLU(0.2)
    h = jnp.where(h > 0, h, 0.2 * h)
    # max over neighbors
    h = jnp.max(h, axis=2)  # [B, N, O]
    return jnp.transpose(h, (0, 2, 1))  # [B, O, N]


def reference(x, W0, g0, b0, W1, g1, b1, W2, g2, b2, W3, g3, b3, W4, g4, b4):
    x1 = _edge_conv(x, W0, g0, b0, K)
    x2 = _edge_conv(x1, W1, g1, b1, K)
    x3 = _edge_conv(x2, W2, g2, b2, K)
    x4 = _edge_conv(x3, W3, g3, b3, K)
    x5 = _edge_conv(x4, W4, g4, b4, K)
    return jnp.concatenate([x1, x2, x3, x4, x5], axis=1)  # [B, 1024, N]

if __name__ == "__main__":
    import jax
    _d = setup_inputs()
    print(jax.jit(kernel)(*tuple(_d.values())))

</pallas_src>

<mosaic_0001>
#map = affine_map<(d0, d1) -> (0, 0)>
module attributes {stable_mosaic.version = 14 : i64} {
  func.func @_sc_gather_body(%arg0: i32, %arg1: i32, %arg2: memref<8192x128xf32, #tpu.memory_space<hbm>>, %arg3: memref<8192x24xi32, #tpu.memory_space<hbm>>, %arg4: memref<196608x128xf32, #tpu.memory_space<hbm>>, %arg5: memref<256x24xi32, #tpu.memory_space<vmem>>, %arg6: memref<24x128xf32, #tpu.memory_space<vmem>>, %arg7: memref<!tpu.dma_semaphore, #tpu.memory_space<semaphore_mem>>) attributes {dimension_semantics = [#tpu.dimension_semantics<core_parallel>, #tpu.dimension_semantics<subcore_parallel>], iteration_bounds = array<i64: 2, 16>, scalar_prefetch = 0 : i64, scratch_operands = 3 : i64, tpu.core_type = #tpu.core_type<sc_vector_subcore>, window_params = [{transform_indices = #map}, {transform_indices = #map}, {transform_indices = #map}]} {
    %mul3A = arith.constant 2 : i32
    %mul3A_0 = arith.muli %arg1, %mul3A : i32
    %add3A = arith.addi %mul3A_0, %arg0 : i32
    %mul3A_1 = arith.constant 256 : i32
    %mul3A_2 = arith.muli %add3A, %mul3A_1 : i32
    "tpu.region"() ({
      %run_scoped3A = tpu.sem_alloc : memref<!tpu.dma_semaphore, #tpu.memory_space<semaphore_mem>>
      %dma_start3A = arith.constant 0 : i32
      %dma_start3A_9 = tpu.memref_slice %arg3[%mul3A_2, %dma_start3A] : memref<8192x24xi32, #tpu.memory_space<hbm>> -> memref<256x24xi32, #tpu.memory_space<hbm>>
      %dma_start3A_10 = arith.constant 0 : i32
      %dma_start3A_11 = tpu.memref_slice %arg3[%mul3A_2, %dma_start3A_10] : memref<8192x24xi32, #tpu.memory_space<hbm>> -> memref<256x24xi32, #tpu.memory_space<hbm>>
      tpu.enqueue_dma source(%dma_start3A_11 : memref<256x24xi32, #tpu.memory_space<hbm>>) target(%arg5 : memref<256x24xi32, #tpu.memory_space<vmem>>) target_semaphore(%run_scoped3A : memref<!tpu.dma_semaphore, #tpu.memory_space<semaphore_mem>>)
      %dma_wait3A = arith.constant 0 : i32
      %dma_wait3A_12 = tpu.memref_slice %arg3[%mul3A_2, %dma_wait3A] : memref<8192x24xi32, #tpu.memory_space<hbm>> -> memref<256x24xi32, #tpu.memory_space<hbm>>
      %dma_wait3A_13 = arith.constant 0 : i32
      %dma_wait3A_14 = tpu.memref_slice %arg3[%mul3A_2, %dma_wait3A_13] : memref<8192x24xi32, #tpu.memory_space<hbm>> -> memref<256x24xi32, #tpu.memory_space<hbm>>
      tpu.wait_dma2 semaphore(%run_scoped3A : memref<!tpu.dma_semaphore, #tpu.memory_space<semaphore_mem>>) src(%dma_wait3A_14 : memref<256x24xi32, #tpu.memory_space<hbm>>) dst(%arg5 : memref<256x24xi32, #tpu.memory_space<vmem>>)
      tpu.yield
    }) : () -> ()
    %scan3A = arith.constant 0 : i32
    %scan3A_3 = arith.constant 0 : i32
    %scan3A_4 = arith.constant 256 : i32
    %scan3A_5 = arith.addi %scan3A_3, %scan3A_4 : i32
    %scan3A_6 = arith.constant 1 : i32
    %scan3A_7 = scf.for %scan3A_9 = %scan3A_3 to %scan3A_5 step %scan3A_6 iter_args(%scan3A_10 = %scan3A) -> (i32)  : i32 {
      %dma_start3A = arith.constant 0 : i32
      %dma_start3A_11 = tpu.memref_slice %arg5[%scan3A_9, %dma_start3A] : memref<256x24xi32, #tpu.memory_space<vmem>> -> memref<1x24xi32, #tpu.memory_space<vmem>>
      %dma_start3A_12 = tpu.memref_squeeze %dma_start3A_11 : memref<1x24xi32, #tpu.memory_space<vmem>> -> memref<24xi32, #tpu.memory_space<vmem>>
      %dma_start3A_13 = arith.constant 0 : i32
      %dma_start3A_14 = arith.constant 0 : i32
      %dma_start3A_15 = tpu.memref_slice %arg2[%dma_start3A_13, %dma_start3A_14] : memref<8192x128xf32, #tpu.memory_space<hbm>> -> memref<8192x128xf32, #tpu.memory_space<hbm>>
      tpu.enqueue_indirect_dma source(%dma_start3A_15 : memref<8192x128xf32, #tpu.memory_space<hbm>>) target(%arg6 : memref<24x128xf32, #tpu.memory_space<vmem>>) offsets(%dma_start3A_12 : memref<24xi32, #tpu.memory_space<vmem>>) semaphore(%arg7 : memref<!tpu.dma_semaphore, #tpu.memory_space<semaphore_mem>>)
      %dma_wait3A = arith.constant 0 : i32
      %dma_wait3A_16 = tpu.memref_slice %arg5[%scan3A_9, %dma_wait3A] : memref<256x24xi32, #tpu.memory_space<vmem>> -> memref<1x24xi32, #tpu.memory_space<vmem>>
      %dma_wait3A_17 = tpu.memref_squeeze %dma_wait3A_16 : memref<1x24xi32, #tpu.memory_space<vmem>> -> memref<24xi32, #tpu.memory_space<vmem>>
      %dma_wait3A_18 = arith.constant 0 : i32
      %dma_wait3A_19 = arith.constant 0 : i32
      %dma_wait3A_20 = tpu.memref_slice %arg2[%dma_wait3A_18, %dma_wait3A_19] : memref<8192x128xf32, #tpu.memory_space<hbm>> -> memref<8192x128xf32, #tpu.memory_space<hbm>>
      tpu.wait_indirect_dma semaphore(%arg7 : memref<!tpu.dma_semaphore, #tpu.memory_space<semaphore_mem>>) src(%dma_wait3A_20 : memref<8192x128xf32, #tpu.memory_space<hbm>>) dst(%arg6 : memref<24x128xf32, #tpu.memory_space<vmem>>)
      %add3A_21 = arith.addi %mul3A_2, %scan3A_9 : i32
      %mul3A_22 = arith.constant 24 : i32
      %mul3A_23 = arith.muli %add3A_21, %mul3A_22 : i32
      "tpu.region"() ({
        %run_scoped3A = tpu.sem_alloc : memref<!tpu.dma_semaphore, #tpu.memory_space<semaphore_mem>>
        %dma_start3A_25 = arith.constant 0 : i32
        %dma_start3A_26 = tpu.memref_slice %arg4[%mul3A_23, %dma_start3A_25] : memref<196608x128xf32, #tpu.memory_space<hbm>> -> memref<24x128xf32, #tpu.memory_space<hbm>>
        %dma_start3A_27 = arith.constant 0 : i32
        %dma_start3A_28 = tpu.memref_slice %arg4[%mul3A_23, %dma_start3A_27] : memref<196608x128xf32, #tpu.memory_space<hbm>> -> memref<24x128xf32, #tpu.memory_space<hbm>>
        tpu.enqueue_dma source(%arg6 : memref<24x128xf32, #tpu.memory_space<vmem>>) target(%dma_start3A_28 : memref<24x128xf32, #tpu.memory_space<hbm>>) target_semaphore(%run_scoped3A : memref<!tpu.dma_semaphore, #tpu.memory_space<semaphore_mem>>)
        %dma_wait3A_29 = arith.constant 0 : i32
        %dma_wait3A_30 = tpu.memref_slice %arg4[%mul3A_23, %dma_wait3A_29] : memref<196608x128xf32, #tpu.memory_space<hbm>> -> memref<24x128xf32, #tpu.memory_space<hbm>>
        %dma_wait3A_31 = arith.constant 0 : i32
        %dma_wait3A_32 = tpu.memref_slice %arg4[%mul3A_23, %dma_wait3A_31] : memref<196608x128xf32, #tpu.memory_space<hbm>> -> memref<24x128xf32, #tpu.memory_space<hbm>>
        tpu.wait_dma2 semaphore(%run_scoped3A : memref<!tpu.dma_semaphore, #tpu.memory_space<semaphore_mem>>) src(%arg6 : memref<24x128xf32, #tpu.memory_space<vmem>>) dst(%dma_wait3A_32 : memref<24x128xf32, #tpu.memory_space<hbm>>)
        tpu.yield
      }) : () -> ()
      %scan3A_24 = arith.constant 0 : i32
      scf.yield %scan3A_24 : i32
    }
    %scan3A_8 = arith.constant 256 : i32
    return
  }
}

#map = affine_map<(d0, d1) -> (0, 0)>
module attributes {stable_mosaic.version = 14 : i64} {
  func.func @_sc_gather_body(%arg0: i32, %arg1: i32, %arg2: memref<8192x128xf32, #tpu.memory_space<hbm>>, %arg3: memref<8192x24xi32, #tpu.memory_space<hbm>>, %arg4: memref<196608x128xf32, #tpu.memory_space<hbm>>, %arg5: memref<256x24xi32, #tpu.memory_space<vmem>>, %arg6: memref<24x128xf32, #tpu.memory_space<vmem>>, %arg7: memref<!tpu.dma_semaphore, #tpu.memory_space<semaphore_mem>>) attributes {dimension_semantics = [#tpu.dimension_semantics<core_parallel>, #tpu.dimension_semantics<subcore_parallel>], iteration_bounds = array<i64: 2, 16>, scalar_prefetch = 0 : i64, scratch_operands = 3 : i64, tpu.core_type = #tpu.core_type<sc_vector_subcore>, window_params = [{transform_indices = #map}, {transform_indices = #map}, {transform_indices = #map}]} {
    %mul3A = arith.constant 2 : i32
    %mul3A_0 = arith.muli %arg1, %mul3A : i32
    %add3A = arith.addi %mul3A_0, %arg0 : i32
    %mul3A_1 = arith.constant 256 : i32
    %mul3A_2 = arith.muli %add3A, %mul3A_1 : i32
    "tpu.region"() ({
      %run_scoped3A = tpu.sem_alloc : memref<!tpu.dma_semaphore, #tpu.memory_space<semaphore_mem>>
      %dma_start3A = arith.constant 0 : i32
      %dma_start3A_9 = tpu.memref_slice %arg3[%mul3A_2, %dma_start3A] : memref<8192x24xi32, #tpu.memory_space<hbm>> -> memref<256x24xi32, #tpu.memory_space<hbm>>
      %dma_start3A_10 = arith.constant 0 : i32
      %dma_start3A_11 = tpu.memref_slice %arg3[%mul3A_2, %dma_start3A_10] : memref<8192x24xi32, #tpu.memory_space<hbm>> -> memref<256x24xi32, #tpu.memory_space<hbm>>
      tpu.enqueue_dma source(%dma_start3A_11 : memref<256x24xi32, #tpu.memory_space<hbm>>) target(%arg5 : memref<256x24xi32, #tpu.memory_space<vmem>>) target_semaphore(%run_scoped3A : memref<!tpu.dma_semaphore, #tpu.memory_space<semaphore_mem>>)
      %dma_wait3A = arith.constant 0 : i32
      %dma_wait3A_12 = tpu.memref_slice %arg3[%mul3A_2, %dma_wait3A] : memref<8192x24xi32, #tpu.memory_space<hbm>> -> memref<256x24xi32, #tpu.memory_space<hbm>>
      %dma_wait3A_13 = arith.constant 0 : i32
      %dma_wait3A_14 = tpu.memref_slice %arg3[%mul3A_2, %dma_wait3A_13] : memref<8192x24xi32, #tpu.memory_space<hbm>> -> memref<256x24xi32, #tpu.memory_space<hbm>>
      tpu.wait_dma2 semaphore(%run_scoped3A : memref<!tpu.dma_semaphore, #tpu.memory_space<semaphore_mem>>) src(%dma_wait3A_14 : memref<256x24xi32, #tpu.memory_space<hbm>>) dst(%arg5 : memref<256x24xi32, #tpu.memory_space<vmem>>)
      tpu.yield
    }) : () -> ()
    %scan3A = arith.constant 0 : i32
    %scan3A_3 = arith.constant 0 : i32
    %scan3A_4 = arith.constant 256 : i32
    %scan3A_5 = arith.addi %scan3A_3, %scan3A_4 : i32
    %scan3A_6 = arith.constant 1 : i32
    %scan3A_7 = scf.for %scan3A_9 = %scan3A_3 to %scan3A_5 step %scan3A_6 iter_args(%scan3A_10 = %scan3A) -> (i32)  : i32 {
      %dma_start3A = arith.constant 0 : i32
      %dma_start3A_11 = tpu.memref_slice %arg5[%scan3A_9, %dma_start3A] : memref<256x24xi32, #tpu.memory_space<vmem>> -> memref<1x24xi32, #tpu.memory_space<vmem>>
      %dma_start3A_12 = tpu.memref_squeeze %dma_start3A_11 : memref<1x24xi32, #tpu.memory_space<vmem>> -> memref<24xi32, #tpu.memory_space<vmem>>
      %dma_start3A_13 = arith.constant 0 : i32
      %dma_start3A_14 = arith.constant 0 : i32
      %dma_start3A_15 = tpu.memref_slice %arg2[%dma_start3A_13, %dma_start3A_14] : memref<8192x128xf32, #tpu.memory_space<hbm>> -> memref<8192x128xf32, #tpu.memory_space<hbm>>
      tpu.enqueue_indirect_dma source(%dma_start3A_15 : memref<8192x128xf32, #tpu.memory_space<hbm>>) target(%arg6 : memref<24x128xf32, #tpu.memory_space<vmem>>) offsets(%dma_start3A_12 : memref<24xi32, #tpu.memory_space<vmem>>) semaphore(%arg7 : memref<!tpu.dma_semaphore, #tpu.memory_space<semaphore_mem>>)
      %dma_wait3A = arith.constant 0 : i32
      %dma_wait3A_16 = tpu.memref_slice %arg5[%scan3A_9, %dma_wait3A] : memref<256x24xi32, #tpu.memory_space<vmem>> -> memref<1x24xi32, #tpu.memory_space<vmem>>
      %dma_wait3A_17 = tpu.memref_squeeze %dma_wait3A_16 : memref<1x24xi32, #tpu.memory_space<vmem>> -> memref<24xi32, #tpu.memory_space<vmem>>
      %dma_wait3A_18 = arith.constant 0 : i32
      %dma_wait3A_19 = arith.constant 0 : i32
      %dma_wait3A_20 = tpu.memref_slice %arg2[%dma_wait3A_18, %dma_wait3A_19] : memref<8192x128xf32, #tpu.memory_space<hbm>> -> memref<8192x128xf32, #tpu.memory_space<hbm>>
      tpu.wait_indirect_dma semaphore(%arg7 : memref<!tpu.dma_semaphore, #tpu.memory_space<semaphore_mem>>) src(%dma_wait3A_20 : memref<8192x128xf32, #tpu.memory_space<hbm>>) dst(%arg6 : memref<24x128xf32, #tpu.memory_space<vmem>>)
      %add3A_21 = arith.addi %mul3A_2, %scan3A_9 : i32
      %mul3A_22 = arith.constant 24 : i32
      %mul3A_23 = arith.muli %add3A_21, %mul3A_22 : i32
      "tpu.region"() ({
        %run_scoped3A = tpu.sem_alloc : memref<!tpu.dma_semaphore, #tpu.memory_space<semaphore_mem>>
        %dma_start3A_25 = arith.constant 0 : i32
        %dma_start3A_26 = tpu.memref_slice %arg4[%mul3A_23, %dma_start3A_25] : memref<196608x128xf32, #tpu.memory_space<hbm>> -> memref<24x128xf32, #tpu.memory_space<hbm>>
        %dma_start3A_27 = arith.constant 0 : i32
        %dma_start3A_28 = tpu.memref_slice %arg4[%mul3A_23, %dma_start3A_27] : memref<196608x128xf32, #tpu.memory_space<hbm>> -> memref<24x128xf32, #tpu.memory_space<hbm>>
        tpu.enqueue_dma source(%arg6 : memref<24x128xf32, #tpu.memory_space<vmem>>) target(%dma_start3A_28 : memref<24x128xf32, #tpu.memory_space<hbm>>) target_semaphore(%run_scoped3A : memref<!tpu.dma_semaphore, #tpu.memory_space<semaphore_mem>>)
        %dma_wait3A_29 = arith.constant 0 : i32
        %dma_wait3A_30 = tpu.memref_slice %arg4[%mul3A_23, %dma_wait3A_29] : memref<196608x128xf32, #tpu.memory_space<hbm>> -> memref<24x128xf32, #tpu.memory_space<hbm>>
        %dma_wait3A_31 = arith.constant 0 : i32
        %dma_wait3A_32 = tpu.memref_slice %arg4[%mul3A_23, %dma_wait3A_31] : memref<196608x128xf32, #tpu.memory_space<hbm>> -> memref<24x128xf32, #tpu.memory_space<hbm>>
        tpu.wait_dma2 semaphore(%run_scoped3A : memref<!tpu.dma_semaphore, #tpu.memory_space<semaphore_mem>>) src(%arg6 : memref<24x128xf32, #tpu.memory_space<vmem>>) dst(%dma_wait3A_32 : memref<24x128xf32, #tpu.memory_space<hbm>>)
        tpu.yield
      }) : () -> ()
      %scan3A_24 = arith.constant 0 : i32
      scf.yield %scan3A_24 : i32
    }
    %scan3A_8 = arith.constant 256 : i32
    return
  }
}

#map = affine_map<(d0, d1) -> (0, 0)>
module attributes {stable_mosaic.version = 14 : i64} {
  func.func @_sc_gather_body(%arg0: i32, %arg1: i32, %arg2: memref<8192x128xf32, #tpu.memory_space<hbm>>, %arg3: memref<8192x24xi32, #tpu.memory_space<hbm>>, %arg4: memref<196608x128xf32, #tpu.memory_space<hbm>>, %arg5: memref<256x24xi32, #tpu.memory_space<vmem>>, %arg6: memref<24x128xf32, #tpu.memory_space<vmem>>, %arg7: memref<!tpu.dma_semaphore, #tpu.memory_space<semaphore_mem>>) attributes {dimension_semantics = [#tpu.dimension_semantics<core_parallel>, #tpu.dimension_semantics<subcore_parallel>], iteration_bounds = array<i64: 2, 16>, scalar_prefetch = 0 : i64, scratch_operands = 3 : i64, tpu.core_type = #tpu.core_type<sc_vector_subcore>, window_params = [{transform_indices = #map}, {transform_indices = #map}, {transform_indices = #map}]} {
    %mul3A = arith.constant 2 : i32
    %mul3A_0 = arith.muli %arg1, %mul3A : i32
    %add3A = arith.addi %mul3A_0, %arg0 : i32
    %mul3A_1 = arith.constant 256 : i32
    %mul3A_2 = arith.muli %add3A, %mul3A_1 : i32
    "tpu.region"() ({
      %run_scoped3A = tpu.sem_alloc : memref<!tpu.dma_semaphore, #tpu.memory_space<semaphore_mem>>
      %dma_start3A = arith.constant 0 : i32
      %dma_start3A_9 = tpu.memref_slice %arg3[%mul3A_2, %dma_start3A] : memref<8192x24xi32, #tpu.memory_space<hbm>> -> memref<256x24xi32, #tpu.memory_space<hbm>>
      %dma_start3A_10 = arith.constant 0 : i32
      %dma_start3A_11 = tpu.memref_slice %arg3[%mul3A_2, %dma_start3A_10] : memref<8192x24xi32, #tpu.memory_space<hbm>> -> memref<256x24xi32, #tpu.memory_space<hbm>>
      tpu.enqueue_dma source(%dma_start3A_11 : memref<256x24xi32, #tpu.memory_space<hbm>>) target(%arg5 : memref<256x24xi32, #tpu.memory_space<vmem>>) target_semaphore(%run_scoped3A : memref<!tpu.dma_semaphore, #tpu.memory_space<semaphore_mem>>)
      %dma_wait3A = arith.constant 0 : i32
      %dma_wait3A_12 = tpu.memref_slice %arg3[%mul3A_2, %dma_wait3A] : memref<8192x24xi32, #tpu.memory_space<hbm>> -> memref<256x24xi32, #tpu.memory_space<hbm>>
      %dma_wait3A_13 = arith.constant 0 : i32
      %dma_wait3A_14 = tpu.memref_slice %arg3[%mul3A_2, %dma_wait3A_13] : memref<8192x24xi32, #tpu.memory_space<hbm>> -> memref<256x24xi32, #tpu.memory_space<hbm>>
      tpu.wait_dma2 semaphore(%run_scoped3A : memref<!tpu.dma_semaphore, #tpu.memory_space<semaphore_mem>>) src(%dma_wait3A_14 : memref<256x24xi32, #tpu.memory_space<hbm>>) dst(%arg5 : memref<256x24xi32, #tpu.memory_space<vmem>>)
      tpu.yield
    }) : () -> ()
    %scan3A = arith.constant 0 : i32
    %scan3A_3 = arith.constant 0 : i32
    %scan3A_4 = arith.constant 256 : i32
    %scan3A_5 = arith.addi %scan3A_3, %scan3A_4 : i32
    %scan3A_6 = arith.constant 1 : i32
    %scan3A_7 = scf.for %scan3A_9 = %scan3A_3 to %scan3A_5 step %scan3A_6 iter_args(%scan3A_10 = %scan3A) -> (i32)  : i32 {
      %dma_start3A = arith.constant 0 : i32
      %dma_start3A_11 = tpu.memref_slice %arg5[%scan3A_9, %dma_start3A] : memref<256x24xi32, #tpu.memory_space<vmem>> -> memref<1x24xi32, #tpu.memory_space<vmem>>
      %dma_start3A_12 = tpu.memref_squeeze %dma_start3A_11 : memref<1x24xi32, #tpu.memory_space<vmem>> -> memref<24xi32, #tpu.memory_space<vmem>>
      %dma_start3A_13 = arith.constant 0 : i32
      %dma_start3A_14 = arith.constant 0 : i32
      %dma_start3A_15 = tpu.memref_slice %arg2[%dma_start3A_13, %dma_start3A_14] : memref<8192x128xf32, #tpu.memory_space<hbm>> -> memref<8192x128xf32, #tpu.memory_space<hbm>>
      tpu.enqueue_indirect_dma source(%dma_start3A_15 : memref<8192x128xf32, #tpu.memory_space<hbm>>) target(%arg6 : memref<24x128xf32, #tpu.memory_space<vmem>>) offsets(%dma_start3A_12 : memref<24xi32, #tpu.memory_space<vmem>>) semaphore(%arg7 : memref<!tpu.dma_semaphore, #tpu.memory_space<semaphore_mem>>)
      %dma_wait3A = arith.constant 0 : i32
      %dma_wait3A_16 = tpu.memref_slice %arg5[%scan3A_9, %dma_wait3A] : memref<256x24xi32, #tpu.memory_space<vmem>> -> memref<1x24xi32, #tpu.memory_space<vmem>>
      %dma_wait3A_17 = tpu.memref_squeeze %dma_wait3A_16 : memref<1x24xi32, #tpu.memory_space<vmem>> -> memref<24xi32, #tpu.memory_space<vmem>>
      %dma_wait3A_18 = arith.constant 0 : i32
      %dma_wait3A_19 = arith.constant 0 : i32
      %dma_wait3A_20 = tpu.memref_slice %arg2[%dma_wait3A_18, %dma_wait3A_19] : memref<8192x128xf32, #tpu.memory_space<hbm>> -> memref<8192x128xf32, #tpu.memory_space<hbm>>
      tpu.wait_indirect_dma semaphore(%arg7 : memref<!tpu.dma_semaphore, #tpu.memory_space<semaphore_mem>>) src(%dma_wait3A_20 : memref<8192x128xf32, #tpu.memory_space<hbm>>) dst(%arg6 : memref<24x128xf32, #tpu.memory_space<vmem>>)
      %add3A_21 = arith.addi %mul3A_2, %scan3A_9 : i32
      %mul3A_22 = arith.constant 24 : i32
      %mul3A_23 = arith.muli %add3A_21, %mul3A_22 : i32
      "tpu.region"() ({
        %run_scoped3A = tpu.sem_alloc : memref<!tpu.dma_semaphore, #tpu.memory_space<semaphore_mem>>
        %dma_start3A_25 = arith.constant 0 : i32
        %dma_start3A_26 = tpu.memref_slice %arg4[%mul3A_23, %dma_start3A_25] : memref<196608x128xf32, #tpu.memory_space<hbm>> -> memref<24x128xf32, #tpu.memory_space<hbm>>
        %dma_start3A_27 = arith.constant 0 : i32
        %dma_start3A_28 = tpu.memref_slice %arg4[%mul3A_23, %dma_start3A_27] : memref<196608x128xf32, #tpu.memory_space<hbm>> -> memref<24x128xf32, #tpu.memory_space<hbm>>
        tpu.enqueue_dma source(%arg6 : memref<24x128xf32, #tpu.memory_space<vmem>>) target(%dma_start3A_28 : memref<24x128xf32, #tpu.memory_space<hbm>>) target_semaphore(%run_scoped3A : memref<!tpu.dma_semaphore, #tpu.memory_space<semaphore_mem>>)
        %dma_wait3A_29 = arith.constant 0 : i32
        %dma_wait3A_30 = tpu.memref_slice %arg4[%mul3A_23, %dma_wait3A_29] : memref<196608x128xf32, #tpu.memory_space<hbm>> -> memref<24x128xf32, #tpu.memory_space<hbm>>
        %dma_wait3A_31 = arith.constant 0 : i32
        %dma_wait3A_32 = tpu.memref_slice %arg4[%mul3A_23, %dma_wait3A_31] : memref<196608x128xf32, #tpu.memory_space<hbm>> -> memref<24x128xf32, #tpu.memory_space<hbm>>
        tpu.wait_dma2 semaphore(%run_scoped3A : memref<!tpu.dma_semaphore, #tpu.memory_space<semaphore_mem>>) src(%arg6 : memref<24x128xf32, #tpu.memory_space<vmem>>) dst(%dma_wait3A_32 : memref<24x128xf32, #tpu.memory_space<hbm>>)
        tpu.yield
      }) : () -> ()
      %scan3A_24 = arith.constant 0 : i32
      scf.yield %scan3A_24 : i32
    }
    %scan3A_8 = arith.constant 256 : i32
    return
  }
}

#map = affine_map<(d0, d1) -> (0, 0)>
module attributes {stable_mosaic.version = 14 : i64} {
  func.func @_sc_gather_body(%arg0: i32, %arg1: i32, %arg2: memref<8192x128xf32, #tpu.memory_space<hbm>>, %arg3: memref<8192x24xi32, #tpu.memory_space<hbm>>, %arg4: memref<196608x128xf32, #tpu.memory_space<hbm>>, %arg5: memref<256x24xi32, #tpu.memory_space<vmem>>, %arg6: memref<24x128xf32, #tpu.memory_space<vmem>>, %arg7: memref<!tpu.dma_semaphore, #tpu.memory_space<semaphore_mem>>) attributes {dimension_semantics = [#tpu.dimension_semantics<core_parallel>, #tpu.dimension_semantics<subcore_parallel>], iteration_bounds = array<i64: 2, 16>, scalar_prefetch = 0 : i64, scratch_operands = 3 : i64, tpu.core_type = #tpu.core_type<sc_vector_subcore>, window_params = [{transform_indices = #map}, {transform_indices = #map}, {transform_indices = #map}]} {
    %mul3A = arith.constant 2 : i32
    %mul3A_0 = arith.muli %arg1, %mul3A : i32
    %add3A = arith.addi %mul3A_0, %arg0 : i32
    %mul3A_1 = arith.constant 256 : i32
    %mul3A_2 = arith.muli %add3A, %mul3A_1 : i32
    "tpu.region"() ({
      %run_scoped3A = tpu.sem_alloc : memref<!tpu.dma_semaphore, #tpu.memory_space<semaphore_mem>>
      %dma_start3A = arith.constant 0 : i32
      %dma_start3A_9 = tpu.memref_slice %arg3[%mul3A_2, %dma_start3A] : memref<8192x24xi32, #tpu.memory_space<hbm>> -> memref<256x24xi32, #tpu.memory_space<hbm>>
      %dma_start3A_10 = arith.constant 0 : i32
      %dma_start3A_11 = tpu.memref_slice %arg3[%mul3A_2, %dma_start3A_10] : memref<8192x24xi32, #tpu.memory_space<hbm>> -> memref<256x24xi32, #tpu.memory_space<hbm>>
      tpu.enqueue_dma source(%dma_start3A_11 : memref<256x24xi32, #tpu.memory_space<hbm>>) target(%arg5 : memref<256x24xi32, #tpu.memory_space<vmem>>) target_semaphore(%run_scoped3A : memref<!tpu.dma_semaphore, #tpu.memory_space<semaphore_mem>>)
      %dma_wait3A = arith.constant 0 : i32
      %dma_wait3A_12 = tpu.memref_slice %arg3[%mul3A_2, %dma_wait3A] : memref<8192x24xi32, #tpu.memory_space<hbm>> -> memref<256x24xi32, #tpu.memory_space<hbm>>
      %dma_wait3A_13 = arith.constant 0 : i32
      %dma_wait3A_14 = tpu.memref_slice %arg3[%mul3A_2, %dma_wait3A_13] : memref<8192x24xi32, #tpu.memory_space<hbm>> -> memref<256x24xi32, #tpu.memory_space<hbm>>
      tpu.wait_dma2 semaphore(%run_scoped3A : memref<!tpu.dma_semaphore, #tpu.memory_space<semaphore_mem>>) src(%dma_wait3A_14 : memref<256x24xi32, #tpu.memory_space<hbm>>) dst(%arg5 : memref<256x24xi32, #tpu.memory_space<vmem>>)
      tpu.yield
    }) : () -> ()
    %scan3A = arith.constant 0 : i32
    %scan3A_3 = arith.constant 0 : i32
    %scan3A_4 = arith.constant 256 : i32
    %scan3A_5 = arith.addi %scan3A_3, %scan3A_4 : i32
    %scan3A_6 = arith.constant 1 : i32
    %scan3A_7 = scf.for %scan3A_9 = %scan3A_3 to %scan3A_5 step %scan3A_6 iter_args(%scan3A_10 = %scan3A) -> (i32)  : i32 {
      %dma_start3A = arith.constant 0 : i32
      %dma_start3A_11 = tpu.memref_slice %arg5[%scan3A_9, %dma_start3A] : memref<256x24xi32, #tpu.memory_space<vmem>> -> memref<1x24xi32, #tpu.memory_space<vmem>>
      %dma_start3A_12 = tpu.memref_squeeze %dma_start3A_11 : memref<1x24xi32, #tpu.memory_space<vmem>> -> memref<24xi32, #tpu.memory_space<vmem>>
      %dma_start3A_13 = arith.constant 0 : i32
      %dma_start3A_14 = arith.constant 0 : i32
      %dma_start3A_15 = tpu.memref_slice %arg2[%dma_start3A_13, %dma_start3A_14] : memref<8192x128xf32, #tpu.memory_space<hbm>> -> memref<8192x128xf32, #tpu.memory_space<hbm>>
      tpu.enqueue_indirect_dma source(%dma_start3A_15 : memref<8192x128xf32, #tpu.memory_space<hbm>>) target(%arg6 : memref<24x128xf32, #tpu.memory_space<vmem>>) offsets(%dma_start3A_12 : memref<24xi32, #tpu.memory_space<vmem>>) semaphore(%arg7 : memref<!tpu.dma_semaphore, #tpu.memory_space<semaphore_mem>>)
      %dma_wait3A = arith.constant 0 : i32
      %dma_wait3A_16 = tpu.memref_slice %arg5[%scan3A_9, %dma_wait3A] : memref<256x24xi32, #tpu.memory_space<vmem>> -> memref<1x24xi32, #tpu.memory_space<vmem>>
      %dma_wait3A_17 = tpu.memref_squeeze %dma_wait3A_16 : memref<1x24xi32, #tpu.memory_space<vmem>> -> memref<24xi32, #tpu.memory_space<vmem>>
      %dma_wait3A_18 = arith.constant 0 : i32
      %dma_wait3A_19 = arith.constant 0 : i32
      %dma_wait3A_20 = tpu.memref_slice %arg2[%dma_wait3A_18, %dma_wait3A_19] : memref<8192x128xf32, #tpu.memory_space<hbm>> -> memref<8192x128xf32, #tpu.memory_space<hbm>>
      tpu.wait_indirect_dma semaphore(%arg7 : memref<!tpu.dma_semaphore, #tpu.memory_space<semaphore_mem>>) src(%dma_wait3A_20 : memref<8192x128xf32, #tpu.memory_space<hbm>>) dst(%arg6 : memref<24x128xf32, #tpu.memory_space<vmem>>)
      %add3A_21 = arith.addi %mul3A_2, %scan3A_9 : i32
      %mul3A_22 = arith.constant 24 : i32
      %mul3A_23 = arith.muli %add3A_21, %mul3A_22 : i32
      "tpu.region"() ({
        %run_scoped3A = tpu.sem_alloc : memref<!tpu.dma_semaphore, #tpu.memory_space<semaphore_mem>>
        %dma_start3A_25 = arith.constant 0 : i32
        %dma_start3A_26 = tpu.memref_slice %arg4[%mul3A_23, %dma_start3A_25] : memref<196608x128xf32, #tpu.memory_space<hbm>> -> memref<24x128xf32, #tpu.memory_space<hbm>>
        %dma_start3A_27 = arith.constant 0 : i32
        %dma_start3A_28 = tpu.memref_slice %arg4[%mul3A_23, %dma_start3A_27] : memref<196608x128xf32, #tpu.memory_space<hbm>> -> memref<24x128xf32, #tpu.memory_space<hbm>>
        tpu.enqueue_dma source(%arg6 : memref<24x128xf32, #tpu.memory_space<vmem>>) target(%dma_start3A_28 : memref<24x128xf32, #tpu.memory_space<hbm>>) target_semaphore(%run_scoped3A : memref<!tpu.dma_semaphore, #tpu.memory_space<semaphore_mem>>)
        %dma_wait3A_29 = arith.constant 0 : i32
        %dma_wait3A_30 = tpu.memref_slice %arg4[%mul3A_23, %dma_wait3A_29] : memref<196608x128xf32, #tpu.memory_space<hbm>> -> memref<24x128xf32, #tpu.memory_space<hbm>>
        %dma_wait3A_31 = arith.constant 0 : i32
        %dma_wait3A_32 = tpu.memref_slice %arg4[%mul3A_23, %dma_wait3A_31] : memref<196608x128xf32, #tpu.memory_space<hbm>> -> memref<24x128xf32, #tpu.memory_space<hbm>>
        tpu.wait_dma2 semaphore(%run_scoped3A : memref<!tpu.dma_semaphore, #tpu.memory_space<semaphore_mem>>) src(%arg6 : memref<24x128xf32, #tpu.memory_space<vmem>>) dst(%dma_wait3A_32 : memref<24x128xf32, #tpu.memory_space<hbm>>)
        tpu.yield
      }) : () -> ()
      %scan3A_24 = arith.constant 0 : i32
      scf.yield %scan3A_24 : i32
    }
    %scan3A_8 = arith.constant 256 : i32
    return
  }
}

#map = affine_map<(d0, d1) -> (0, 0)>
module attributes {stable_mosaic.version = 14 : i64} {
  func.func @_sc_gather_body(%arg0: i32, %arg1: i32, %arg2: memref<8192x256xf32, #tpu.memory_space<hbm>>, %arg3: memref<8192x24xi32, #tpu.memory_space<hbm>>, %arg4: memref<196608x256xf32, #tpu.memory_space<hbm>>, %arg5: memref<256x24xi32, #tpu.memory_space<vmem>>, %arg6: memref<24x256xf32, #tpu.memory_space<vmem>>, %arg7: memref<!tpu.dma_semaphore, #tpu.memory_space<semaphore_mem>>) attributes {dimension_semantics = [#tpu.dimension_semantics<core_parallel>, #tpu.dimension_semantics<subcore_parallel>], iteration_bounds = array<i64: 2, 16>, scalar_prefetch = 0 : i64, scratch_operands = 3 : i64, tpu.core_type = #tpu.core_type<sc_vector_subcore>, window_params = [{transform_indices = #map}, {transform_indices = #map}, {transform_indices = #map}]} {
    %mul3A = arith.constant 2 : i32
    %mul3A_0 = arith.muli %arg1, %mul3A : i32
    %add3A = arith.addi %mul3A_0, %arg0 : i32
    %mul3A_1 = arith.constant 256 : i32
    %mul3A_2 = arith.muli %add3A, %mul3A_1 : i32
    "tpu.region"() ({
      %run_scoped3A = tpu.sem_alloc : memref<!tpu.dma_semaphore, #tpu.memory_space<semaphore_mem>>
      %dma_start3A = arith.constant 0 : i32
      %dma_start3A_9 = tpu.memref_slice %arg3[%mul3A_2, %dma_start3A] : memref<8192x24xi32, #tpu.memory_space<hbm>> -> memref<256x24xi32, #tpu.memory_space<hbm>>
      %dma_start3A_10 = arith.constant 0 : i32
      %dma_start3A_11 = tpu.memref_slice %arg3[%mul3A_2, %dma_start3A_10] : memref<8192x24xi32, #tpu.memory_space<hbm>> -> memref<256x24xi32, #tpu.memory_space<hbm>>
      tpu.enqueue_dma source(%dma_start3A_11 : memref<256x24xi32, #tpu.memory_space<hbm>>) target(%arg5 : memref<256x24xi32, #tpu.memory_space<vmem>>) target_semaphore(%run_scoped3A : memref<!tpu.dma_semaphore, #tpu.memory_space<semaphore_mem>>)
      %dma_wait3A = arith.constant 0 : i32
      %dma_wait3A_12 = tpu.memref_slice %arg3[%mul3A_2, %dma_wait3A] : memref<8192x24xi32, #tpu.memory_space<hbm>> -> memref<256x24xi32, #tpu.memory_space<hbm>>
      %dma_wait3A_13 = arith.constant 0 : i32
      %dma_wait3A_14 = tpu.memref_slice %arg3[%mul3A_2, %dma_wait3A_13] : memref<8192x24xi32, #tpu.memory_space<hbm>> -> memref<256x24xi32, #tpu.memory_space<hbm>>
      tpu.wait_dma2 semaphore(%run_scoped3A : memref<!tpu.dma_semaphore, #tpu.memory_space<semaphore_mem>>) src(%dma_wait3A_14 : memref<256x24xi32, #tpu.memory_space<hbm>>) dst(%arg5 : memref<256x24xi32, #tpu.memory_space<vmem>>)
      tpu.yield
    }) : () -> ()
    %scan3A = arith.constant 0 : i32
    %scan3A_3 = arith.constant 0 : i32
    %scan3A_4 = arith.constant 256 : i32
    %scan3A_5 = arith.addi %scan3A_3, %scan3A_4 : i32
    %scan3A_6 = arith.constant 1 : i32
    %scan3A_7 = scf.for %scan3A_9 = %scan3A_3 to %scan3A_5 step %scan3A_6 iter_args(%scan3A_10 = %scan3A) -> (i32)  : i32 {
      %dma_start3A = arith.constant 0 : i32
      %dma_start3A_11 = tpu.memref_slice %arg5[%scan3A_9, %dma_start3A] : memref<256x24xi32, #tpu.memory_space<vmem>> -> memref<1x24xi32, #tpu.memory_space<vmem>>
      %dma_start3A_12 = tpu.memref_squeeze %dma_start3A_11 : memref<1x24xi32, #tpu.memory_space<vmem>> -> memref<24xi32, #tpu.memory_space<vmem>>
      %dma_start3A_13 = arith.constant 0 : i32
      %dma_start3A_14 = arith.constant 0 : i32
      %dma_start3A_15 = tpu.memref_slice %arg2[%dma_start3A_13, %dma_start3A_14] : memref<8192x256xf32, #tpu.memory_space<hbm>> -> memref<8192x256xf32, #tpu.memory_space<hbm>>
      tpu.enqueue_indirect_dma source(%dma_start3A_15 : memref<8192x256xf32, #tpu.memory_space<hbm>>) target(%arg6 : memref<24x256xf32, #tpu.memory_space<vmem>>) offsets(%dma_start3A_12 : memref<24xi32, #tpu.memory_space<vmem>>) semaphore(%arg7 : memref<!tpu.dma_semaphore, #tpu.memory_space<semaphore_mem>>)
      %dma_wait3A = arith.constant 0 : i32
      %dma_wait3A_16 = tpu.memref_slice %arg5[%scan3A_9, %dma_wait3A] : memref<256x24xi32, #tpu.memory_space<vmem>> -> memref<1x24xi32, #tpu.memory_space<vmem>>
      %dma_wait3A_17 = tpu.memref_squeeze %dma_wait3A_16 : memref<1x24xi32, #tpu.memory_space<vmem>> -> memref<24xi32, #tpu.memory_space<vmem>>
      %dma_wait3A_18 = arith.constant 0 : i32
      %dma_wait3A_19 = arith.constant 0 : i32
      %dma_wait3A_20 = tpu.memref_slice %arg2[%dma_wait3A_18, %dma_wait3A_19] : memref<8192x256xf32, #tpu.memory_space<hbm>> -> memref<8192x256xf32, #tpu.memory_space<hbm>>
      tpu.wait_indirect_dma semaphore(%arg7 : memref<!tpu.dma_semaphore, #tpu.memory_space<semaphore_mem>>) src(%dma_wait3A_20 : memref<8192x256xf32, #tpu.memory_space<hbm>>) dst(%arg6 : memref<24x256xf32, #tpu.memory_space<vmem>>)
      %add3A_21 = arith.addi %mul3A_2, %scan3A_9 : i32
      %mul3A_22 = arith.constant 24 : i32
      %mul3A_23 = arith.muli %add3A_21, %mul3A_22 : i32
      "tpu.region"() ({
        %run_scoped3A = tpu.sem_alloc : memref<!tpu.dma_semaphore, #tpu.memory_space<semaphore_mem>>
        %dma_start3A_25 = arith.constant 0 : i32
        %dma_start3A_26 = tpu.memref_slice %arg4[%mul3A_23, %dma_start3A_25] : memref<196608x256xf32, #tpu.memory_space<hbm>> -> memref<24x256xf32, #tpu.memory_space<hbm>>
        %dma_start3A_27 = arith.constant 0 : i32
        %dma_start3A_28 = tpu.memref_slice %arg4[%mul3A_23, %dma_start3A_27] : memref<196608x256xf32, #tpu.memory_space<hbm>> -> memref<24x256xf32, #tpu.memory_space<hbm>>
        tpu.enqueue_dma source(%arg6 : memref<24x256xf32, #tpu.memory_space<vmem>>) target(%dma_start3A_28 : memref<24x256xf32, #tpu.memory_space<hbm>>) target_semaphore(%run_scoped3A : memref<!tpu.dma_semaphore, #tpu.memory_space<semaphore_mem>>)
        %dma_wait3A_29 = arith.constant 0 : i32
        %dma_wait3A_30 = tpu.memref_slice %arg4[%mul3A_23, %dma_wait3A_29] : memref<196608x256xf32, #tpu.memory_space<hbm>> -> memref<24x256xf32, #tpu.memory_space<hbm>>
        %dma_wait3A_31 = arith.constant 0 : i32
        %dma_wait3A_32 = tpu.memref_slice %arg4[%mul3A_23, %dma_wait3A_31] : memref<196608x256xf32, #tpu.memory_space<hbm>> -> memref<24x256xf32, #tpu.memory_space<hbm>>
        tpu.wait_dma2 semaphore(%run_scoped3A : memref<!tpu.dma_semaphore, #tpu.memory_space<semaphore_mem>>) src(%arg6 : memref<24x256xf32, #tpu.memory_space<vmem>>) dst(%dma_wait3A_32 : memref<24x256xf32, #tpu.memory_space<hbm>>)
        tpu.yield
      }) : () -> ()
      %scan3A_24 = arith.constant 0 : i32
      scf.yield %scan3A_24 : i32
    }
    %scan3A_8 = arith.constant 256 : i32
    return
  }
}

module attributes {stable_mosaic.version = 14 : i64} {
  func.func @_conv_body(%arg0: i32, %arg1: memref<256x128xf32, #tpu.memory_space<vmem>>, %arg2: memref<256x3072xf32, #tpu.memory_space<vmem>>, %arg3: memref<256x64xf32, #tpu.memory_space<vmem>>, %arg4: memref<256x64xf32, #tpu.memory_space<vmem>>, %arg5: memref<1x2x64xf32, #tpu.memory_space<vmem>>) attributes {dimension_semantics = [#tpu.dimension_semantics<arbitrary>], iteration_bounds = array<i64: 32>, scalar_prefetch = 0 : i64, scratch_operands = 0 : i64, tpu.core_type = #tpu.core_type<tc>, window_params = [{transform_indices = @transform_0, window_bounds = array<i64: 256, 128>}, {transform_indices = @transform_1, window_bounds = array<i64: 256, 3072>}, {pipeline_mode = #tpu.pipeline_mode<synchronous>, transform_indices = @transform_2, window_bounds = array<i64: 256, 64>}, {transform_indices = @transform_3, window_bounds = array<i64: 256, 64>}, {transform_indices = @transform_4, window_bounds = array<i64: 1, 2, 64>}]} {
    %get3A = arith.constant 0 : index
    %get3A_0 = arith.constant 0 : index
    %get3A_1 = vector.load %arg1[%get3A, %get3A_0] : memref<256x128xf32, #tpu.memory_space<vmem>>, vector<256x128xf32>
    %get3A_2 = arith.constant 0 : index
    %get3A_3 = arith.constant 0 : index
    %get3A_4 = vector.load %arg3[%get3A_2, %get3A_3] : memref<256x64xf32, #tpu.memory_space<vmem>>, vector<256x64xf32>
    %get3A_5 = arith.constant 0 : index
    %get3A_6 = arith.constant 0 : index
    %get3A_7 = vector.load %arg2[%get3A_5, %get3A_6] : memref<256x3072xf32, #tpu.memory_space<vmem>>, vector<256x128xf32>
    %sub3A = arith.subf %get3A_7, %get3A_1 : vector<256x128xf32>
    %concatenate3A = tpu.concatenate %sub3A, %get3A_1 in 1 : vector<256x128xf32>, vector<256x128xf32> -> vector<256x256xf32>
    %dot_general3A = arith.constant dense<0.000000e+00> : vector<256x64xf32>
    %dot_general3A_8 = tpu.matmul %concatenate3A, %get3A_4, %dot_general3A {dimension_numbers = #tpu.dot_dimension_numbers<[1], [0], [0], [1], [0, 0, 1, 1], [], []>, transpose_lhs_hint = false} : vector<256x256xf32>, vector<256x64xf32>, vector<256x64xf32> -> vector<256x64xf32>
    %mul3A = arith.mulf %dot_general3A_8, %dot_general3A_8 : vector<256x64xf32>
    %get3A_9 = arith.constant 0 : index
    %get3A_10 = arith.constant 128 : index
    %get3A_11 = vector.load %arg2[%get3A_9, %get3A_10] : memref<256x3072xf32, #tpu.memory_space<vmem>>, vector<256x128xf32>
    %sub3A_12 = arith.subf %get3A_11, %get3A_1 : vector<256x128xf32>
    %concatenate3A_13 = tpu.concatenate %sub3A_12, %get3A_1 in 1 : vector<256x128xf32>, vector<256x128xf32> -> vector<256x256xf32>
    %dot_general3A_14 = arith.constant dense<0.000000e+00> : vector<256x64xf32>
    %dot_general3A_15 = tpu.matmul %concatenate3A_13, %get3A_4, %dot_general3A_14 {dimension_numbers = #tpu.dot_dimension_numbers<[1], [0], [0], [1], [0, 0, 1, 1], [], []>, transpose_lhs_hint = false} : vector<256x256xf32>, vector<256x64xf32>, vector<256x64xf32> -> vector<256x64xf32>
    %max3A = arith.maximumf %dot_general3A_8, %dot_general3A_15 : vector<256x64xf32>
    %add3A = arith.addf %dot_general3A_8, %dot_general3A_15 : vector<256x64xf32>
    %mul3A_16 = arith.mulf %dot_general3A_15, %dot_general3A_15 : vector<256x64xf32>
    %add3A_17 = arith.addf %mul3A, %mul3A_16 : vector<256x64xf32>
    %get3A_18 = arith.constant 0 : index
    %get3A_19 = arith.constant 256 : index
    %get3A_20 = vector.load %arg2[%get3A_18, %get3A_19] : memref<256x3072xf32, #tpu.memory_space<vmem>>, vector<256x128xf32>
    %sub3A_21 = arith.subf %get3A_20, %get3A_1 : vector<256x128xf32>
    %concatenate3A_22 = tpu.concatenate %sub3A_21, %get3A_1 in 1 : vector<256x128xf32>, vector<256x128xf32> -> vector<256x256xf32>
    %dot_general3A_23 = arith.constant dense<0.000000e+00> : vector<256x64xf32>
    %dot_general3A_24 = tpu.matmul %concatenate3A_22, %get3A_4, %dot_general3A_23 {dimension_numbers = #tpu.dot_dimension_numbers<[1], [0], [0], [1], [0, 0, 1, 1], [], []>, transpose_lhs_hint = false} : vector<256x256xf32>, vector<256x64xf32>, vector<256x64xf32> -> vector<256x64xf32>
    %max3A_25 = arith.maximumf %max3A, %dot_general3A_24 : vector<256x64xf32>
    %add3A_26 = arith.addf %add3A, %dot_general3A_24 : vector<256x64xf32>
    %mul3A_27 = arith.mulf %dot_general3A_24, %dot_general3A_24 : vector<256x64xf32>
    %add3A_28 = arith.addf %add3A_17, %mul3A_27 : vector<256x64xf32>
    %get3A_29 = arith.constant 0 : index
    %get3A_30 = arith.constant 384 : index
    %get3A_31 = vector.load %arg2[%get3A_29, %get3A_30] : memref<256x3072xf32, #tpu.memory_space<vmem>>, vector<256x128xf32>
    %sub3A_32 = arith.subf %get3A_31, %get3A_1 : vector<256x128xf32>
    %concatenate3A_33 = tpu.concatenate %sub3A_32, %get3A_1 in 1 : vector<256x128xf32>, vector<256x128xf32> -> vector<256x256xf32>
    %dot_general3A_34 = arith.constant dense<0.000000e+00> : vector<256x64xf32>
    %dot_general3A_35 = tpu.matmul %concatenate3A_33, %get3A_4, %dot_general3A_34 {dimension_numbers = #tpu.dot_dimension_numbers<[1], [0], [0], [1], [0, 0, 1, 1], [], []>, transpose_lhs_hint = false} : vector<256x256xf32>, vector<256x64xf32>, vector<256x64xf32> -> vector<256x64xf32>
    %max3A_36 = arith.maximumf %max3A_25, %dot_general3A_35 : vector<256x64xf32>
    %add3A_37 = arith.addf %add3A_26, %dot_general3A_35 : vector<256x64xf32>
    %mul3A_38 = arith.mulf %dot_general3A_35, %dot_general3A_35 : vector<256x64xf32>
    %add3A_39 = arith.addf %add3A_28, %mul3A_38 : vector<256x64xf32>
    %get3A_40 = arith.constant 0 : index
    %get3A_41 = arith.constant 512 : index
    %get3A_42 = vector.load %arg2[%get3A_40, %get3A_41] : memref<256x3072xf32, #tpu.memory_space<vmem>>, vector<256x128xf32>
    %sub3A_43 = arith.subf %get3A_42, %get3A_1 : vector<256x128xf32>
    %concatenate3A_44 = tpu.concatenate %sub3A_43, %get3A_1 in 1 : vector<256x128xf32>, vector<256x128xf32> -> vector<256x256xf32>
    %dot_general3A_45 = arith.constant dense<0.000000e+00> : vector<256x64xf32>
    %dot_general3A_46 = tpu.matmul %concatenate3A_44, %get3A_4, %dot_general3A_45 {dimension_numbers = #tpu.dot_dimension_numbers<[1], [0], [0], [1], [0, 0, 1, 1], [], []>, transpose_lhs_hint = false} : vector<256x256xf32>, vector<256x64xf32>, vector<256x64xf32> -> vector<256x64xf32>
    %max3A_47 = arith.maximumf %max3A_36, %dot_general3A_46 : vector<256x64xf32>
    %add3A_48 = arith.addf %add3A_37, %dot_general3A_46 : vector<256x64xf32>
    %mul3A_49 = arith.mulf %dot_general3A_46, %dot_general3A_46 : vector<256x64xf32>
    %add3A_50 = arith.addf %add3A_39, %mul3A_49 : vector<256x64xf32>
    %get3A_51 = arith.constant 0 : index
    %get3A_52 = arith.constant 640 : index
    %get3A_53 = vector.load %arg2[%get3A_51, %get3A_52] : memref<256x3072xf32, #tpu.memory_space<vmem>>, vector<256x128xf32>
    %sub3A_54 = arith.subf %get3A_53, %get3A_1 : vector<256x128xf32>
    %concatenate3A_55 = tpu.concatenate %sub3A_54, %get3A_1 in 1 : vector<256x128xf32>, vector<256x128xf32> -> vector<256x256xf32>
    %dot_general3A_56 = arith.constant dense<0.000000e+00> : vector<256x64xf32>
    %dot_general3A_57 = tpu.matmul %concatenate3A_55, %get3A_4, %dot_general3A_56 {dimension_numbers = #tpu.dot_dimension_numbers<[1], [0], [0], [1], [0, 0, 1, 1], [], []>, transpose_lhs_hint = false} : vector<256x256xf32>, vector<256x64xf32>, vector<256x64xf32> -> vector<256x64xf32>
    %max3A_58 = arith.maximumf %max3A_47, %dot_general3A_57 : vector<256x64xf32>
    %add3A_59 = arith.addf %add3A_48, %dot_general3A_57 : vector<256x64xf32>
    %mul3A_60 = arith.mulf %dot_general3A_57, %dot_general3A_57 : vector<256x64xf32>
    %add3A_61 = arith.addf %add3A_50, %mul3A_60 : vector<256x64xf32>
    %get3A_62 = arith.constant 0 : index
    %get3A_63 = arith.constant 768 : index
    %get3A_64 = vector.load %arg2[%get3A_62, %get3A_63] : memref<256x3072xf32, #tpu.memory_space<vmem>>, vector<256x128xf32>
    %sub3A_65 = arith.subf %get3A_64, %get3A_1 : vector<256x128xf32>
    %concatenate3A_66 = tpu.concatenate %sub3A_65, %get3A_1 in 1 : vector<256x128xf32>, vector<256x128xf32> -> vector<256x256xf32>
    %dot_general3A_67 = arith.constant dense<0.000000e+00> : vector<256x64xf32>
    %dot_general3A_68 = tpu.matmul %concatenate3A_66, %get3A_4, %dot_general3A_67 {dimension_numbers = #tpu.dot_dimension_numbers<[1], [0], [0], [1], [0, 0, 1, 1], [], []>, transpose_lhs_hint = false} : vector<256x256xf32>, vector<256x64xf32>, vector<256x64xf32> -> vector<256x64xf32>
    %max3A_69 = arith.maximumf %max3A_58, %dot_general3A_68 : vector<256x64xf32>
    %add3A_70 = arith.addf %add3A_59, %dot_general3A_68 : vector<256x64xf32>
    %mul3A_71 = arith.mulf %dot_general3A_68, %dot_general3A_68 : vector<256x64xf32>
    %add3A_72 = arith.addf %add3A_61, %mul3A_71 : vector<256x64xf32>
    %get3A_73 = arith.constant 0 : index
    %get3A_74 = arith.constant 896 : index
    %get3A_75 = vector.load %arg2[%get3A_73, %get3A_74] : memref<256x3072xf32, #tpu.memory_space<vmem>>, vector<256x128xf32>
    %sub3A_76 = arith.subf %get3A_75, %get3A_1 : vector<256x128xf32>
    %concatenate3A_77 = tpu.concatenate %sub3A_76, %get3A_1 in 1 : vector<256x128xf32>, vector<256x128xf32> -> vector<256x256xf32>
    %dot_general3A_78 = arith.constant dense<0.000000e+00> : vector<256x64xf32>
    %dot_general3A_79 = tpu.matmul %concatenate3A_77, %get3A_4, %dot_general3A_78 {dimension_numbers = #tpu.dot_dimension_numbers<[1], [0], [0], [1], [0, 0, 1, 1], [], []>, transpose_lhs_hint = false} : vector<256x256xf32>, vector<256x64xf32>, vector<256x64xf32> -> vector<256x64xf32>
    %max3A_80 = arith.maximumf %max3A_69, %dot_general3A_79 : vector<256x64xf32>
    %add3A_81 = arith.addf %add3A_70, %dot_general3A_79 : vector<256x64xf32>
    %mul3A_82 = arith.mulf %dot_general3A_79, %dot_general3A_79 : vector<256x64xf32>
    %add3A_83 = arith.addf %add3A_72, %mul3A_82 : vector<256x64xf32>
    %get3A_84 = arith.constant 0 : index
    %get3A_85 = arith.constant 1024 : index
    %get3A_86 = vector.load %arg2[%get3A_84, %get3A_85] : memref<256x3072xf32, #tpu.memory_space<vmem>>, vector<256x128xf32>
    %sub3A_87 = arith.subf %get3A_86, %get3A_1 : vector<256x128xf32>
    %concatenate3A_88 = tpu.concatenate %sub3A_87, %get3A_1 in 1 : vector<256x128xf32>, vector<256x128xf32> -> vector<256x256xf32>
    %dot_general3A_89 = arith.constant dense<0.000000e+00> : vector<256x64xf32>
    %dot_general3A_90 = tpu.matmul %concatenate3A_88, %get3A_4, %dot_general3A_89 {dimension_numbers = #tpu.dot_dimension_numbers<[1], [0], [0], [1], [0, 0, 1, 1], [], []>, transpose_lhs_hint = false} : vector<256x256xf32>, vector<256x64xf32>, vector<256x64xf32> -> vector<256x64xf32>
    %max3A_91 = arith.maximumf %max3A_80, %dot_general3A_90 : vector<256x64xf32>
    %add3A_92 = arith.addf %add3A_81, %dot_general3A_90 : vector<256x64xf32>
    %mul3A_93 = arith.mulf %dot_general3A_90, %dot_general3A_90 : vector<256x64xf32>
    %add3A_94 = arith.addf %add3A_83, %mul3A_93 : vector<256x64xf32>
    %get3A_95 = arith.constant 0 : index
    %get3A_96 = arith.constant 1152 : index
    %get3A_97 = vector.load %arg2[%get3A_95, %get3A_96] : memref<256x3072xf32, #tpu.memory_space<vmem>>, vector<256x128xf32>
    %sub3A_98 = arith.subf %get3A_97, %get3A_1 : vector<256x128xf32>
    %concatenate3A_99 = tpu.concatenate %sub3A_98, %get3A_1 in 1 : vector<256x128xf32>, vector<256x128xf32> -> vector<256x256xf32>
    %dot_general3A_100 = arith.constant dense<0.000000e+00> : vector<256x64xf32>
    %dot_general3A_101 = tpu.matmul %concatenate3A_99, %get3A_4, %dot_general3A_100 {dimension_numbers = #tpu.dot_dimension_numbers<[1], [0], [0], [1], [0, 0, 1, 1], [], []>, transpose_lhs_hint = false} : vector<256x256xf32>, vector<256x64xf32>, vector<256x64xf32> -> vector<256x64xf32>
    %max3A_102 = arith.maximumf %max3A_91, %dot_general3A_101 : vector<256x64xf32>
    %add3A_103 = arith.addf %add3A_92, %dot_general3A_101 : vector<256x64xf32>
    %mul3A_104 = arith.mulf %dot_general3A_101, %dot_general3A_101 : vector<256x64xf32>
    %add3A_105 = arith.addf %add3A_94, %mul3A_104 : vector<256x64xf32>
    %get3A_106 = arith.constant 0 : index
    %get3A_107 = arith.constant 1280 : index
    %get3A_108 = vector.load %arg2[%get3A_106, %get3A_107] : memref<256x3072xf32, #tpu.memory_space<vmem>>, vector<256x128xf32>
    %sub3A_109 = arith.subf %get3A_108, %get3A_1 : vector<256x128xf32>
    %concatenate3A_110 = tpu.concatenate %sub3A_109, %get3A_1 in 1 : vector<256x128xf32>, vector<256x128xf32> -> vector<256x256xf32>
    %dot_general3A_111 = arith.constant dense<0.000000e+00> : vector<256x64xf32>
    %dot_general3A_112 = tpu.matmul %concatenate3A_110, %get3A_4, %dot_general3A_111 {dimension_numbers = #tpu.dot_dimension_numbers<[1], [0], [0], [1], [0, 0, 1, 1], [], []>, transpose_lhs_hint = false} : vector<256x256xf32>, vector<256x64xf32>, vector<256x64xf32> -> vector<256x64xf32>
    %max3A_113 = arith.maximumf %max3A_102, %dot_general3A_112 : vector<256x64xf32>
    %add3A_114 = arith.addf %add3A_103, %dot_general3A_112 : vector<256x64xf32>
    %mul3A_115 = arith.mulf %dot_general3A_112, %dot_general3A_112 : vector<256x64xf32>
    %add3A_116 = arith.addf %add3A_105, %mul3A_115 : vector<256x64xf32>
    %get3A_117 = arith.constant 0 : index
    %get3A_118 = arith.constant 1408 : index
    %get3A_119 = vector.load %arg2[%get3A_117, %get3A_118] : memref<256x3072xf32, #tpu.memory_space<vmem>>, vector<256x128xf32>
    %sub3A_120 = arith.subf %get3A_119, %get3A_1 : vector<256x128xf32>
    %concatenate3A_121 = tpu.concatenate %sub3A_120, %get3A_1 in 1 : vector<256x128xf32>, vector<256x128xf32> -> vector<256x256xf32>
    %dot_general3A_122 = arith.constant dense<0.000000e+00> : vector<256x64xf32>
    %dot_general3A_123 = tpu.matmul %concatenate3A_121, %get3A_4, %dot_general3A_122 {dimension_numbers = #tpu.dot_dimension_numbers<[1], [0], [0], [1], [0, 0, 1, 1], [], []>, transpose_lhs_hint = false} : vector<256x256xf32>, vector<256x64xf32>, vector<256x64xf32> -> vector<256x64xf32>
    %max3A_124 = arith.maximumf %max3A_113, %dot_general3A_123 : vector<256x64xf32>
    %add3A_125 = arith.addf %add3A_114, %dot_general3A_123 : vector<256x64xf32>
    %mul3A_126 = arith.mulf %dot_general3A_123, %dot_general3A_123 : vector<256x64xf32>
    %add3A_127 = arith.addf %add3A_116, %mul3A_126 : vector<256x64xf32>
    %get3A_128 = arith.constant 0 : index
    %get3A_129 = arith.constant 1536 : index
    %get3A_130 = vector.load %arg2[%get3A_128, %get3A_129] : memref<256x3072xf32, #tpu.memory_space<vmem>>, vector<256x128xf32>
    %sub3A_131 = arith.subf %get3A_130, %get3A_1 : vector<256x128xf32>
    %concatenate3A_132 = tpu.concatenate %sub3A_131, %get3A_1 in 1 : vector<256x128xf32>, vector<256x128xf32> -> vector<256x256xf32>
    %dot_general3A_133 = arith.constant dense<0.000000e+00> : vector<256x64xf32>
    %dot_general3A_134 = tpu.matmul %concatenate3A_132, %get3A_4, %dot_general3A_133 {dimension_numbers = #tpu.dot_dimension_numbers<[1], [0], [0], [1], [0, 0, 1, 1], [], []>, transpose_lhs_hint = false} : vector<256x256xf32>, vector<256x64xf32>, vector<256x64xf32> -> vector<256x64xf32>
    %max3A_135 = arith.maximumf %max3A_124, %dot_general3A_134 : vector<256x64xf32>
    %add3A_136 = arith.addf %add3A_125, %dot_general3A_134 : vector<256x64xf32>
    %mul3A_137 = arith.mulf %dot_general3A_134, %dot_general3A_134 : vector<256x64xf32>
    %add3A_138 = arith.addf %add3A_127, %mul3A_137 : vector<256x64xf32>
    %get3A_139 = arith.constant 0 : index
    %get3A_140 = arith.constant 1664 : index
    %get3A_141 = vector.load %arg2[%get3A_139, %get3A_140] : memref<256x3072xf32, #tpu.memory_space<vmem>>, vector<256x128xf32>
    %sub3A_142 = arith.subf %get3A_141, %get3A_1 : vector<256x128xf32>
    %concatenate3A_143 = tpu.concatenate %sub3A_142, %get3A_1 in 1 : vector<256x128xf32>, vector<256x128xf32> -> vector<256x256xf32>
    %dot_general3A_144 = arith.constant dense<0.000000e+00> : vector<256x64xf32>
    %dot_general3A_145 = tpu.matmul %concatenate3A_143, %get3A_4, %dot_general3A_144 {dimension_numbers = #tpu.dot_dimension_numbers<[1], [0], [0], [1], [0, 0, 1, 1], [], []>, transpose_lhs_hint = false} : vector<256x256xf32>, vector<256x64xf32>, vector<256x64xf32> -> vector<256x64xf32>
    %max3A_146 = arith.maximumf %max3A_135, %dot_general3A_145 : vector<256x64xf32>
    %add3A_147 = arith.addf %add3A_136, %dot_general3A_145 : vector<256x64xf32>
    %mul3A_148 = arith.mulf %dot_general3A_145, %dot_general3A_145 : vector<256x64xf32>
    %add3A_149 = arith.addf %add3A_138, %mul3A_148 : vector<256x64xf32>
    %get3A_150 = arith.constant 0 : index
    %get3A_151 = arith.constant 1792 : index
    %get3A_152 = vector.load %arg2[%get3A_150, %get3A_151] : memref<256x3072xf32, #tpu.memory_space<vmem>>, vector<256x128xf32>
    %sub3A_153 = arith.subf %get3A_152, %get3A_1 : vector<256x128xf32>
    %concatenate3A_154 = tpu.concatenate %sub3A_153, %get3A_1 in 1 : vector<256x128xf32>, vector<256x128xf32> -> vector<256x256xf32>
    %dot_general3A_155 = arith.constant dense<0.000000e+00> : vector<256x64xf32>
    %dot_general3A_156 = tpu.matmul %concatenate3A_154, %get3A_4, %dot_general3A_155 {dimension_numbers = #tpu.dot_dimension_numbers<[1], [0], [0], [1], [0, 0, 1, 1], [], []>, transpose_lhs_hint = false} : vector<256x256xf32>, vector<256x64xf32>, vector<256x64xf32> -> vector<256x64xf32>
    %max3A_157 = arith.maximumf %max3A_146, %dot_general3A_156 : vector<256x64xf32>
    %add3A_158 = arith.addf %add3A_147, %dot_general3A_156 : vector<256x64xf32>
    %mul3A_159 = arith.mulf %dot_general3A_156, %dot_general3A_156 : vector<256x64xf32>
    %add3A_160 = arith.addf %add3A_149, %mul3A_159 : vector<256x64xf32>
    %get3A_161 = arith.constant 0 : index
    %get3A_162 = arith.constant 1920 : index
    %get3A_163 = vector.load %arg2[%get3A_161, %get3A_162] : memref<256x3072xf32, #tpu.memory_space<vmem>>, vector<256x128xf32>
    %sub3A_164 = arith.subf %get3A_163, %get3A_1 : vector<256x128xf32>
    %concatenate3A_165 = tpu.concatenate %sub3A_164, %get3A_1 in 1 : vector<256x128xf32>, vector<256x128xf32> -> vector<256x256xf32>
    %dot_general3A_166 = arith.constant dense<0.000000e+00> : vector<256x64xf32>
    %dot_general3A_167 = tpu.matmul %concatenate3A_165, %get3A_4, %dot_general3A_166 {dimension_numbers = #tpu.dot_dimension_numbers<[1], [0], [0], [1], [0, 0, 1, 1], [], []>, transpose_lhs_hint = false} : vector<256x256xf32>, vector<256x64xf32>, vector<256x64xf32> -> vector<256x64xf32>
    %max3A_168 = arith.maximumf %max3A_157, %dot_general3A_167 : vector<256x64xf32>
    %add3A_169 = arith.addf %add3A_158, %dot_general3A_167 : vector<256x64xf32>
    %mul3A_170 = arith.mulf %dot_general3A_167, %dot_general3A_167 : vector<256x64xf32>
    %add3A_171 = arith.addf %add3A_160, %mul3A_170 : vector<256x64xf32>
    %get3A_172 = arith.constant 0 : index
    %get3A_173 = arith.constant 2048 : index
    %get3A_174 = vector.load %arg2[%get3A_172, %get3A_173] : memref<256x3072xf32, #tpu.memory_space<vmem>>, vector<256x128xf32>
    %sub3A_175 = arith.subf %get3A_174, %get3A_1 : vector<256x128xf32>
    %concatenate3A_176 = tpu.concatenate %sub3A_175, %get3A_1 in 1 : vector<256x128xf32>, vector<256x128xf32> -> vector<256x256xf32>
    %dot_general3A_177 = arith.constant dense<0.000000e+00> : vector<256x64xf32>
    %dot_general3A_178 = tpu.matmul %concatenate3A_176, %get3A_4, %dot_general3A_177 {dimension_numbers = #tpu.dot_dimension_numbers<[1], [0], [0], [1], [0, 0, 1, 1], [], []>, transpose_lhs_hint = false} : vector<256x256xf32>, vector<256x64xf32>, vector<256x64xf32> -> vector<256x64xf32>
    %max3A_179 = arith.maximumf %max3A_168, %dot_general3A_178 : vector<256x64xf32>
    %add3A_180 = arith.addf %add3A_169, %dot_general3A_178 : vector<256x64xf32>
    %mul3A_181 = arith.mulf %dot_general3A_178, %dot_general3A_178 : vector<256x64xf32>
    %add3A_182 = arith.addf %add3A_171, %mul3A_181 : vector<256x64xf32>
    %get3A_183 = arith.constant 0 : index
    %get3A_184 = arith.constant 2176 : index
    %get3A_185 = vector.load %arg2[%get3A_183, %get3A_184] : memref<256x3072xf32, #tpu.memory_space<vmem>>, vector<256x128xf32>
    %sub3A_186 = arith.subf %get3A_185, %get3A_1 : vector<256x128xf32>
    %concatenate3A_187 = tpu.concatenate %sub3A_186, %get3A_1 in 1 : vector<256x128xf32>, vector<256x128xf32> -> vector<256x256xf32>
    %dot_general3A_188 = arith.constant dense<0.000000e+00> : vector<256x64xf32>
    %dot_general3A_189 = tpu.matmul %concatenate3A_187, %get3A_4, %dot_general3A_188 {dimension_numbers = #tpu.dot_dimension_numbers<[1], [0], [0], [1], [0, 0, 1, 1], [], []>, transpose_lhs_hint = false} : vector<256x256xf32>, vector<256x64xf32>, vector<256x64xf32> -> vector<256x64xf32>
    %max3A_190 = arith.maximumf %max3A_179, %dot_general3A_189 : vector<256x64xf32>
    %add3A_191 = arith.addf %add3A_180, %dot_general3A_189 : vector<256x64xf32>
    %mul3A_192 = arith.mulf %dot_general3A_189, %dot_general3A_189 : vector<256x64xf32>
    %add3A_193 = arith.addf %add3A_182, %mul3A_192 : vector<256x64xf32>
    %get3A_194 = arith.constant 0 : index
    %get3A_195 = arith.constant 2304 : index
    %get3A_196 = vector.load %arg2[%get3A_194, %get3A_195] : memref<256x3072xf32, #tpu.memory_space<vmem>>, vector<256x128xf32>
    %sub3A_197 = arith.subf %get3A_196, %get3A_1 : vector<256x128xf32>
    %concatenate3A_198 = tpu.concatenate %sub3A_197, %get3A_1 in 1 : vector<256x128xf32>, vector<256x128xf32> -> vector<256x256xf32>
    %dot_general3A_199 = arith.constant dense<0.000000e+00> : vector<256x64xf32>
    %dot_general3A_200 = tpu.matmul %concatenate3A_198, %get3A_4, %dot_general3A_199 {dimension_numbers = #tpu.dot_dimension_numbers<[1], [0], [0], [1], [0, 0, 1, 1], [], []>, transpose_lhs_hint = false} : vector<256x256xf32>, vector<256x64xf32>, vector<256x64xf32> -> vector<256x64xf32>
    %max3A_201 = arith.maximumf %max3A_190, %dot_general3A_200 : vector<256x64xf32>
    %add3A_202 = arith.addf %add3A_191, %dot_general3A_200 : vector<256x64xf32>
    %mul3A_203 = arith.mulf %dot_general3A_200, %dot_general3A_200 : vector<256x64xf32>
    %add3A_204 = arith.addf %add3A_193, %mul3A_203 : vector<256x64xf32>
    %get3A_205 = arith.constant 0 : index
    %get3A_206 = arith.constant 2432 : index
    %get3A_207 = vector.load %arg2[%get3A_205, %get3A_206] : memref<256x3072xf32, #tpu.memory_space<vmem>>, vector<256x128xf32>
    %sub3A_208 = arith.subf %get3A_207, %get3A_1 : vector<256x128xf32>
    %concatenate3A_209 = tpu.concatenate %sub3A_208, %get3A_1 in 1 : vector<256x128xf32>, vector<256x128xf32> -> vector<256x256xf32>
    %dot_general3A_210 = arith.constant dense<0.000000e+00> : vector<256x64xf32>
    %dot_general3A_211 = tpu.matmul %concatenate3A_209, %get3A_4, %dot_general3A_210 {dimension_numbers = #tpu.dot_dimension_numbers<[1], [0], [0], [1], [0, 0, 1, 1], [], []>, transpose_lhs_hint = false} : vector<256x256xf32>, vector<256x64xf32>, vector<256x64xf32> -> vector<256x64xf32>
    %max3A_212 = arith.maximumf %max3A_201, %dot_general3A_211 : vector<256x64xf32>
    %add3A_213 = arith.addf %add3A_202, %dot_general3A_211 : vector<256x64xf32>
    %mul3A_214 = arith.mulf %dot_general3A_211, %dot_general3A_211 : vector<256x64xf32>
    %add3A_215 = arith.addf %add3A_204, %mul3A_214 : vector<256x64xf32>
    %swap3A = arith.constant 0 : index
    %swap3A_216 = arith.constant 0 : index
    %swap3A_217 = vector.load %arg4[%swap3A, %swap3A_216] : memref<256x64xf32, #tpu.memory_space<vmem>>, vector<256x64xf32>
    tpu.vector_store %arg4[%swap3A, %swap3A_216], %max3A_212 {strides = array<i32>} : memref<256x64xf32, #tpu.memory_space<vmem>>, vector<256x64xf32>,
    %reduce_sum3A = arith.constant dense<0.000000e+00> : vector<64xf32>
    %reduce_sum3A_218 = vector.multi_reduction <add>, %add3A_213, %reduce_sum3A [0] : vector<256x64xf32> to vector<64xf32>
    %swap3A_219 = arith.constant 0 : index
    %swap3A_220 = arith.constant 0 : index
    %swap3A_221 = arith.constant 0 : index
    %swap3A_222 = vector.load %arg5[%swap3A_219, %swap3A_220, %swap3A_221] : memref<1x2x64xf32, #tpu.memory_space<vmem>>, vector<1x1x64xf32>
    %swap3A_223 = vector.shape_cast %swap3A_222 : vector<1x1x64xf32> to vector<64xf32>
    %swap3A_224 = vector.shape_cast %reduce_sum3A_218 : vector<64xf32> to vector<1x1x64xf32>
    tpu.vector_store %arg5[%swap3A_219, %swap3A_220, %swap3A_221], %swap3A_224 {strides = array<i32>} : memref<1x2x64xf32, #tpu.memory_space<vmem>>, vector<1x1x64xf32>,
    %reduce_sum3A_225 = arith.constant dense<0.000000e+00> : vector<64xf32>
    %reduce_sum3A_226 = vector.multi_reduction <add>, %add3A_215, %reduce_sum3A_225 [0] : vector<256x64xf32> to vector<64xf32>
    %swap3A_227 = arith.constant 0 : index
    %swap3A_228 = arith.constant 1 : index
    %swap3A_229 = arith.constant 0 : index
    %swap3A_230 = vector.load %arg5[%swap3A_227, %swap3A_228, %swap3A_229] : memref<1x2x64xf32, #tpu.memory_space<vmem>>, vector<1x1x64xf32>
    %swap3A_231 = vector.shape_cast %swap3A_230 : vector<1x1x64xf32> to vector<64xf32>
    %swap3A_232 = vector.shape_cast %reduce_sum3A_226 : vector<64xf32> to vector<1x1x64xf32>
    tpu.vector_store %arg5[%swap3A_227, %swap3A_228, %swap3A_229], %swap3A_232 {strides = array<i32>} : memref<1x2x64xf32, #tpu.memory_space<vmem>>, vector<1x1x64xf32>,
    return
  }
  func.func @transform_0(%arg0: i32) -> (i32, i32) {
    %c0_i32 = arith.constant 0 : i32
    %c0_i32_0 = arith.constant 0 : i32
    return %arg0, %c0_i32 : i32, i32
  }
  func.func @transform_1(%arg0: i32) -> (i32, i32) {
    %c0_i32 = arith.constant 0 : i32
    %c0_i32_0 = arith.constant 0 : i32
    return %arg0, %c0_i32 : i32, i32
  }
  func.func @transform_2(%arg0: i32) -> (i32, i32) {
    %c0_i32 = arith.constant 0 : i32
    %c0_i32_0 = arith.constant 0 : i32
    %c0_i32_1 = arith.constant 0 : i32
    return %c0_i32, %c0_i32_0 : i32, i32
  }
  func.func @transform_3(%arg0: i32) -> (i32, i32) {
    %c0_i32 = arith.constant 0 : i32
    %c0_i32_0 = arith.constant 0 : i32
    return %arg0, %c0_i32 : i32, i32
  }
  func.func @transform_4(%arg0: i32) -> (i32, i32, i32) {
    %c0_i32 = arith.constant 0 : i32
    %c0_i32_0 = arith.constant 0 : i32
    %c0_i32_1 = arith.constant 0 : i32
    return %arg0, %c0_i32, %c0_i32_0 : i32, i32, i32
  }
}

module attributes {stable_mosaic.version = 14 : i64} {
  func.func @_topk_body(%arg0: i32, %arg1: i32, %arg2: memref<1x256x128xf32, #tpu.memory_space<vmem>>, %arg3: memref<1x1024x128xf32, #tpu.memory_space<vmem>>, %arg4: memref<1x256x24xi32, #tpu.memory_space<vmem>>) attributes {dimension_semantics = [#tpu.dimension_semantics<arbitrary>, #tpu.dimension_semantics<arbitrary>], iteration_bounds = array<i64: 8, 4>, scalar_prefetch = 0 : i64, scratch_operands = 0 : i64, tpu.core_type = #tpu.core_type<tc>, window_params = [{transform_indices = @transform_0, window_bounds = array<i64: 1, 256, 128>}, {transform_indices = @transform_1, window_bounds = array<i64: 1, 1024, 128>}, {transform_indices = @transform_2, window_bounds = array<i64: 1, 256, 24>}]} {
    %get3A = arith.constant 0 : index
    %get3A_0 = arith.constant 0 : index
    %get3A_1 = arith.constant 0 : index
    %get3A_2 = vector.load %arg2[%get3A, %get3A_0, %get3A_1] : memref<1x256x128xf32, #tpu.memory_space<vmem>>, vector<1x256x128xf32>
    %get3A_3 = vector.shape_cast %get3A_2 : vector<1x256x128xf32> to vector<256x128xf32>
    %get3A_4 = arith.constant 0 : index
    %get3A_5 = arith.constant 0 : index
    %get3A_6 = arith.constant 0 : index
    %get3A_7 = vector.load %arg3[%get3A_4, %get3A_5, %get3A_6] : memref<1x1024x128xf32, #tpu.memory_space<vmem>>, vector<1x1024x128xf32>
    %get3A_8 = vector.shape_cast %get3A_7 : vector<1x1024x128xf32> to vector<1024x128xf32>
    %dot_general3A = arith.constant dense<0.000000e+00> : vector<256x1024xf32>
    %dot_general3A_9 = tpu.matmul %get3A_3, %get3A_8, %dot_general3A {dimension_numbers = #tpu.dot_dimension_numbers<[1], [1], [0], [0], [0, 0, 1, 0], [], []>, transpose_lhs_hint = false} : vector<256x128xf32>, vector<1024x128xf32>, vector<256x1024xf32> -> vector<256x1024xf32>
    %mul3A = arith.constant -2.000000e+00 : f32
    %mul3A_10 = vector.broadcast %mul3A : f32 to vector<256x1024xf32>
    %mul3A_11 = arith.mulf %mul3A_10, %dot_general3A_9 : vector<256x1024xf32>
    %mul3A_12 = arith.mulf %get3A_3, %get3A_3 : vector<256x128xf32>
    %reduce_sum3A = arith.constant dense<0.000000e+00> : vector<256xf32>
    %reduce_sum3A_13 = vector.multi_reduction <add>, %mul3A_12, %reduce_sum3A [1] : vector<256x128xf32> to vector<256xf32>
    %broadcast_in_dim3A = vector.shape_cast %reduce_sum3A_13 : vector<256xf32> to vector<256x1xf32>
    %mul3A_14 = arith.mulf %get3A_8, %get3A_8 : vector<1024x128xf32>
    %reduce_sum3A_15 = arith.constant dense<0.000000e+00> : vector<1024xf32>
    %reduce_sum3A_16 = vector.multi_reduction <add>, %mul3A_14, %reduce_sum3A_15 [1] : vector<1024x128xf32> to vector<1024xf32>
    %broadcast_in_dim3A_17 = vector.shape_cast %reduce_sum3A_16 : vector<1024xf32> to vector<1024x1xf32>
    %neg3A = arith.constant 0.000000e+00 : f32
    %neg3A_18 = vector.broadcast %neg3A : f32 to vector<256x1xf32>
    %neg3A_19 = arith.subf %neg3A_18, %broadcast_in_dim3A : vector<256x1xf32>
    %sub3A = vector.broadcast %neg3A_19 : vector<256x1xf32> to vector<256x1024xf32>
    %sub3A_20 = arith.subf %sub3A, %mul3A_11 : vector<256x1024xf32>
    %transpose3A = tpu.transpose %broadcast_in_dim3A_17, [1, 0] : vector<1024x1xf32> -> vector<1x1024xf32>
    %sub3A_21 = vector.broadcast %transpose3A : vector<1x1024xf32> to vector<256x1024xf32>
    %sub3A_22 = arith.subf %sub3A_20, %sub3A_21 : vector<256x1024xf32>
    %iota3A = tpu.iota {dimensions = array<i32: 1>} : vector<256x1024xi32>
    %reduce_max3A = arith.constant dense<0xFF800000> : vector<256xf32>
    %reduce_max3A_23 = vector.multi_reduction <maximumf>, %sub3A_22, %reduce_max3A [1] : vector<256x1024xf32> to vector<256xf32>
    %broadcast_in_dim3A_24 = vector.shape_cast %reduce_max3A_23 : vector<256xf32> to vector<256x1xf32>
    %ge3A = vector.broadcast %broadcast_in_dim3A_24 : vector<256x1xf32> to vector<256x1024xf32>
    %ge3A_25 = arith.cmpf oge, %sub3A_22, %ge3A : vector<256x1024xf32>
    %jit3A = arith.constant 1024 : i32
    %broadcast_in_dim3A_26 = vector.broadcast %jit3A : i32 to vector<256x1024xi32>
    %select_n3A = arith.select %ge3A_25, %iota3A, %broadcast_in_dim3A_26 : vector<256x1024xi1>, vector<256x1024xi32>
    %reduce_min3A = arith.constant dense<2147483647> : vector<256xi32>
    %reduce_min3A_27 = vector.multi_reduction <minsi>, %select_n3A, %reduce_min3A [1] : vector<256x1024xi32> to vector<256xi32>
    %broadcast_in_dim3A_28 = vector.shape_cast %reduce_min3A_27 : vector<256xi32> to vector<256x1xi32>
    %eq3A = vector.broadcast %broadcast_in_dim3A_28 : vector<256x1xi32> to vector<256x1024xi32>
    %eq3A_29 = arith.cmpi eq, %iota3A, %eq3A : vector<256x1024xi32>
    %jit3A_30 = arith.constant 0xFF800000 : f32
    %broadcast_in_dim3A_31 = vector.broadcast %jit3A_30 : f32 to vector<256x1024xf32>
    %select_n3A_32 = arith.select %eq3A_29, %broadcast_in_dim3A_31, %sub3A_22 : vector<256x1024xi1>, vector<256x1024xf32>
    %reduce_max3A_33 = arith.constant dense<0xFF800000> : vector<256xf32>
    %reduce_max3A_34 = vector.multi_reduction <maximumf>, %select_n3A_32, %reduce_max3A_33 [1] : vector<256x1024xf32> to vector<256xf32>
    %broadcast_in_dim3A_35 = vector.shape_cast %reduce_max3A_34 : vector<256xf32> to vector<256x1xf32>
    %ge3A_36 = vector.broadcast %broadcast_in_dim3A_35 : vector<256x1xf32> to vector<256x1024xf32>
    %ge3A_37 = arith.cmpf oge, %select_n3A_32, %ge3A_36 : vector<256x1024xf32>
    %jit3A_38 = arith.constant 1024 : i32
    %broadcast_in_dim3A_39 = vector.broadcast %jit3A_38 : i32 to vector<256x1024xi32>
    %select_n3A_40 = arith.select %ge3A_37, %iota3A, %broadcast_in_dim3A_39 : vector<256x1024xi1>, vector<256x1024xi32>
    %reduce_min3A_41 = arith.constant dense<2147483647> : vector<256xi32>
    %reduce_min3A_42 = vector.multi_reduction <minsi>, %select_n3A_40, %reduce_min3A_41 [1] : vector<256x1024xi32> to vector<256xi32>
    %broadcast_in_dim3A_43 = vector.shape_cast %reduce_min3A_42 : vector<256xi32> to vector<256x1xi32>
    %eq3A_44 = vector.broadcast %broadcast_in_dim3A_43 : vector<256x1xi32> to vector<256x1024xi32>
    %eq3A_45 = arith.cmpi eq, %iota3A, %eq3A_44 : vector<256x1024xi32>
    %jit3A_46 = arith.constant 0xFF800000 : f32
    %broadcast_in_dim3A_47 = vector.broadcast %jit3A_46 : f32 to vector<256x1024xf32>
    %select_n3A_48 = arith.select %eq3A_45, %broadcast_in_dim3A_47, %select_n3A_32 : vector<256x1024xi1>, vector<256x1024xf32>
    %reduce_max3A_49 = arith.constant dense<0xFF800000> : vector<256xf32>
    %reduce_max3A_50 = vector.multi_reduction <maximumf>, %select_n3A_48, %reduce_max3A_49 [1] : vector<256x1024xf32> to vector<256xf32>
    %broadcast_in_dim3A_51 = vector.shape_cast %reduce_max3A_50 : vector<256xf32> to vector<256x1xf32>
    %ge3A_52 = vector.broadcast %broadcast_in_dim3A_51 : vector<256x1xf32> to vector<256x1024xf32>
    %ge3A_53 = arith.cmpf oge, %select_n3A_48, %ge3A_52 : vector<256x1024xf32>
    %jit3A_54 = arith.constant 1024 : i32
    %broadcast_in_dim3A_55 = vector.broadcast %jit3A_54 : i32 to vector<256x1024xi32>
    %select_n3A_56 = arith.select %ge3A_53, %iota3A, %broadcast_in_dim3A_55 : vector<256x1024xi1>, vector<256x1024xi32>
    %reduce_min3A_57 = arith.constant dense<2147483647> : vector<256xi32>
    %reduce_min3A_58 = vector.multi_reduction <minsi>, %select_n3A_56, %reduce_min3A_57 [1] : vector<256x1024xi32> to vector<256xi32>
    %broadcast_in_dim3A_59 = vector.shape_cast %reduce_min3A_58 : vector<256xi32> to vector<256x1xi32>
    %eq3A_60 = vector.broadcast %broadcast_in_dim3A_59 : vector<256x1xi32> to vector<256x1024xi32>
    %eq3A_61 = arith.cmpi eq, %iota3A, %eq3A_60 : vector<256x1024xi32>
    %jit3A_62 = arith.constant 0xFF800000 : f32
    %broadcast_in_dim3A_63 = vector.broadcast %jit3A_62 : f32 to vector<256x1024xf32>
    %select_n3A_64 = arith.select %eq3A_61, %broadcast_in_dim3A_63, %select_n3A_48 : vector<256x1024xi1>, vector<256x1024xf32>
    %reduce_max3A_65 = arith.constant dense<0xFF800000> : vector<256xf32>
    %reduce_max3A_66 = vector.multi_reduction <maximumf>, %select_n3A_64, %reduce_max3A_65 [1] : vector<256x1024xf32> to vector<256xf32>
    %broadcast_in_dim3A_67 = vector.shape_cast %reduce_max3A_66 : vector<256xf32> to vector<256x1xf32>
    %ge3A_68 = vector.broadcast %broadcast_in_dim3A_67 : vector<256x1xf32> to vector<256x1024xf32>
    %ge3A_69 = arith.cmpf oge, %select_n3A_64, %ge3A_68 : vector<256x1024xf32>
    %jit3A_70 = arith.constant 1024 : i32
    %broadcast_in_dim3A_71 = vector.broadcast %jit3A_70 : i32 to vector<256x1024xi32>
    %select_n3A_72 = arith.select %ge3A_69, %iota3A, %broadcast_in_dim3A_71 : vector<256x1024xi1>, vector<256x1024xi32>
    %reduce_min3A_73 = arith.constant dense<2147483647> : vector<256xi32>
    %reduce_min3A_74 = vector.multi_reduction <minsi>, %select_n3A_72, %reduce_min3A_73 [1] : vector<256x1024xi32> to vector<256xi32>
    %broadcast_in_dim3A_75 = vector.shape_cast %reduce_min3A_74 : vector<256xi32> to vector<256x1xi32>
    %eq3A_76 = vector.broadcast %broadcast_in_dim3A_75 : vector<256x1xi32> to vector<256x1024xi32>
    %eq3A_77 = arith.cmpi eq, %iota3A, %eq3A_76 : vector<256x1024xi32>
    %jit3A_78 = arith.constant 0xFF800000 : f32
    %broadcast_in_dim3A_79 = vector.broadcast %jit3A_78 : f32 to vector<256x1024xf32>
    %select_n3A_80 = arith.select %eq3A_77, %broadcast_in_dim3A_79, %select_n3A_64 : vector<256x1024xi1>, vector<256x1024xf32>
    %reduce_max3A_81 = arith.constant dense<0xFF800000> : vector<256xf32>
    %reduce_max3A_82 = vector.multi_reduction <maximumf>, %select_n3A_80, %reduce_max3A_81 [1] : vector<256x1024xf32> to vector<256xf32>
    %broadcast_in_dim3A_83 = vector.shape_cast %reduce_max3A_82 : vector<256xf32> to vector<256x1xf32>
    %ge3A_84 = vector.broadcast %broadcast_in_dim3A_83 : vector<256x1xf32> to vector<256x1024xf32>
    %ge3A_85 = arith.cmpf oge, %select_n3A_80, %ge3A_84 : vector<256x1024xf32>
    %jit3A_86 = arith.constant 1024 : i32
    %broadcast_in_dim3A_87 = vector.broadcast %jit3A_86 : i32 to vector<256x1024xi32>
    %select_n3A_88 = arith.select %ge3A_85, %iota3A, %broadcast_in_dim3A_87 : vector<256x1024xi1>, vector<256x1024xi32>
    %reduce_min3A_89 = arith.constant dense<2147483647> : vector<256xi32>
    %reduce_min3A_90 = vector.multi_reduction <minsi>, %select_n3A_88, %reduce_min3A_89 [1] : vector<256x1024xi32> to vector<256xi32>
    %broadcast_in_dim3A_91 = vector.shape_cast %reduce_min3A_90 : vector<256xi32> to vector<256x1xi32>
    %eq3A_92 = vector.broadcast %broadcast_in_dim3A_91 : vector<256x1xi32> to vector<256x1024xi32>
    %eq3A_93 = arith.cmpi eq, %iota3A, %eq3A_92 : vector<256x1024xi32>
    %jit3A_94 = arith.constant 0xFF800000 : f32
    %broadcast_in_dim3A_95 = vector.broadcast %jit3A_94 : f32 to vector<256x1024xf32>
    %select_n3A_96 = arith.select %eq3A_93, %broadcast_in_dim3A_95, %select_n3A_80 : vector<256x1024xi1>, vector<256x1024xf32>
    %reduce_max3A_97 = arith.constant dense<0xFF800000> : vector<256xf32>
    %reduce_max3A_98 = vector.multi_reduction <maximumf>, %select_n3A_96, %reduce_max3A_97 [1] : vector<256x1024xf32> to vector<256xf32>
    %broadcast_in_dim3A_99 = vector.shape_cast %reduce_max3A_98 : vector<256xf32> to vector<256x1xf32>
    %ge3A_100 = vector.broadcast %broadcast_in_dim3A_99 : vector<256x1xf32> to vector<256x1024xf32>
    %ge3A_101 = arith.cmpf oge, %select_n3A_96, %ge3A_100 : vector<256x1024xf32>
    %jit3A_102 = arith.constant 1024 : i32
    %broadcast_in_dim3A_103 = vector.broadcast %jit3A_102 : i32 to vector<256x1024xi32>
    %select_n3A_104 = arith.select %ge3A_101, %iota3A, %broadcast_in_dim3A_103 : vector<256x1024xi1>, vector<256x1024xi32>
    %reduce_min3A_105 = arith.constant dense<2147483647> : vector<256xi32>
    %reduce_min3A_106 = vector.multi_reduction <minsi>, %select_n3A_104, %reduce_min3A_105 [1] : vector<256x1024xi32> to vector<256xi32>
    %broadcast_in_dim3A_107 = vector.shape_cast %reduce_min3A_106 : vector<256xi32> to vector<256x1xi32>
    %eq3A_108 = vector.broadcast %broadcast_in_dim3A_107 : vector<256x1xi32> to vector<256x1024xi32>
    %eq3A_109 = arith.cmpi eq, %iota3A, %eq3A_108 : vector<256x1024xi32>
    %jit3A_110 = arith.constant 0xFF800000 : f32
    %broadcast_in_dim3A_111 = vector.broadcast %jit3A_110 : f32 to vector<256x1024xf32>
    %select_n3A_112 = arith.select %eq3A_109, %broadcast_in_dim3A_111, %select_n3A_96 : vector<256x1024xi1>, vector<256x1024xf32>
    %reduce_max3A_113 = arith.constant dense<0xFF800000> : vector<256xf32>
    %reduce_max3A_114 = vector.multi_reduction <maximumf>, %select_n3A_112, %reduce_max3A_113 [1] : vector<256x1024xf32> to vector<256xf32>
    %broadcast_in_dim3A_115 = vector.shape_cast %reduce_max3A_114 : vector<256xf32> to vector<256x1xf32>
    %ge3A_116 = vector.broadcast %broadcast_in_dim3A_115 : vector<256x1xf32> to vector<256x1024xf32>
    %ge3A_117 = arith.cmpf oge, %select_n3A_112, %ge3A_116 : vector<256x1024xf32>
    %jit3A_118 = arith.constant 1024 : i32
    %broadcast_in_dim3A_119 = vector.broadcast %jit3A_118 : i32 to vector<256x1024xi32>
    %select_n3A_120 = arith.select %ge3A_117, %iota3A, %broadcast_in_dim3A_119 : vector<256x1024xi1>, vector<256x1024xi32>
    %reduce_min3A_121 = arith.constant dense<2147483647> : vector<256xi32>
    %reduce_min3A_122 = vector.multi_reduction <minsi>, %select_n3A_120, %reduce_min3A_121 [1] : vector<256x1024xi32> to vector<256xi32>
    %broadcast_in_dim3A_123 = vector.shape_cast %reduce_min3A_122 : vector<256xi32> to vector<256x1xi32>
    %eq3A_124 = vector.broadcast %broadcast_in_dim3A_123 : vector<256x1xi32> to vector<256x1024xi32>
    %eq3A_125 = arith.cmpi eq, %iota3A, %eq3A_124 : vector<256x1024xi32>
    %jit3A_126 = arith.constant 0xFF800000 : f32
    %broadcast_in_dim3A_127 = vector.broadcast %jit3A_126 : f32 to vector<256x1024xf32>
    %select_n3A_128 = arith.select %eq3A_125, %broadcast_in_dim3A_127, %select_n3A_112 : vector<256x1024xi1>, vector<256x1024xf32>
    %reduce_max3A_129 = arith.constant dense<0xFF800000> : vector<256xf32>
    %reduce_max3A_130 = vector.multi_reduction <maximumf>, %select_n3A_128, %reduce_max3A_129 [1] : vector<256x1024xf32> to vector<256xf32>
    %broadcast_in_dim3A_131 = vector.shape_cast %reduce_max3A_130 : vector<256xf32> to vector<256x1xf32>
    %ge3A_132 = vector.broadcast %broadcast_in_dim3A_131 : vector<256x1xf32> to vector<256x1024xf32>
    %ge3A_133 = arith.cmpf oge, %select_n3A_128, %ge3A_132 : vector<256x1024xf32>
    %jit3A_134 = arith.constant 1024 : i32
    %broadcast_in_dim3A_135 = vector.broadcast %jit3A_134 : i32 to vector<256x1024xi32>
    %select_n3A_136 = arith.select %ge3A_133, %iota3A, %broadcast_in_dim3A_135 : vector<256x1024xi1>, vector<256x1024xi32>
    %reduce_min3A_137 = arith.constant dense<2147483647> : vector<256xi32>
    %reduce_min3A_138 = vector.multi_reduction <minsi>, %select_n3A_136, %reduce_min3A_137 [1] : vector<256x1024xi32> to vector<256xi32>
    %broadcast_in_dim3A_139 = vector.shape_cast %reduce_min3A_138 : vector<256xi32> to vector<256x1xi32>
    %eq3A_140 = vector.broadcast %broadcast_in_dim3A_139 : vector<256x1xi32> to vector<256x1024xi32>
    %eq3A_141 = arith.cmpi eq, %iota3A, %eq3A_140 : vector<256x1024xi32>
    %jit3A_142 = arith.constant 0xFF800000 : f32
    %broadcast_in_dim3A_143 = vector.broadcast %jit3A_142 : f32 to vector<256x1024xf32>
    %select_n3A_144 = arith.select %eq3A_141, %broadcast_in_dim3A_143, %select_n3A_128 : vector<256x1024xi1>, vector<256x1024xf32>
    %reduce_max3A_145 = arith.constant dense<0xFF800000> : vector<256xf32>
    %reduce_max3A_146 = vector.multi_reduction <maximumf>, %select_n3A_144, %reduce_max3A_145 [1] : vector<256x1024xf32> to vector<256xf32>
    %broadcast_in_dim3A_147 = vector.shape_cast %reduce_max3A_146 : vector<256xf32> to vector<256x1xf32>
    %ge3A_148 = vector.broadcast %broadcast_in_dim3A_147 : vector<256x1xf32> to vector<256x1024xf32>
    %ge3A_149 = arith.cmpf oge, %select_n3A_144, %ge3A_148 : vector<256x1024xf32>
    %jit3A_150 = arith.constant 1024 : i32
    %broadcast_in_dim3A_151 = vector.broadcast %jit3A_150 : i32 to vector<256x1024xi32>
    %select_n3A_152 = arith.select %ge3A_149, %iota3A, %broadcast_in_dim3A_151 : vector<256x1024xi1>, vector<256x1024xi32>
    %reduce_min3A_153 = arith.constant dense<2147483647> : vector<256xi32>
    %reduce_min3A_154 = vector.multi_reduction <minsi>, %select_n3A_152, %reduce_min3A_153 [1] : vector<256x1024xi32> to vector<256xi32>
    %broadcast_in_dim3A_155 = vector.shape_cast %reduce_min3A_154 : vector<256xi32> to vector<256x1xi32>
    %eq3A_156 = vector.broadcast %broadcast_in_dim3A_155 : vector<256x1xi32> to vector<256x1024xi32>
    %eq3A_157 = arith.cmpi eq, %iota3A, %eq3A_156 : vector<256x1024xi32>
    %jit3A_158 = arith.constant 0xFF800000 : f32
    %broadcast_in_dim3A_159 = vector.broadcast %jit3A_158 : f32 to vector<256x1024xf32>
    %select_n3A_160 = arith.select %eq3A_157, %broadcast_in_dim3A_159, %select_n3A_144 : vector<256x1024xi1>, vector<256x1024xf32>
    %reduce_max3A_161 = arith.constant dense<0xFF800000> : vector<256xf32>
    %reduce_max3A_162 = vector.multi_reduction <maximumf>, %select_n3A_160, %reduce_max3A_161 [1] : vector<256x1024xf32> to vector<256xf32>
    %broadcast_in_dim3A_163 = vector.shape_cast %reduce_max3A_162 : vector<256xf32> to vector<256x1xf32>
    %ge3A_164 = vector.broadcast %broadcast_in_dim3A_163 : vector<256x1xf32> to vector<256x1024xf32>
    %ge3A_165 = arith.cmpf oge, %select_n3A_160, %ge3A_164 : vector<256x1024xf32>
    %jit3A_166 = arith.constant 1024 : i32
    %broadcast_in_dim3A_167 = vector.broadcast %jit3A_166 : i32 to vector<256x1024xi32>
    %select_n3A_168 = arith.select %ge3A_165, %iota3A, %broadcast_in_dim3A_167 : vector<256x1024xi1>, vector<256x1024xi32>
    %reduce_min3A_169 = arith.constant dense<2147483647> : vector<256xi32>
    %reduce_min3A_170 = vector.multi_reduction <minsi>, %select_n3A_168, %reduce_min3A_169 [1] : vector<256x1024xi32> to vector<256xi32>
    %broadcast_in_dim3A_171 = vector.shape_cast %reduce_min3A_170 : vector<256xi32> to vector<256x1xi32>
    %eq3A_172 = vector.broadcast %broadcast_in_dim3A_171 : vector<256x1xi32> to vector<256x1024xi32>
    %eq3A_173 = arith.cmpi eq, %iota3A, %eq3A_172 : vector<256x1024xi32>
    %jit3A_174 = arith.constant 0xFF800000 : f32
    %broadcast_in_dim3A_175 = vector.broadcast %jit3A_174 : f32 to vector<256x1024xf32>
    %select_n3A_176 = arith.select %eq3A_173, %broadcast_in_dim3A_175, %select_n3A_160 : vector<256x1024xi1>, vector<256x1024xf32>
    %reduce_max3A_177 = arith.constant dense<0xFF800000> : vector<256xf32>
    %reduce_max3A_178 = vector.multi_reduction <maximumf>, %select_n3A_176, %reduce_max3A_177 [1] : vector<256x1024xf32> to vector<256xf32>
    %broadcast_in_dim3A_179 = vector.shape_cast %reduce_max3A_178 : vector<256xf32> to vector<256x1xf32>
    %ge3A_180 = vector.broadcast %broadcast_in_dim3A_179 : vector<256x1xf32> to vector<256x1024xf32>
    %ge3A_181 = arith.cmpf oge, %select_n3A_176, %ge3A_180 : vector<256x1024xf32>
    %jit3A_182 = arith.constant 1024 : i32
    %broadcast_in_dim3A_183 = vector.broadcast %jit3A_182 : i32 to vector<256x1024xi32>
    %select_n3A_184 = arith.select %ge3A_181, %iota3A, %broadcast_in_dim3A_183 : vector<256x1024xi1>, vector<256x1024xi32>
    %reduce_min3A_185 = arith.constant dense<2147483647> : vector<256xi32>
    %reduce_min3A_186 = vector.multi_reduction <minsi>, %select_n3A_184, %reduce_min3A_185 [1] : vector<256x1024xi32> to vector<256xi32>
    %broadcast_in_dim3A_187 = vector.shape_cast %reduce_min3A_186 : vector<256xi32> to vector<256x1xi32>
    %eq3A_188 = vector.broadcast %broadcast_in_dim3A_187 : vector<256x1xi32> to vector<256x1024xi32>
    %eq3A_189 = arith.cmpi eq, %iota3A, %eq3A_188 : vector<256x1024xi32>
    %jit3A_190 = arith.constant 0xFF800000 : f32
    %broadcast_in_dim3A_191 = vector.broadcast %jit3A_190 : f32 to vector<256x1024xf32>
    %select_n3A_192 = arith.select %eq3A_189, %broadcast_in_dim3A_191, %select_n3A_176 : vector<256x1024xi1>, vector<256x1024xf32>
    %reduce_max3A_193 = arith.constant dense<0xFF800000> : vector<256xf32>
    %reduce_max3A_194 = vector.multi_reduction <maximumf>, %select_n3A_192, %reduce_max3A_193 [1] : vector<256x1024xf32> to vector<256xf32>
    %broadcast_in_dim3A_195 = vector.shape_cast %reduce_max3A_194 : vector<256xf32> to vector<256x1xf32>
    %ge3A_196 = vector.broadcast %broadcast_in_dim3A_195 : vector<256x1xf32> to vector<256x1024xf32>
    %ge3A_197 = arith.cmpf oge, %select_n3A_192, %ge3A_196 : vector<256x1024xf32>
    %jit3A_198 = arith.constant 1024 : i32
    %broadcast_in_dim3A_199 = vector.broadcast %jit3A_198 : i32 to vector<256x1024xi32>
    %select_n3A_200 = arith.select %ge3A_197, %iota3A, %broadcast_in_dim3A_199 : vector<256x1024xi1>, vector<256x1024xi32>
    %reduce_min3A_201 = arith.constant dense<2147483647> : vector<256xi32>
    %reduce_min3A_202 = vector.multi_reduction <minsi>, %select_n3A_200, %reduce_min3A_201 [1] : vector<256x1024xi32> to vector<256xi32>
    %broadcast_in_dim3A_203 = vector.shape_cast %reduce_min3A_202 : vector<256xi32> to vector<256x1xi32>
    %eq3A_204 = vector.broadcast %broadcast_in_dim3A_203 : vector<256x1xi32> to vector<256x1024xi32>
    %eq3A_205 = arith.cmpi eq, %iota3A, %eq3A_204 : vector<256x1024xi32>
    %jit3A_206 = arith.constant 0xFF800000 : f32
    %broadcast_in_dim3A_207 = vector.broadcast %jit3A_206 : f32 to vector<256x1024xf32>
    %select_n3A_208 = arith.select %eq3A_205, %broadcast_in_dim3A_207, %select_n3A_192 : vector<256x1024xi1>, vector<256x1024xf32>
    %reduce_max3A_209 = arith.constant dense<0xFF800000> : vector<256xf32>
    %reduce_max3A_210 = vector.multi_reduction <maximumf>, %select_n3A_208, %reduce_max3A_209 [1] : vector<256x1024xf32> to vector<256xf32>
    %broadcast_in_dim3A_211 = vector.shape_cast %reduce_max3A_210 : vector<256xf32> to vector<256x1xf32>
    %ge3A_212 = vector.broadcast %broadcast_in_dim3A_211 : vector<256x1xf32> to vector<256x1024xf32>
    %ge3A_213 = arith.cmpf oge, %select_n3A_208, %ge3A_212 : vector<256x1024xf32>
    %jit3A_214 = arith.constant 1024 : i32
    %broadcast_in_dim3A_215 = vector.broadcast %jit3A_214 : i32 to vector<256x1024xi32>
    %select_n3A_216 = arith.select %ge3A_213, %iota3A, %broadcast_in_dim3A_215 : vector<256x1024xi1>, vector<256x1024xi32>
    %reduce_min3A_217 = arith.constant dense<2147483647> : vector<256xi32>
    %reduce_min3A_218 = vector.multi_reduction <minsi>, %select_n3A_216, %reduce_min3A_217 [1] : vector<256x1024xi32> to vector<256xi32>
    %broadcast_in_dim3A_219 = vector.shape_cast %reduce_min3A_218 : vector<256xi32> to vector<256x1xi32>
    %eq3A_220 = vector.broadcast %broadcast_in_dim3A_219 : vector<256x1xi32> to vector<256x1024xi32>
    %eq3A_221 = arith.cmpi eq, %iota3A, %eq3A_220 : vector<256x1024xi32>
    %jit3A_222 = arith.constant 0xFF800000 : f32
    %broadcast_in_dim3A_223 = vector.broadcast %jit3A_222 : f32 to vector<256x1024xf32>
    %select_n3A_224 = arith.select %eq3A_221, %broadcast_in_dim3A_223, %select_n3A_208 : vector<256x1024xi1>, vector<256x1024xf32>
    %reduce_max3A_225 = arith.constant dense<0xFF800000> : vector<256xf32>
    %reduce_max3A_226 = vector.multi_reduction <maximumf>, %select_n3A_224, %reduce_max3A_225 [1] : vector<256x1024xf32> to vector<256xf32>
    %broadcast_in_dim3A_227 = vector.shape_cast %reduce_max3A_226 : vector<256xf32> to vector<256x1xf32>
    %ge3A_228 = vector.broadcast %broadcast_in_dim3A_227 : vector<256x1xf32> to vector<256x1024xf32>
    %ge3A_229 = arith.cmpf oge, %select_n3A_224, %ge3A_228 : vector<256x1024xf32>
    %jit3A_230 = arith.constant 1024 : i32
    %broadcast_in_dim3A_231 = vector.broadcast %jit3A_230 : i32 to vector<256x1024xi32>
    %select_n3A_232 = arith.select %ge3A_229, %iota3A, %broadcast_in_dim3A_231 : vector<256x1024xi1>, vector<256x1024xi32>
    %reduce_min3A_233 = arith.constant dense<2147483647> : vector<256xi32>
    %reduce_min3A_234 = vector.multi_reduction <minsi>, %select_n3A_232, %reduce_min3A_233 [1] : vector<256x1024xi32> to vector<256xi32>
    %broadcast_in_dim3A_235 = vector.shape_cast %reduce_min3A_234 : vector<256xi32> to vector<256x1xi32>
    %eq3A_236 = vector.broadcast %broadcast_in_dim3A_235 : vector<256x1xi32> to vector<256x1024xi32>
    %eq3A_237 = arith.cmpi eq, %iota3A, %eq3A_236 : vector<256x1024xi32>
    %jit3A_238 = arith.constant 0xFF800000 : f32
    %broadcast_in_dim3A_239 = vector.broadcast %jit3A_238 : f32 to vector<256x1024xf32>
    %select_n3A_240 = arith.select %eq3A_237, %broadcast_in_dim3A_239, %select_n3A_224 : vector<256x1024xi1>, vector<256x1024xf32>
    %reduce_max3A_241 = arith.constant dense<0xFF800000> : vector<256xf32>
    %reduce_max3A_242 = vector.multi_reduction <maximumf>, %select_n3A_240, %reduce_max3A_241 [1] : vector<256x1024xf32> to vector<256xf32>
    %broadcast_in_dim3A_243 = vector.shape_cast %reduce_max3A_242 : vector<256xf32> to vector<256x1xf32>
    %ge3A_244 = vector.broadcast %broadcast_in_dim3A_243 : vector<256x1xf32> to vector<256x1024xf32>
    %ge3A_245 = arith.cmpf oge, %select_n3A_240, %ge3A_244 : vector<256x1024xf32>
    %jit3A_246 = arith.constant 1024 : i32
    %broadcast_in_dim3A_247 = vector.broadcast %jit3A_246 : i32 to vector<256x1024xi32>
    %select_n3A_248 = arith.select %ge3A_245, %iota3A, %broadcast_in_dim3A_247 : vector<256x1024xi1>, vector<256x1024xi32>
    %reduce_min3A_249 = arith.constant dense<2147483647> : vector<256xi32>
    %reduce_min3A_250 = vector.multi_reduction <minsi>, %select_n3A_248, %reduce_min3A_249 [1] : vector<256x1024xi32> to vector<256xi32>
    %broadcast_in_dim3A_251 = vector.shape_cast %reduce_min3A_250 : vector<256xi32> to vector<256x1xi32>
    %eq3A_252 = vector.broadcast %broadcast_in_dim3A_251 : vector<256x1xi32> to vector<256x1024xi32>
    %eq3A_253 = arith.cmpi eq, %iota3A, %eq3A_252 : vector<256x1024xi32>
    %jit3A_254 = arith.constant 0xFF800000 : f32
    %broadcast_in_dim3A_255 = vector.broadcast %jit3A_254 : f32 to vector<256x1024xf32>
    %select_n3A_256 = arith.select %eq3A_253, %broadcast_in_dim3A_255, %select_n3A_240 : vector<256x1024xi1>, vector<256x1024xf32>
    %reduce_max3A_257 = arith.constant dense<0xFF800000> : vector<256xf32>
    %reduce_max3A_258 = vector.multi_reduction <maximumf>, %select_n3A_256, %reduce_max3A_257 [1] : vector<256x1024xf32> to vector<256xf32>
    %broadcast_in_dim3A_259 = vector.shape_cast %reduce_max3A_258 : vector<256xf32> to vector<256x1xf32>
    %ge3A_260 = vector.broadcast %broadcast_in_dim3A_259 : vector<256x1xf32> to vector<256x1024xf32>
    %ge3A_261 = arith.cmpf oge, %select_n3A_256, %ge3A_260 : vector<256x1024xf32>
    %jit3A_262 = arith.constant 1024 : i32
    %broadcast_in_dim3A_263 = vector.broadcast %jit3A_262 : i32 to vector<256x1024xi32>
    %select_n3A_264 = arith.select %ge3A_261, %iota3A, %broadcast_in_dim3A_263 : vector<256x1024xi1>, vector<256x1024xi32>
    %reduce_min3A_265 = arith.constant dense<2147483647> : vector<256xi32>
    %reduce_min3A_266 = vector.multi_reduction <minsi>, %select_n3A_264, %reduce_min3A_265 [1] : vector<256x1024xi32> to vector<256xi32>
    %broadcast_in_dim3A_267 = vector.shape_cast %reduce_min3A_266 : vector<256xi32> to vector<256x1xi32>
    %eq3A_268 = vector.broadcast %broadcast_in_dim3A_267 : vector<256x1xi32> to vector<256x1024xi32>
    %eq3A_269 = arith.cmpi eq, %iota3A, %eq3A_268 : vector<256x1024xi32>
    %jit3A_270 = arith.constant 0xFF800000 : f32
    %broadcast_in_dim3A_271 = vector.broadcast %jit3A_270 : f32 to vector<256x1024xf32>
    %select_n3A_272 = arith.select %eq3A_269, %broadcast_in_dim3A_271, %select_n3A_256 : vector<256x1024xi1>, vector<256x1024xf32>
    %reduce_max3A_273 = arith.constant dense<0xFF800000> : vector<256xf32>
    %reduce_max3A_274 = vector.multi_reduction <maximumf>, %select_n3A_272, %reduce_max3A_273 [1] : vector<256x1024xf32> to vector<256xf32>
    %broadcast_in_dim3A_275 = vector.shape_cast %reduce_max3A_274 : vector<256xf32> to vector<256x1xf32>
    %ge3A_276 = vector.broadcast %broadcast_in_dim3A_275 : vector<256x1xf32> to vector<256x1024xf32>
    %ge3A_277 = arith.cmpf oge, %select_n3A_272, %ge3A_276 : vector<256x1024xf32>
    %jit3A_278 = arith.constant 1024 : i32
    %broadcast_in_dim3A_279 = vector.broadcast %jit3A_278 : i32 to vector<256x1024xi32>
    %select_n3A_280 = arith.select %ge3A_277, %iota3A, %broadcast_in_dim3A_279 : vector<256x1024xi1>, vector<256x1024xi32>
    %reduce_min3A_281 = arith.constant dense<2147483647> : vector<256xi32>
    %reduce_min3A_282 = vector.multi_reduction <minsi>, %select_n3A_280, %reduce_min3A_281 [1] : vector<256x1024xi32> to vector<256xi32>
    %broadcast_in_dim3A_283 = vector.shape_cast %reduce_min3A_282 : vector<256xi32> to vector<256x1xi32>
    %eq3A_284 = vector.broadcast %broadcast_in_dim3A_283 : vector<256x1xi32> to vector<256x1024xi32>
    %eq3A_285 = arith.cmpi eq, %iota3A, %eq3A_284 : vector<256x1024xi32>
    %jit3A_286 = arith.constant 0xFF800000 : f32
    %broadcast_in_dim3A_287 = vector.broadcast %jit3A_286 : f32 to vector<256x1024xf32>
    %select_n3A_288 = arith.select %eq3A_285, %broadcast_in_dim3A_287, %select_n3A_272 : vector<256x1024xi1>, vector<256x1024xf32>
    %reduce_max3A_289 = arith.constant dense<0xFF800000> : vector<256xf32>
    %reduce_max3A_290 = vector.multi_reduction <maximumf>, %select_n3A_288, %reduce_max3A_289 [1] : vector<256x1024xf32> to vector<256xf32>
    %broadcast_in_dim3A_291 = vector.shape_cast %reduce_max3A_290 : vector<256xf32> to vector<256x1xf32>
    %ge3A_292 = vector.broadcast %broadcast_in_dim3A_291 : vector<256x1xf32> to vector<256x1024xf32>
    %ge3A_293 = arith.cmpf oge, %select_n3A_288, %ge3A_292 : vector<256x1024xf32>
    %jit3A_294 = arith.constant 1024 : i32
    %broadcast_in_dim3A_295 = vector.broadcast %jit3A_294 : i32 to vector<256x1024xi32>
    %select_n3A_296 = arith.select %ge3A_293, %iota3A, %broadcast_in_dim3A_295 : vector<256x1024xi1>, vector<256x1024xi32>
    %reduce_min3A_297 = arith.constant dense<2147483647> : vector<256xi32>
    %reduce_min3A_298 = vector.multi_reduction <minsi>, %select_n3A_296, %reduce_min3A_297 [1] : vector<256x1024xi32> to vector<256xi32>
    %broadcast_in_dim3A_299 = vector.shape_cast %reduce_min3A_298 : vector<256xi32> to vector<256x1xi32>
    %eq3A_300 = vector.broadcast %broadcast_in_dim3A_299 : vector<256x1xi32> to vector<256x1024xi32>
    %eq3A_301 = arith.cmpi eq, %iota3A, %eq3A_300 : vector<256x1024xi32>
    %jit3A_302 = arith.constant 0xFF800000 : f32
    %broadcast_in_dim3A_303 = vector.broadcast %jit3A_302 : f32 to vector<256x1024xf32>
    %select_n3A_304 = arith.select %eq3A_301, %broadcast_in_dim3A_303, %select_n3A_288 : vector<256x1024xi1>, vector<256x1024xf32>
    %reduce_max3A_305 = arith.constant dense<0xFF800000> : vector<256xf32>
    %reduce_max3A_306 = vector.multi_reduction <maximumf>, %select_n3A_304, %reduce_max3A_305 [1] : vector<256x1024xf32> to vector<256xf32>
    %broadcast_in_dim3A_307 = vector.shape_cast %reduce_max3A_306 : vector<256xf32> to vector<256x1xf32>
    %ge3A_308 = vector.broadcast %broadcast_in_dim3A_307 : vector<256x1xf32> to vector<256x1024xf32>
    %ge3A_309 = arith.cmpf oge, %select_n3A_304, %ge3A_308 : vector<256x1024xf32>
    %jit3A_310 = arith.constant 1024 : i32
    %broadcast_in_dim3A_311 = vector.broadcast %jit3A_310 : i32 to vector<256x1024xi32>
    %select_n3A_312 = arith.select %ge3A_309, %iota3A, %broadcast_in_dim3A_311 : vector<256x1024xi1>, vector<256x1024xi32>
    %reduce_min3A_313 = arith.constant dense<2147483647> : vector<256xi32>
    %reduce_min3A_314 = vector.multi_reduction <minsi>, %select_n3A_312, %reduce_min3A_313 [1] : vector<256x1024xi32> to vector<256xi32>
    %broadcast_in_dim3A_315 = vector.shape_cast %reduce_min3A_314 : vector<256xi32> to vector<256x1xi32>
    %eq3A_316 = vector.broadcast %broadcast_in_dim3A_315 : vector<256x1xi32> to vector<256x1024xi32>
    %eq3A_317 = arith.cmpi eq, %iota3A, %eq3A_316 : vector<256x1024xi32>
    %jit3A_318 = arith.constant 0xFF800000 : f32
    %broadcast_in_dim3A_319 = vector.broadcast %jit3A_318 : f32 to vector<256x1024xf32>
    %select_n3A_320 = arith.select %eq3A_317, %broadcast_in_dim3A_319, %select_n3A_304 : vector<256x1024xi1>, vector<256x1024xf32>
    %reduce_max3A_321 = arith.constant dense<0xFF800000> : vector<256xf32>
    %reduce_max3A_322 = vector.multi_reduction <maximumf>, %select_n3A_320, %reduce_max3A_321 [1] : vector<256x1024xf32> to vector<256xf32>
    %broadcast_in_dim3A_323 = vector.shape_cast %reduce_max3A_322 : vector<256xf32> to vector<256x1xf32>
    %ge3A_324 = vector.broadcast %broadcast_in_dim3A_323 : vector<256x1xf32> to vector<256x1024xf32>
    %ge3A_325 = arith.cmpf oge, %select_n3A_320, %ge3A_324 : vector<256x1024xf32>
    %jit3A_326 = arith.constant 1024 : i32
    %broadcast_in_dim3A_327 = vector.broadcast %jit3A_326 : i32 to vector<256x1024xi32>
    %select_n3A_328 = arith.select %ge3A_325, %iota3A, %broadcast_in_dim3A_327 : vector<256x1024xi1>, vector<256x1024xi32>
    %reduce_min3A_329 = arith.constant dense<2147483647> : vector<256xi32>
    %reduce_min3A_330 = vector.multi_reduction <minsi>, %select_n3A_328, %reduce_min3A_329 [1] : vector<256x1024xi32> to vector<256xi32>
    %broadcast_in_dim3A_331 = vector.shape_cast %reduce_min3A_330 : vector<256xi32> to vector<256x1xi32>
    %concatenate3A = tpu.concatenate %broadcast_in_dim3A_28, %broadcast_in_dim3A_43, %broadcast_in_dim3A_59, %broadcast_in_dim3A_75, %broadcast_in_dim3A_91, %broadcast_in_dim3A_107, %broadcast_in_dim3A_123, %broadcast_in_dim3A_139, %broadcast_in_dim3A_155, %broadcast_in_dim3A_171, %broadcast_in_dim3A_187, %broadcast_in_dim3A_203, %broadcast_in_dim3A_219, %broadcast_in_dim3A_235, %broadcast_in_dim3A_251, %broadcast_in_dim3A_267, %broadcast_in_dim3A_283, %broadcast_in_dim3A_299, %broadcast_in_dim3A_315, %broadcast_in_dim3A_331, %broadcast_in_dim3A_28, %broadcast_in_dim3A_28, %broadcast_in_dim3A_28, %broadcast_in_dim3A_28 in 1 : vector<256x1xi32>, vector<256x1xi32>, vector<256x1xi32>, vector<256x1xi32>, vector<256x1xi32>, vector<256x1xi32>, vector<256x1xi32>, vector<256x1xi32>, vector<256x1xi32>, vector<256x1xi32>, vector<256x1xi32>, vector<256x1xi32>, vector<256x1xi32>, vector<256x1xi32>, vector<256x1xi32>, vector<256x1xi32>, vector<256x1xi32>, vector<256x1xi32>, vector<256x1xi32>, vector<256x1xi32>, vector<256x1xi32>, vector<256x1xi32>, vector<256x1xi32>, vector<256x1xi32> -> vector<256x24xi32>
    %mul3A_332 = arith.constant 1024 : i32
    %mul3A_333 = arith.muli %arg0, %mul3A_332 : i32
    %add3A = vector.broadcast %mul3A_333 : i32 to vector<256x24xi32>
    %add3A_334 = arith.addi %concatenate3A, %add3A : vector<256x24xi32>
    %swap3A = arith.constant 0 : index
    %swap3A_335 = arith.constant 0 : index
    %swap3A_336 = arith.constant 0 : index
    %swap3A_337 = vector.load %arg4[%swap3A, %swap3A_335, %swap3A_336] : memref<1x256x24xi32, #tpu.memory_space<vmem>>, vector<1x256x24xi32>
    %swap3A_338 = vector.shape_cast %swap3A_337 : vector<1x256x24xi32> to vector<256x24xi32>
    %swap3A_339 = vector.shape_cast %add3A_334 : vector<256x24xi32> to vector<1x256x24xi32>
    tpu.vector_store %arg4[%swap3A, %swap3A_335, %swap3A_336], %swap3A_339 {strides = array<i32>} : memref<1x256x24xi32, #tpu.memory_space<vmem>>, vector<1x256x24xi32>,
    return
  }
  func.func @transform_0(%arg0: i32, %arg1: i32) -> (i32, i32, i32) {
    %c0_i32 = arith.constant 0 : i32
    %c0_i32_0 = arith.constant 0 : i32
    return %arg0, %arg1, %c0_i32 : i32, i32, i32
  }
  func.func @transform_1(%arg0: i32, %arg1: i32) -> (i32, i32, i32) {
    %c0_i32 = arith.constant 0 : i32
    %c0_i32_0 = arith.constant 0 : i32
    %c0_i32_1 = arith.constant 0 : i32
    return %arg0, %c0_i32, %c0_i32_0 : i32, i32, i32
  }
  func.func @transform_2(%arg0: i32, %arg1: i32) -> (i32, i32, i32) {
    %c0_i32 = arith.constant 0 : i32
    %c0_i32_0 = arith.constant 0 : i32
    return %arg0, %arg1, %c0_i32 : i32, i32, i32
  }
}

module attributes {stable_mosaic.version = 14 : i64} {
  func.func @_norm_body(%arg0: i32, %arg1: memref<1x64xf32, #tpu.memory_space<vmem>>, %arg2: memref<1x64xf32, #tpu.memory_space<vmem>>, %arg3: memref<32x2x64xf32, #tpu.memory_space<vmem>>, %arg4: memref<1024x64xf32, #tpu.memory_space<vmem>>, %arg5: memref<1024x128xf32, #tpu.memory_space<vmem>>) attributes {dimension_semantics = [#tpu.dimension_semantics<arbitrary>], iteration_bounds = array<i64: 8>, scalar_prefetch = 0 : i64, scratch_operands = 0 : i64, tpu.core_type = #tpu.core_type<tc>, window_params = [{pipeline_mode = #tpu.pipeline_mode<synchronous>, transform_indices = @transform_0, window_bounds = array<i64: 1, 64>}, {pipeline_mode = #tpu.pipeline_mode<synchronous>, transform_indices = @transform_1, window_bounds = array<i64: 1, 64>}, {pipeline_mode = #tpu.pipeline_mode<synchronous>, transform_indices = @transform_2, window_bounds = array<i64: 32, 2, 64>}, {transform_indices = @transform_3, window_bounds = array<i64: 1024, 64>}, {transform_indices = @transform_4, window_bounds = array<i64: 1024, 128>}]} {
    %get3A = arith.constant 0 : index
    %get3A_0 = arith.constant 0 : index
    %get3A_1 = arith.constant 0 : index
    %get3A_2 = vector.load %arg3[%get3A, %get3A_0, %get3A_1] : memref<32x2x64xf32, #tpu.memory_space<vmem>>, vector<32x1x64xf32>
    %get3A_3 = vector.shape_cast %get3A_2 : vector<32x1x64xf32> to vector<32x64xf32>
    %reduce_sum3A = arith.constant dense<0.000000e+00> : vector<64xf32>
    %reduce_sum3A_4 = vector.multi_reduction <add>, %get3A_3, %reduce_sum3A [0] : vector<32x64xf32> to vector<64xf32>
    %broadcast_in_dim3A = vector.shape_cast %reduce_sum3A_4 : vector<64xf32> to vector<1x64xf32>
    %mul3A = arith.constant 6.10351572E-6 : f32
    %mul3A_5 = vector.broadcast %mul3A : f32 to vector<1x64xf32>
    %mul3A_6 = arith.mulf %broadcast_in_dim3A, %mul3A_5 : vector<1x64xf32>
    %get3A_7 = arith.constant 0 : index
    %get3A_8 = arith.constant 1 : index
    %get3A_9 = arith.constant 0 : index
    %get3A_10 = vector.load %arg3[%get3A_7, %get3A_8, %get3A_9] : memref<32x2x64xf32, #tpu.memory_space<vmem>>, vector<32x1x64xf32>
    %get3A_11 = vector.shape_cast %get3A_10 : vector<32x1x64xf32> to vector<32x64xf32>
    %reduce_sum3A_12 = arith.constant dense<0.000000e+00> : vector<64xf32>
    %reduce_sum3A_13 = vector.multi_reduction <add>, %get3A_11, %reduce_sum3A_12 [0] : vector<32x64xf32> to vector<64xf32>
    %broadcast_in_dim3A_14 = vector.shape_cast %reduce_sum3A_13 : vector<64xf32> to vector<1x64xf32>
    %mul3A_15 = arith.constant 6.10351572E-6 : f32
    %mul3A_16 = vector.broadcast %mul3A_15 : f32 to vector<1x64xf32>
    %mul3A_17 = arith.mulf %broadcast_in_dim3A_14, %mul3A_16 : vector<1x64xf32>
    %mul3A_18 = arith.mulf %mul3A_6, %mul3A_6 : vector<1x64xf32>
    %sub3A = arith.subf %mul3A_17, %mul3A_18 : vector<1x64xf32>
    %get3A_19 = arith.constant 0 : index
    %get3A_20 = arith.constant 0 : index
    %get3A_21 = vector.load %arg4[%get3A_19, %get3A_20] : memref<1024x64xf32, #tpu.memory_space<vmem>>, vector<1024x64xf32>
    %sub3A_22 = vector.broadcast %mul3A_6 : vector<1x64xf32> to vector<1024x64xf32>
    %sub3A_23 = arith.subf %get3A_21, %sub3A_22 : vector<1024x64xf32>
    %add3A = arith.constant 9.99999974E-6 : f32
    %add3A_24 = vector.broadcast %add3A : f32 to vector<1x64xf32>
    %add3A_25 = arith.addf %sub3A, %add3A_24 : vector<1x64xf32>
    %sqrt3A = math.sqrt %add3A_25 : vector<1x64xf32>
    %div3A = vector.broadcast %sqrt3A : vector<1x64xf32> to vector<1024x64xf32>
    %div3A_26 = arith.divf %sub3A_23, %div3A : vector<1024x64xf32>
    %get3A_27 = arith.constant 0 : index
    %get3A_28 = arith.constant 0 : index
    %get3A_29 = vector.load %arg1[%get3A_27, %get3A_28] : memref<1x64xf32, #tpu.memory_space<vmem>>, vector<1x64xf32>
    %mul3A_30 = vector.broadcast %get3A_29 : vector<1x64xf32> to vector<1024x64xf32>
    %mul3A_31 = arith.mulf %div3A_26, %mul3A_30 : vector<1024x64xf32>
    %get3A_32 = arith.constant 0 : index
    %get3A_33 = arith.constant 0 : index
    %get3A_34 = vector.load %arg2[%get3A_32, %get3A_33] : memref<1x64xf32, #tpu.memory_space<vmem>>, vector<1x64xf32>
    %add3A_35 = vector.broadcast %get3A_34 : vector<1x64xf32> to vector<1024x64xf32>
    %add3A_36 = arith.addf %mul3A_31, %add3A_35 : vector<1024x64xf32>
    %gt3A = arith.constant 0.000000e+00 : f32
    %gt3A_37 = vector.broadcast %gt3A : f32 to vector<1024x64xf32>
    %gt3A_38 = arith.cmpf ogt, %add3A_36, %gt3A_37 : vector<1024x64xf32>
    %mul3A_39 = arith.constant 2.000000e-01 : f32
    %mul3A_40 = vector.broadcast %mul3A_39 : f32 to vector<1024x64xf32>
    %mul3A_41 = arith.mulf %mul3A_40, %add3A_36 : vector<1024x64xf32>
    %select_n3A = arith.select %gt3A_38, %add3A_36, %mul3A_41 : vector<1024x64xi1>, vector<1024x64xf32>
    %jit3A = arith.constant 0 : i32
    %convert_element_type3A = arith.sitofp %jit3A : i32 to f32
    %pad3A = vector.broadcast %convert_element_type3A : f32 to vector<1024x64xf32>
    %pad3A_42 = tpu.concatenate %select_n3A, %pad3A in 1 : vector<1024x64xf32>, vector<1024x64xf32> -> vector<1024x128xf32>
    %swap3A = arith.constant 0 : index
    %swap3A_43 = arith.constant 0 : index
    %swap3A_44 = vector.load %arg5[%swap3A, %swap3A_43] : memref<1024x128xf32, #tpu.memory_space<vmem>>, vector<1024x128xf32>
    tpu.vector_store %arg5[%swap3A, %swap3A_43], %pad3A_42 {strides = array<i32>} : memref<1024x128xf32, #tpu.memory_space<vmem>>, vector<1024x128xf32>,
    return
  }
  func.func @transform_0(%arg0: i32) -> (i32, i32) {
    %c0_i32 = arith.constant 0 : i32
    %c0_i32_0 = arith.constant 0 : i32
    %c0_i32_1 = arith.constant 0 : i32
    return %c0_i32, %c0_i32_0 : i32, i32
  }
  func.func @transform_1(%arg0: i32) -> (i32, i32) {
    %c0_i32 = arith.constant 0 : i32
    %c0_i32_0 = arith.constant 0 : i32
    %c0_i32_1 = arith.constant 0 : i32
    return %c0_i32, %c0_i32_0 : i32, i32
  }
  func.func @transform_2(%arg0: i32) -> (i32, i32, i32) {
    %c0_i32 = arith.constant 0 : i32
    %c0_i32_0 = arith.constant 0 : i32
    %c0_i32_1 = arith.constant 0 : i32
    %c0_i32_2 = arith.constant 0 : i32
    return %c0_i32, %c0_i32_0, %c0_i32_1 : i32, i32, i32
  }
  func.func @transform_3(%arg0: i32) -> (i32, i32) {
    %c0_i32 = arith.constant 0 : i32
    %c0_i32_0 = arith.constant 0 : i32
    return %arg0, %c0_i32 : i32, i32
  }
  func.func @transform_4(%arg0: i32) -> (i32, i32) {
    %c0_i32 = arith.constant 0 : i32
    %c0_i32_0 = arith.constant 0 : i32
    return %arg0, %c0_i32 : i32, i32
  }
}

module attributes {stable_mosaic.version = 14 : i64} {
  func.func @_norm_body(%arg0: i32, %arg1: memref<1x128xf32, #tpu.memory_space<vmem>>, %arg2: memref<1x128xf32, #tpu.memory_space<vmem>>, %arg3: memref<32x2x128xf32, #tpu.memory_space<vmem>>, %arg4: memref<1024x128xf32, #tpu.memory_space<vmem>>, %arg5: memref<1024x128xf32, #tpu.memory_space<vmem>>) attributes {dimension_semantics = [#tpu.dimension_semantics<arbitrary>], iteration_bounds = array<i64: 8>, scalar_prefetch = 0 : i64, scratch_operands = 0 : i64, tpu.core_type = #tpu.core_type<tc>, window_params = [{pipeline_mode = #tpu.pipeline_mode<synchronous>, transform_indices = @transform_0, window_bounds = array<i64: 1, 128>}, {pipeline_mode = #tpu.pipeline_mode<synchronous>, transform_indices = @transform_1, window_bounds = array<i64: 1, 128>}, {pipeline_mode = #tpu.pipeline_mode<synchronous>, transform_indices = @transform_2, window_bounds = array<i64: 32, 2, 128>}, {transform_indices = @transform_3, window_bounds = array<i64: 1024, 128>}, {transform_indices = @transform_4, window_bounds = array<i64: 1024, 128>}]} {
    %get3A = arith.constant 0 : index
    %get3A_0 = arith.constant 0 : index
    %get3A_1 = arith.constant 0 : index
    %get3A_2 = vector.load %arg3[%get3A, %get3A_0, %get3A_1] : memref<32x2x128xf32, #tpu.memory_space<vmem>>, vector<32x1x128xf32>
    %get3A_3 = vector.shape_cast %get3A_2 : vector<32x1x128xf32> to vector<32x128xf32>
    %reduce_sum3A = arith.constant dense<0.000000e+00> : vector<128xf32>
    %reduce_sum3A_4 = vector.multi_reduction <add>, %get3A_3, %reduce_sum3A [0] : vector<32x128xf32> to vector<128xf32>
    %broadcast_in_dim3A = vector.shape_cast %reduce_sum3A_4 : vector<128xf32> to vector<1x128xf32>
    %mul3A = arith.constant 6.10351572E-6 : f32
    %mul3A_5 = vector.broadcast %mul3A : f32 to vector<1x128xf32>
    %mul3A_6 = arith.mulf %broadcast_in_dim3A, %mul3A_5 : vector<1x128xf32>
    %get3A_7 = arith.constant 0 : index
    %get3A_8 = arith.constant 1 : index
    %get3A_9 = arith.constant 0 : index
    %get3A_10 = vector.load %arg3[%get3A_7, %get3A_8, %get3A_9] : memref<32x2x128xf32, #tpu.memory_space<vmem>>, vector<32x1x128xf32>
    %get3A_11 = vector.shape_cast %get3A_10 : vector<32x1x128xf32> to vector<32x128xf32>
    %reduce_sum3A_12 = arith.constant dense<0.000000e+00> : vector<128xf32>
    %reduce_sum3A_13 = vector.multi_reduction <add>, %get3A_11, %reduce_sum3A_12 [0] : vector<32x128xf32> to vector<128xf32>
    %broadcast_in_dim3A_14 = vector.shape_cast %reduce_sum3A_13 : vector<128xf32> to vector<1x128xf32>
    %mul3A_15 = arith.constant 6.10351572E-6 : f32
    %mul3A_16 = vector.broadcast %mul3A_15 : f32 to vector<1x128xf32>
    %mul3A_17 = arith.mulf %broadcast_in_dim3A_14, %mul3A_16 : vector<1x128xf32>
    %mul3A_18 = arith.mulf %mul3A_6, %mul3A_6 : vector<1x128xf32>
    %sub3A = arith.subf %mul3A_17, %mul3A_18 : vector<1x128xf32>
    %get3A_19 = arith.constant 0 : index
    %get3A_20 = arith.constant 0 : index
    %get3A_21 = vector.load %arg4[%get3A_19, %get3A_20] : memref<1024x128xf32, #tpu.memory_space<vmem>>, vector<1024x128xf32>
    %sub3A_22 = vector.broadcast %mul3A_6 : vector<1x128xf32> to vector<1024x128xf32>
    %sub3A_23 = arith.subf %get3A_21, %sub3A_22 : vector<1024x128xf32>
    %add3A = arith.constant 9.99999974E-6 : f32
    %add3A_24 = vector.broadcast %add3A : f32 to vector<1x128xf32>
    %add3A_25 = arith.addf %sub3A, %add3A_24 : vector<1x128xf32>
    %sqrt3A = math.sqrt %add3A_25 : vector<1x128xf32>
    %div3A = vector.broadcast %sqrt3A : vector<1x128xf32> to vector<1024x128xf32>
    %div3A_26 = arith.divf %sub3A_23, %div3A : vector<1024x128xf32>
    %get3A_27 = arith.constant 0 : index
    %get3A_28 = arith.constant 0 : index
    %get3A_29 = vector.load %arg1[%get3A_27, %get3A_28] : memref<1x128xf32, #tpu.memory_space<vmem>>, vector<1x128xf32>
    %mul3A_30 = vector.broadcast %get3A_29 : vector<1x128xf32> to vector<1024x128xf32>
    %mul3A_31 = arith.mulf %div3A_26, %mul3A_30 : vector<1024x128xf32>
    %get3A_32 = arith.constant 0 : index
    %get3A_33 = arith.constant 0 : index
    %get3A_34 = vector.load %arg2[%get3A_32, %get3A_33] : memref<1x128xf32, #tpu.memory_space<vmem>>, vector<1x128xf32>
    %add3A_35 = vector.broadcast %get3A_34 : vector<1x128xf32> to vector<1024x128xf32>
    %add3A_36 = arith.addf %mul3A_31, %add3A_35 : vector<1024x128xf32>
    %gt3A = arith.constant 0.000000e+00 : f32
    %gt3A_37 = vector.broadcast %gt3A : f32 to vector<1024x128xf32>
    %gt3A_38 = arith.cmpf ogt, %add3A_36, %gt3A_37 : vector<1024x128xf32>
    %mul3A_39 = arith.constant 2.000000e-01 : f32
    %mul3A_40 = vector.broadcast %mul3A_39 : f32 to vector<1024x128xf32>
    %mul3A_41 = arith.mulf %mul3A_40, %add3A_36 : vector<1024x128xf32>
    %select_n3A = arith.select %gt3A_38, %add3A_36, %mul3A_41 : vector<1024x128xi1>, vector<1024x128xf32>
    %jit3A = arith.constant 0 : i32
    %convert_element_type3A = arith.sitofp %jit3A : i32 to f32
    %swap3A = arith.constant 0 : index
    %swap3A_42 = arith.constant 0 : index
    %swap3A_43 = vector.load %arg5[%swap3A, %swap3A_42] : memref<1024x128xf32, #tpu.memory_space<vmem>>, vector<1024x128xf32>
    tpu.vector_store %arg5[%swap3A, %swap3A_42], %select_n3A {strides = array<i32>} : memref<1024x128xf32, #tpu.memory_space<vmem>>, vector<1024x128xf32>,
    return
  }
  func.func @transform_0(%arg0: i32) -> (i32, i32) {
    %c0_i32 = arith.constant 0 : i32
    %c0_i32_0 = arith.constant 0 : i32
    %c0_i32_1 = arith.constant 0 : i32
    return %c0_i32, %c0_i32_0 : i32, i32
  }
  func.func @transform_1(%arg0: i32) -> (i32, i32) {
    %c0_i32 = arith.constant 0 : i32
    %c0_i32_0 = arith.constant 0 : i32
    %c0_i32_1 = arith.constant 0 : i32
    return %c0_i32, %c0_i32_0 : i32, i32
  }
  func.func @transform_2(%arg0: i32) -> (i32, i32, i32) {
    %c0_i32 = arith.constant 0 : i32
    %c0_i32_0 = arith.constant 0 : i32
    %c0_i32_1 = arith.constant 0 : i32
    %c0_i32_2 = arith.constant 0 : i32
    return %c0_i32, %c0_i32_0, %c0_i32_1 : i32, i32, i32
  }
  func.func @transform_3(%arg0: i32) -> (i32, i32) {
    %c0_i32 = arith.constant 0 : i32
    %c0_i32_0 = arith.constant 0 : i32
    return %arg0, %c0_i32 : i32, i32
  }
  func.func @transform_4(%arg0: i32) -> (i32, i32) {
    %c0_i32 = arith.constant 0 : i32
    %c0_i32_0 = arith.constant 0 : i32
    return %arg0, %c0_i32 : i32, i32
  }
}

module attributes {stable_mosaic.version = 14 : i64} {
  func.func @_conv_body(%arg0: i32, %arg1: memref<256x128xf32, #tpu.memory_space<vmem>>, %arg2: memref<256x3072xf32, #tpu.memory_space<vmem>>, %arg3: memref<256x128xf32, #tpu.memory_space<vmem>>, %arg4: memref<256x128xf32, #tpu.memory_space<vmem>>, %arg5: memref<1x2x128xf32, #tpu.memory_space<vmem>>) attributes {dimension_semantics = [#tpu.dimension_semantics<arbitrary>], iteration_bounds = array<i64: 32>, scalar_prefetch = 0 : i64, scratch_operands = 0 : i64, tpu.core_type = #tpu.core_type<tc>, window_params = [{transform_indices = @transform_0, window_bounds = array<i64: 256, 128>}, {transform_indices = @transform_1, window_bounds = array<i64: 256, 3072>}, {pipeline_mode = #tpu.pipeline_mode<synchronous>, transform_indices = @transform_2, window_bounds = array<i64: 256, 128>}, {transform_indices = @transform_3, window_bounds = array<i64: 256, 128>}, {transform_indices = @transform_4, window_bounds = array<i64: 1, 2, 128>}]} {
    %get3A = arith.constant 0 : index
    %get3A_0 = arith.constant 0 : index
    %get3A_1 = vector.load %arg1[%get3A, %get3A_0] : memref<256x128xf32, #tpu.memory_space<vmem>>, vector<256x128xf32>
    %get3A_2 = arith.constant 0 : index
    %get3A_3 = arith.constant 0 : index
    %get3A_4 = vector.load %arg3[%get3A_2, %get3A_3] : memref<256x128xf32, #tpu.memory_space<vmem>>, vector<256x128xf32>
    %get3A_5 = arith.constant 0 : index
    %get3A_6 = arith.constant 0 : index
    %get3A_7 = vector.load %arg2[%get3A_5, %get3A_6] : memref<256x3072xf32, #tpu.memory_space<vmem>>, vector<256x128xf32>
    %sub3A = arith.subf %get3A_7, %get3A_1 : vector<256x128xf32>
    %concatenate3A = tpu.concatenate %sub3A, %get3A_1 in 1 : vector<256x128xf32>, vector<256x128xf32> -> vector<256x256xf32>
    %dot_general3A = arith.constant dense<0.000000e+00> : vector<256x128xf32>
    %dot_general3A_8 = tpu.matmul %concatenate3A, %get3A_4, %dot_general3A {dimension_numbers = #tpu.dot_dimension_numbers<[1], [0], [0], [1], [0, 0, 1, 1], [], []>, transpose_lhs_hint = false} : vector<256x256xf32>, vector<256x128xf32>, vector<256x128xf32> -> vector<256x128xf32>
    %mul3A = arith.mulf %dot_general3A_8, %dot_general3A_8 : vector<256x128xf32>
    %get3A_9 = arith.constant 0 : index
    %get3A_10 = arith.constant 128 : index
    %get3A_11 = vector.load %arg2[%get3A_9, %get3A_10] : memref<256x3072xf32, #tpu.memory_space<vmem>>, vector<256x128xf32>
    %sub3A_12 = arith.subf %get3A_11, %get3A_1 : vector<256x128xf32>
    %concatenate3A_13 = tpu.concatenate %sub3A_12, %get3A_1 in 1 : vector<256x128xf32>, vector<256x128xf32> -> vector<256x256xf32>
    %dot_general3A_14 = arith.constant dense<0.000000e+00> : vector<256x128xf32>
    %dot_general3A_15 = tpu.matmul %concatenate3A_13, %get3A_4, %dot_general3A_14 {dimension_numbers = #tpu.dot_dimension_numbers<[1], [0], [0], [1], [0, 0, 1, 1], [], []>, transpose_lhs_hint = false} : vector<256x256xf32>, vector<256x128xf32>, vector<256x128xf32> -> vector<256x128xf32>
    %max3A = arith.maximumf %dot_general3A_8, %dot_general3A_15 : vector<256x128xf32>
    %add3A = arith.addf %dot_general3A_8, %dot_general3A_15 : vector<256x128xf32>
    %mul3A_16 = arith.mulf %dot_general3A_15, %dot_general3A_15 : vector<256x128xf32>
    %add3A_17 = arith.addf %mul3A, %mul3A_16 : vector<256x128xf32>
    %get3A_18 = arith.constant 0 : index
    %get3A_19 = arith.constant 256 : index
    %get3A_20 = vector.load %arg2[%get3A_18, %get3A_19] : memref<256x3072xf32, #tpu.memory_space<vmem>>, vector<256x128xf32>
    %sub3A_21 = arith.subf %get3A_20, %get3A_1 : vector<256x128xf32>
    %concatenate3A_22 = tpu.concatenate %sub3A_21, %get3A_1 in 1 : vector<256x128xf32>, vector<256x128xf32> -> vector<256x256xf32>
    %dot_general3A_23 = arith.constant dense<0.000000e+00> : vector<256x128xf32>
    %dot_general3A_24 = tpu.matmul %concatenate3A_22, %get3A_4, %dot_general3A_23 {dimension_numbers = #tpu.dot_dimension_numbers<[1], [0], [0], [1], [0, 0, 1, 1], [], []>, transpose_lhs_hint = false} : vector<256x256xf32>, vector<256x128xf32>, vector<256x128xf32> -> vector<256x128xf32>
    %max3A_25 = arith.maximumf %max3A, %dot_general3A_24 : vector<256x128xf32>
    %add3A_26 = arith.addf %add3A, %dot_general3A_24 : vector<256x128xf32>
    %mul3A_27 = arith.mulf %dot_general3A_24, %dot_general3A_24 : vector<256x128xf32>
    %add3A_28 = arith.addf %add3A_17, %mul3A_27 : vector<256x128xf32>
    %get3A_29 = arith.constant 0 : index
    %get3A_30 = arith.constant 384 : index
    %get3A_31 = vector.load %arg2[%get3A_29, %get3A_30] : memref<256x3072xf32, #tpu.memory_space<vmem>>, vector<256x128xf32>
    %sub3A_32 = arith.subf %get3A_31, %get3A_1 : vector<256x128xf32>
    %concatenate3A_33 = tpu.concatenate %sub3A_32, %get3A_1 in 1 : vector<256x128xf32>, vector<256x128xf32> -> vector<256x256xf32>
    %dot_general3A_34 = arith.constant dense<0.000000e+00> : vector<256x128xf32>
    %dot_general3A_35 = tpu.matmul %concatenate3A_33, %get3A_4, %dot_general3A_34 {dimension_numbers = #tpu.dot_dimension_numbers<[1], [0], [0], [1], [0, 0, 1, 1], [], []>, transpose_lhs_hint = false} : vector<256x256xf32>, vector<256x128xf32>, vector<256x128xf32> -> vector<256x128xf32>
    %max3A_36 = arith.maximumf %max3A_25, %dot_general3A_35 : vector<256x128xf32>
    %add3A_37 = arith.addf %add3A_26, %dot_general3A_35 : vector<256x128xf32>
    %mul3A_38 = arith.mulf %dot_general3A_35, %dot_general3A_35 : vector<256x128xf32>
    %add3A_39 = arith.addf %add3A_28, %mul3A_38 : vector<256x128xf32>
    %get3A_40 = arith.constant 0 : index
    %get3A_41 = arith.constant 512 : index
    %get3A_42 = vector.load %arg2[%get3A_40, %get3A_41] : memref<256x3072xf32, #tpu.memory_space<vmem>>, vector<256x128xf32>
    %sub3A_43 = arith.subf %get3A_42, %get3A_1 : vector<256x128xf32>
    %concatenate3A_44 = tpu.concatenate %sub3A_43, %get3A_1 in 1 : vector<256x128xf32>, vector<256x128xf32> -> vector<256x256xf32>
    %dot_general3A_45 = arith.constant dense<0.000000e+00> : vector<256x128xf32>
    %dot_general3A_46 = tpu.matmul %concatenate3A_44, %get3A_4, %dot_general3A_45 {dimension_numbers = #tpu.dot_dimension_numbers<[1], [0], [0], [1], [0, 0, 1, 1], [], []>, transpose_lhs_hint = false} : vector<256x256xf32>, vector<256x128xf32>, vector<256x128xf32> -> vector<256x128xf32>
    %max3A_47 = arith.maximumf %max3A_36, %dot_general3A_46 : vector<256x128xf32>
    %add3A_48 = arith.addf %add3A_37, %dot_general3A_46 : vector<256x128xf32>
    %mul3A_49 = arith.mulf %dot_general3A_46, %dot_general3A_46 : vector<256x128xf32>
    %add3A_50 = arith.addf %add3A_39, %mul3A_49 : vector<256x128xf32>
    %get3A_51 = arith.constant 0 : index
    %get3A_52 = arith.constant 640 : index
    %get3A_53 = vector.load %arg2[%get3A_51, %get3A_52] : memref<256x3072xf32, #tpu.memory_space<vmem>>, vector<256x128xf32>
    %sub3A_54 = arith.subf %get3A_53, %get3A_1 : vector<256x128xf32>
    %concatenate3A_55 = tpu.concatenate %sub3A_54, %get3A_1 in 1 : vector<256x128xf32>, vector<256x128xf32> -> vector<256x256xf32>
    %dot_general3A_56 = arith.constant dense<0.000000e+00> : vector<256x128xf32>
    %dot_general3A_57 = tpu.matmul %concatenate3A_55, %get3A_4, %dot_general3A_56 {dimension_numbers = #tpu.dot_dimension_numbers<[1], [0], [0], [1], [0, 0, 1, 1], [], []>, transpose_lhs_hint = false} : vector<256x256xf32>, vector<256x128xf32>, vector<256x128xf32> -> vector<256x128xf32>
    %max3A_58 = arith.maximumf %max3A_47, %dot_general3A_57 : vector<256x128xf32>
    %add3A_59 = arith.addf %add3A_48, %dot_general3A_57 : vector<256x128xf32>
    %mul3A_60 = arith.mulf %dot_general3A_57, %dot_general3A_57 : vector<256x128xf32>
    %add3A_61 = arith.addf %add3A_50, %mul3A_60 : vector<256x128xf32>
    %get3A_62 = arith.constant 0 : index
    %get3A_63 = arith.constant 768 : index
    %get3A_64 = vector.load %arg2[%get3A_62, %get3A_63] : memref<256x3072xf32, #tpu.memory_space<vmem>>, vector<256x128xf32>
    %sub3A_65 = arith.subf %get3A_64, %get3A_1 : vector<256x128xf32>
    %concatenate3A_66 = tpu.concatenate %sub3A_65, %get3A_1 in 1 : vector<256x128xf32>, vector<256x128xf32> -> vector<256x256xf32>
    %dot_general3A_67 = arith.constant dense<0.000000e+00> : vector<256x128xf32>
    %dot_general3A_68 = tpu.matmul %concatenate3A_66, %get3A_4, %dot_general3A_67 {dimension_numbers = #tpu.dot_dimension_numbers<[1], [0], [0], [1], [0, 0, 1, 1], [], []>, transpose_lhs_hint = false} : vector<256x256xf32>, vector<256x128xf32>, vector<256x128xf32> -> vector<256x128xf32>
    %max3A_69 = arith.maximumf %max3A_58, %dot_general3A_68 : vector<256x128xf32>
    %add3A_70 = arith.addf %add3A_59, %dot_general3A_68 : vector<256x128xf32>
    %mul3A_71 = arith.mulf %dot_general3A_68, %dot_general3A_68 : vector<256x128xf32>
    %add3A_72 = arith.addf %add3A_61, %mul3A_71 : vector<256x128xf32>
    %get3A_73 = arith.constant 0 : index
    %get3A_74 = arith.constant 896 : index
    %get3A_75 = vector.load %arg2[%get3A_73, %get3A_74] : memref<256x3072xf32, #tpu.memory_space<vmem>>, vector<256x128xf32>
    %sub3A_76 = arith.subf %get3A_75, %get3A_1 : vector<256x128xf32>
    %concatenate3A_77 = tpu.concatenate %sub3A_76, %get3A_1 in 1 : vector<256x128xf32>, vector<256x128xf32> -> vector<256x256xf32>
    %dot_general3A_78 = arith.constant dense<0.000000e+00> : vector<256x128xf32>
    %dot_general3A_79 = tpu.matmul %concatenate3A_77, %get3A_4, %dot_general3A_78 {dimension_numbers = #tpu.dot_dimension_numbers<[1], [0], [0], [1], [0, 0, 1, 1], [], []>, transpose_lhs_hint = false} : vector<256x256xf32>, vector<256x128xf32>, vector<256x128xf32> -> vector<256x128xf32>
    %max3A_80 = arith.maximumf %max3A_69, %dot_general3A_79 : vector<256x128xf32>
    %add3A_81 = arith.addf %add3A_70, %dot_general3A_79 : vector<256x128xf32>
    %mul3A_82 = arith.mulf %dot_general3A_79, %dot_general3A_79 : vector<256x128xf32>
    %add3A_83 = arith.addf %add3A_72, %mul3A_82 : vector<256x128xf32>
    %get3A_84 = arith.constant 0 : index
    %get3A_85 = arith.constant 1024 : index
    %get3A_86 = vector.load %arg2[%get3A_84, %get3A_85] : memref<256x3072xf32, #tpu.memory_space<vmem>>, vector<256x128xf32>
    %sub3A_87 = arith.subf %get3A_86, %get3A_1 : vector<256x128xf32>
    %concatenate3A_88 = tpu.concatenate %sub3A_87, %get3A_1 in 1 : vector<256x128xf32>, vector<256x128xf32> -> vector<256x256xf32>
    %dot_general3A_89 = arith.constant dense<0.000000e+00> : vector<256x128xf32>
    %dot_general3A_90 = tpu.matmul %concatenate3A_88, %get3A_4, %dot_general3A_89 {dimension_numbers = #tpu.dot_dimension_numbers<[1], [0], [0], [1], [0, 0, 1, 1], [], []>, transpose_lhs_hint = false} : vector<256x256xf32>, vector<256x128xf32>, vector<256x128xf32> -> vector<256x128xf32>
    %max3A_91 = arith.maximumf %max3A_80, %dot_general3A_90 : vector<256x128xf32>
    %add3A_92 = arith.addf %add3A_81, %dot_general3A_90 : vector<256x128xf32>
    %mul3A_93 = arith.mulf %dot_general3A_90, %dot_general3A_90 : vector<256x128xf32>
    %add3A_94 = arith.addf %add3A_83, %mul3A_93 : vector<256x128xf32>
    %get3A_95 = arith.constant 0 : index
    %get3A_96 = arith.constant 1152 : index
    %get3A_97 = vector.load %arg2[%get3A_95, %get3A_96] : memref<256x3072xf32, #tpu.memory_space<vmem>>, vector<256x128xf32>
    %sub3A_98 = arith.subf %get3A_97, %get3A_1 : vector<256x128xf32>
    %concatenate3A_99 = tpu.concatenate %sub3A_98, %get3A_1 in 1 : vector<256x128xf32>, vector<256x128xf32> -> vector<256x256xf32>
    %dot_general3A_100 = arith.constant dense<0.000000e+00> : vector<256x128xf32>
    %dot_general3A_101 = tpu.matmul %concatenate3A_99, %get3A_4, %dot_general3A_100 {dimension_numbers = #tpu.dot_dimension_numbers<[1], [0], [0], [1], [0, 0, 1, 1], [], []>, transpose_lhs_hint = false} : vector<256x256xf32>, vector<256x128xf32>, vector<256x128xf32> -> vector<256x128xf32>
    %max3A_102 = arith.maximumf %max3A_91, %dot_general3A_101 : vector<256x128xf32>
    %add3A_103 = arith.addf %add3A_92, %dot_general3A_101 : vector<256x128xf32>
    %mul3A_104 = arith.mulf %dot_general3A_101, %dot_general3A_101 : vector<256x128xf32>
    %add3A_105 = arith.addf %add3A_94, %mul3A_104 : vector<256x128xf32>
    %get3A_106 = arith.constant 0 : index
    %get3A_107 = arith.constant 1280 : index
    %get3A_108 = vector.load %arg2[%get3A_106, %get3A_107] : memref<256x3072xf32, #tpu.memory_space<vmem>>, vector<256x128xf32>
    %sub3A_109 = arith.subf %get3A_108, %get3A_1 : vector<256x128xf32>
    %concatenate3A_110 = tpu.concatenate %sub3A_109, %get3A_1 in 1 : vector<256x128xf32>, vector<256x128xf32> -> vector<256x256xf32>
    %dot_general3A_111 = arith.constant dense<0.000000e+00> : vector<256x128xf32>
    %dot_general3A_112 = tpu.matmul %concatenate3A_110, %get3A_4, %dot_general3A_111 {dimension_numbers = #tpu.dot_dimension_numbers<[1], [0], [0], [1], [0, 0, 1, 1], [], []>, transpose_lhs_hint = false} : vector<256x256xf32>, vector<256x128xf32>, vector<256x128xf32> -> vector<256x128xf32>
    %max3A_113 = arith.maximumf %max3A_102, %dot_general3A_112 : vector<256x128xf32>
    %add3A_114 = arith.addf %add3A_103, %dot_general3A_112 : vector<256x128xf32>
    %mul3A_115 = arith.mulf %dot_general3A_112, %dot_general3A_112 : vector<256x128xf32>
    %add3A_116 = arith.addf %add3A_105, %mul3A_115 : vector<256x128xf32>
    %get3A_117 = arith.constant 0 : index
    %get3A_118 = arith.constant 1408 : index
    %get3A_119 = vector.load %arg2[%get3A_117, %get3A_118] : memref<256x3072xf32, #tpu.memory_space<vmem>>, vector<256x128xf32>
    %sub3A_120 = arith.subf %get3A_119, %get3A_1 : vector<256x128xf32>
    %concatenate3A_121 = tpu.concatenate %sub3A_120, %get3A_1 in 1 : vector<256x128xf32>, vector<256x128xf32> -> vector<256x256xf32>
    %dot_general3A_122 = arith.constant dense<0.000000e+00> : vector<256x128xf32>
    %dot_general3A_123 = tpu.matmul %concatenate3A_121, %get3A_4, %dot_general3A_122 {dimension_numbers = #tpu.dot_dimension_numbers<[1], [0], [0], [1], [0, 0, 1, 1], [], []>, transpose_lhs_hint = false} : vector<256x256xf32>, vector<256x128xf32>, vector<256x128xf32> -> vector<256x128xf32>
    %max3A_124 = arith.maximumf %max3A_113, %dot_general3A_123 : vector<256x128xf32>
    %add3A_125 = arith.addf %add3A_114, %dot_general3A_123 : vector<256x128xf32>
    %mul3A_126 = arith.mulf %dot_general3A_123, %dot_general3A_123 : vector<256x128xf32>
    %add3A_127 = arith.addf %add3A_116, %mul3A_126 : vector<256x128xf32>
    %get3A_128 = arith.constant 0 : index
    %get3A_129 = arith.constant 1536 : index
    %get3A_130 = vector.load %arg2[%get3A_128, %get3A_129] : memref<256x3072xf32, #tpu.memory_space<vmem>>, vector<256x128xf32>
    %sub3A_131 = arith.subf %get3A_130, %get3A_1 : vector<256x128xf32>
    %concatenate3A_132 = tpu.concatenate %sub3A_131, %get3A_1 in 1 : vector<256x128xf32>, vector<256x128xf32> -> vector<256x256xf32>
    %dot_general3A_133 = arith.constant dense<0.000000e+00> : vector<256x128xf32>
    %dot_general3A_134 = tpu.matmul %concatenate3A_132, %get3A_4, %dot_general3A_133 {dimension_numbers = #tpu.dot_dimension_numbers<[1], [0], [0], [1], [0, 0, 1, 1], [], []>, transpose_lhs_hint = false} : vector<256x256xf32>, vector<256x128xf32>, vector<256x128xf32> -> vector<256x128xf32>
    %max3A_135 = arith.maximumf %max3A_124, %dot_general3A_134 : vector<256x128xf32>
    %add3A_136 = arith.addf %add3A_125, %dot_general3A_134 : vector<256x128xf32>
    %mul3A_137 = arith.mulf %dot_general3A_134, %dot_general3A_134 : vector<256x128xf32>
    %add3A_138 = arith.addf %add3A_127, %mul3A_137 : vector<256x128xf32>
    %get3A_139 = arith.constant 0 : index
    %get3A_140 = arith.constant 1664 : index
    %get3A_141 = vector.load %arg2[%get3A_139, %get3A_140] : memref<256x3072xf32, #tpu.memory_space<vmem>>, vector<256x128xf32>
    %sub3A_142 = arith.subf %get3A_141, %get3A_1 : vector<256x128xf32>
    %concatenate3A_143 = tpu.concatenate %sub3A_142, %get3A_1 in 1 : vector<256x128xf32>, vector<256x128xf32> -> vector<256x256xf32>
    %dot_general3A_144 = arith.constant dense<0.000000e+00> : vector<256x128xf32>
    %dot_general3A_145 = tpu.matmul %concatenate3A_143, %get3A_4, %dot_general3A_144 {dimension_numbers = #tpu.dot_dimension_numbers<[1], [0], [0], [1], [0, 0, 1, 1], [], []>, transpose_lhs_hint = false} : vector<256x256xf32>, vector<256x128xf32>, vector<256x128xf32> -> vector<256x128xf32>
    %max3A_146 = arith.maximumf %max3A_135, %dot_general3A_145 : vector<256x128xf32>
    %add3A_147 = arith.addf %add3A_136, %dot_general3A_145 : vector<256x128xf32>
    %mul3A_148 = arith.mulf %dot_general3A_145, %dot_general3A_145 : vector<256x128xf32>
    %add3A_149 = arith.addf %add3A_138, %mul3A_148 : vector<256x128xf32>
    %get3A_150 = arith.constant 0 : index
    %get3A_151 = arith.constant 1792 : index
    %get3A_152 = vector.load %arg2[%get3A_150, %get3A_151] : memref<256x3072xf32, #tpu.memory_space<vmem>>, vector<256x128xf32>
    %sub3A_153 = arith.subf %get3A_152, %get3A_1 : vector<256x128xf32>
    %concatenate3A_154 = tpu.concatenate %sub3A_153, %get3A_1 in 1 : vector<256x128xf32>, vector<256x128xf32> -> vector<256x256xf32>
    %dot_general3A_155 = arith.constant dense<0.000000e+00> : vector<256x128xf32>
    %dot_general3A_156 = tpu.matmul %concatenate3A_154, %get3A_4, %dot_general3A_155 {dimension_numbers = #tpu.dot_dimension_numbers<[1], [0], [0], [1], [0, 0, 1, 1], [], []>, transpose_lhs_hint = false} : vector<256x256xf32>, vector<256x128xf32>, vector<256x128xf32> -> vector<256x128xf32>
    %max3A_157 = arith.maximumf %max3A_146, %dot_general3A_156 : vector<256x128xf32>
    %add3A_158 = arith.addf %add3A_147, %dot_general3A_156 : vector<256x128xf32>
    %mul3A_159 = arith.mulf %dot_general3A_156, %dot_general3A_156 : vector<256x128xf32>
    %add3A_160 = arith.addf %add3A_149, %mul3A_159 : vector<256x128xf32>
    %get3A_161 = arith.constant 0 : index
    %get3A_162 = arith.constant 1920 : index
    %get3A_163 = vector.load %arg2[%get3A_161, %get3A_162] : memref<256x3072xf32, #tpu.memory_space<vmem>>, vector<256x128xf32>
    %sub3A_164 = arith.subf %get3A_163, %get3A_1 : vector<256x128xf32>
    %concatenate3A_165 = tpu.concatenate %sub3A_164, %get3A_1 in 1 : vector<256x128xf32>, vector<256x128xf32> -> vector<256x256xf32>
    %dot_general3A_166 = arith.constant dense<0.000000e+00> : vector<256x128xf32>
    %dot_general3A_167 = tpu.matmul %concatenate3A_165, %get3A_4, %dot_general3A_166 {dimension_numbers = #tpu.dot_dimension_numbers<[1], [0], [0], [1], [0, 0, 1, 1], [], []>, transpose_lhs_hint = false} : vector<256x256xf32>, vector<256x128xf32>, vector<256x128xf32> -> vector<256x128xf32>
    %max3A_168 = arith.maximumf %max3A_157, %dot_general3A_167 : vector<256x128xf32>
    %add3A_169 = arith.addf %add3A_158, %dot_general3A_167 : vector<256x128xf32>
    %mul3A_170 = arith.mulf %dot_general3A_167, %dot_general3A_167 : vector<256x128xf32>
    %add3A_171 = arith.addf %add3A_160, %mul3A_170 : vector<256x128xf32>
    %get3A_172 = arith.constant 0 : index
    %get3A_173 = arith.constant 2048 : index
    %get3A_174 = vector.load %arg2[%get3A_172, %get3A_173] : memref<256x3072xf32, #tpu.memory_space<vmem>>, vector<256x128xf32>
    %sub3A_175 = arith.subf %get3A_174, %get3A_1 : vector<256x128xf32>
    %concatenate3A_176 = tpu.concatenate %sub3A_175, %get3A_1 in 1 : vector<256x128xf32>, vector<256x128xf32> -> vector<256x256xf32>
    %dot_general3A_177 = arith.constant dense<0.000000e+00> : vector<256x128xf32>
    %dot_general3A_178 = tpu.matmul %concatenate3A_176, %get3A_4, %dot_general3A_177 {dimension_numbers = #tpu.dot_dimension_numbers<[1], [0], [0], [1], [0, 0, 1, 1], [], []>, transpose_lhs_hint = false} : vector<256x256xf32>, vector<256x128xf32>, vector<256x128xf32> -> vector<256x128xf32>
    %max3A_179 = arith.maximumf %max3A_168, %dot_general3A_178 : vector<256x128xf32>
    %add3A_180 = arith.addf %add3A_169, %dot_general3A_178 : vector<256x128xf32>
    %mul3A_181 = arith.mulf %dot_general3A_178, %dot_general3A_178 : vector<256x128xf32>
    %add3A_182 = arith.addf %add3A_171, %mul3A_181 : vector<256x128xf32>
    %get3A_183 = arith.constant 0 : index
    %get3A_184 = arith.constant 2176 : index
    %get3A_185 = vector.load %arg2[%get3A_183, %get3A_184] : memref<256x3072xf32, #tpu.memory_space<vmem>>, vector<256x128xf32>
    %sub3A_186 = arith.subf %get3A_185, %get3A_1 : vector<256x128xf32>
    %concatenate3A_187 = tpu.concatenate %sub3A_186, %get3A_1 in 1 : vector<256x128xf32>, vector<256x128xf32> -> vector<256x256xf32>
    %dot_general3A_188 = arith.constant dense<0.000000e+00> : vector<256x128xf32>
    %dot_general3A_189 = tpu.matmul %concatenate3A_187, %get3A_4, %dot_general3A_188 {dimension_numbers = #tpu.dot_dimension_numbers<[1], [0], [0], [1], [0, 0, 1, 1], [], []>, transpose_lhs_hint = false} : vector<256x256xf32>, vector<256x128xf32>, vector<256x128xf32> -> vector<256x128xf32>
    %max3A_190 = arith.maximumf %max3A_179, %dot_general3A_189 : vector<256x128xf32>
    %add3A_191 = arith.addf %add3A_180, %dot_general3A_189 : vector<256x128xf32>
    %mul3A_192 = arith.mulf %dot_general3A_189, %dot_general3A_189 : vector<256x128xf32>
    %add3A_193 = arith.addf %add3A_182, %mul3A_192 : vector<256x128xf32>
    %get3A_194 = arith.constant 0 : index
    %get3A_195 = arith.constant 2304 : index
    %get3A_196 = vector.load %arg2[%get3A_194, %get3A_195] : memref<256x3072xf32, #tpu.memory_space<vmem>>, vector<256x128xf32>
    %sub3A_197 = arith.subf %get3A_196, %get3A_1 : vector<256x128xf32>
    %concatenate3A_198 = tpu.concatenate %sub3A_197, %get3A_1 in 1 : vector<256x128xf32>, vector<256x128xf32> -> vector<256x256xf32>
    %dot_general3A_199 = arith.constant dense<0.000000e+00> : vector<256x128xf32>
    %dot_general3A_200 = tpu.matmul %concatenate3A_198, %get3A_4, %dot_general3A_199 {dimension_numbers = #tpu.dot_dimension_numbers<[1], [0], [0], [1], [0, 0, 1, 1], [], []>, transpose_lhs_hint = false} : vector<256x256xf32>, vector<256x128xf32>, vector<256x128xf32> -> vector<256x128xf32>
    %max3A_201 = arith.maximumf %max3A_190, %dot_general3A_200 : vector<256x128xf32>
    %add3A_202 = arith.addf %add3A_191, %dot_general3A_200 : vector<256x128xf32>
    %mul3A_203 = arith.mulf %dot_general3A_200, %dot_general3A_200 : vector<256x128xf32>
    %add3A_204 = arith.addf %add3A_193, %mul3A_203 : vector<256x128xf32>
    %get3A_205 = arith.constant 0 : index
    %get3A_206 = arith.constant 2432 : index
    %get3A_207 = vector.load %arg2[%get3A_205, %get3A_206] : memref<256x3072xf32, #tpu.memory_space<vmem>>, vector<256x128xf32>
    %sub3A_208 = arith.subf %get3A_207, %get3A_1 : vector<256x128xf32>
    %concatenate3A_209 = tpu.concatenate %sub3A_208, %get3A_1 in 1 : vector<256x128xf32>, vector<256x128xf32> -> vector<256x256xf32>
    %dot_general3A_210 = arith.constant dense<0.000000e+00> : vector<256x128xf32>
    %dot_general3A_211 = tpu.matmul %concatenate3A_209, %get3A_4, %dot_general3A_210 {dimension_numbers = #tpu.dot_dimension_numbers<[1], [0], [0], [1], [0, 0, 1, 1], [], []>, transpose_lhs_hint = false} : vector<256x256xf32>, vector<256x128xf32>, vector<256x128xf32> -> vector<256x128xf32>
    %max3A_212 = arith.maximumf %max3A_201, %dot_general3A_211 : vector<256x128xf32>
    %add3A_213 = arith.addf %add3A_202, %dot_general3A_211 : vector<256x128xf32>
    %mul3A_214 = arith.mulf %dot_general3A_211, %dot_general3A_211 : vector<256x128xf32>
    %add3A_215 = arith.addf %add3A_204, %mul3A_214 : vector<256x128xf32>
    %swap3A = arith.constant 0 : index
    %swap3A_216 = arith.constant 0 : index
    %swap3A_217 = vector.load %arg4[%swap3A, %swap3A_216] : memref<256x128xf32, #tpu.memory_space<vmem>>, vector<256x128xf32>
    tpu.vector_store %arg4[%swap3A, %swap3A_216], %max3A_212 {strides = array<i32>} : memref<256x128xf32, #tpu.memory_space<vmem>>, vector<256x128xf32>,
    %reduce_sum3A = arith.constant dense<0.000000e+00> : vector<128xf32>
    %reduce_sum3A_218 = vector.multi_reduction <add>, %add3A_213, %reduce_sum3A [0] : vector<256x128xf32> to vector<128xf32>
    %swap3A_219 = arith.constant 0 : index
    %swap3A_220 = arith.constant 0 : index
    %swap3A_221 = arith.constant 0 : index
    %swap3A_222 = vector.load %arg5[%swap3A_219, %swap3A_220, %swap3A_221] : memref<1x2x128xf32, #tpu.memory_space<vmem>>, vector<1x1x128xf32>
    %swap3A_223 = vector.shape_cast %swap3A_222 : vector<1x1x128xf32> to vector<128xf32>
    %swap3A_224 = vector.shape_cast %reduce_sum3A_218 : vector<128xf32> to vector<1x1x128xf32>
    tpu.vector_store %arg5[%swap3A_219, %swap3A_220, %swap3A_221], %swap3A_224 {strides = array<i32>} : memref<1x2x128xf32, #tpu.memory_space<vmem>>, vector<1x1x128xf32>,
    %reduce_sum3A_225 = arith.constant dense<0.000000e+00> : vector<128xf32>
    %reduce_sum3A_226 = vector.multi_reduction <add>, %add3A_215, %reduce_sum3A_225 [0] : vector<256x128xf32> to vector<128xf32>
    %swap3A_227 = arith.constant 0 : index
    %swap3A_228 = arith.constant 1 : index
    %swap3A_229 = arith.constant 0 : index
    %swap3A_230 = vector.load %arg5[%swap3A_227, %swap3A_228, %swap3A_229] : memref<1x2x128xf32, #tpu.memory_space<vmem>>, vector<1x1x128xf32>
    %swap3A_231 = vector.shape_cast %swap3A_230 : vector<1x1x128xf32> to vector<128xf32>
    %swap3A_232 = vector.shape_cast %reduce_sum3A_226 : vector<128xf32> to vector<1x1x128xf32>
    tpu.vector_store %arg5[%swap3A_227, %swap3A_228, %swap3A_229], %swap3A_232 {strides = array<i32>} : memref<1x2x128xf32, #tpu.memory_space<vmem>>, vector<1x1x128xf32>,
    return
  }
  func.func @transform_0(%arg0: i32) -> (i32, i32) {
    %c0_i32 = arith.constant 0 : i32
    %c0_i32_0 = arith.constant 0 : i32
    return %arg0, %c0_i32 : i32, i32
  }
  func.func @transform_1(%arg0: i32) -> (i32, i32) {
    %c0_i32 = arith.constant 0 : i32
    %c0_i32_0 = arith.constant 0 : i32
    return %arg0, %c0_i32 : i32, i32
  }
  func.func @transform_2(%arg0: i32) -> (i32, i32) {
    %c0_i32 = arith.constant 0 : i32
    %c0_i32_0 = arith.constant 0 : i32
    %c0_i32_1 = arith.constant 0 : i32
    return %c0_i32, %c0_i32_0 : i32, i32
  }
  func.func @transform_3(%arg0: i32) -> (i32, i32) {
    %c0_i32 = arith.constant 0 : i32
    %c0_i32_0 = arith.constant 0 : i32
    return %arg0, %c0_i32 : i32, i32
  }
  func.func @transform_4(%arg0: i32) -> (i32, i32, i32) {
    %c0_i32 = arith.constant 0 : i32
    %c0_i32_0 = arith.constant 0 : i32
    %c0_i32_1 = arith.constant 0 : i32
    return %arg0, %c0_i32, %c0_i32_0 : i32, i32, i32
  }
}

module attributes {stable_mosaic.version = 14 : i64} {
  func.func @_conv_body(%arg0: i32, %arg1: memref<256x128xf32, #tpu.memory_space<vmem>>, %arg2: memref<256x3072xf32, #tpu.memory_space<vmem>>, %arg3: memref<256x256xf32, #tpu.memory_space<vmem>>, %arg4: memref<256x256xf32, #tpu.memory_space<vmem>>, %arg5: memref<1x2x256xf32, #tpu.memory_space<vmem>>) attributes {dimension_semantics = [#tpu.dimension_semantics<arbitrary>], iteration_bounds = array<i64: 32>, scalar_prefetch = 0 : i64, scratch_operands = 0 : i64, tpu.core_type = #tpu.core_type<tc>, window_params = [{transform_indices = @transform_0, window_bounds = array<i64: 256, 128>}, {transform_indices = @transform_1, window_bounds = array<i64: 256, 3072>}, {pipeline_mode = #tpu.pipeline_mode<synchronous>, transform_indices = @transform_2, window_bounds = array<i64: 256, 256>}, {transform_indices = @transform_3, window_bounds = array<i64: 256, 256>}, {transform_indices = @transform_4, window_bounds = array<i64: 1, 2, 256>}]} {
    %get3A = arith.constant 0 : index
    %get3A_0 = arith.constant 0 : index
    %get3A_1 = vector.load %arg1[%get3A, %get3A_0] : memref<256x128xf32, #tpu.memory_space<vmem>>, vector<256x128xf32>
    %get3A_2 = arith.constant 0 : index
    %get3A_3 = arith.constant 0 : index
    %get3A_4 = vector.load %arg3[%get3A_2, %get3A_3] : memref<256x256xf32, #tpu.memory_space<vmem>>, vector<256x256xf32>
    %get3A_5 = arith.constant 0 : index
    %get3A_6 = arith.constant 0 : index
    %get3A_7 = vector.load %arg2[%get3A_5, %get3A_6] : memref<256x3072xf32, #tpu.memory_space<vmem>>, vector<256x128xf32>
    %sub3A = arith.subf %get3A_7, %get3A_1 : vector<256x128xf32>
    %concatenate3A = tpu.concatenate %sub3A, %get3A_1 in 1 : vector<256x128xf32>, vector<256x128xf32> -> vector<256x256xf32>
    %dot_general3A = arith.constant dense<0.000000e+00> : vector<256x256xf32>
    %dot_general3A_8 = tpu.matmul %concatenate3A, %get3A_4, %dot_general3A {dimension_numbers = #tpu.dot_dimension_numbers<[1], [0], [0], [1], [0, 0, 1, 1], [], []>, transpose_lhs_hint = false} : vector<256x256xf32>, vector<256x256xf32>, vector<256x256xf32> -> vector<256x256xf32>
    %mul3A = arith.mulf %dot_general3A_8, %dot_general3A_8 : vector<256x256xf32>
    %get3A_9 = arith.constant 0 : index
    %get3A_10 = arith.constant 128 : index
    %get3A_11 = vector.load %arg2[%get3A_9, %get3A_10] : memref<256x3072xf32, #tpu.memory_space<vmem>>, vector<256x128xf32>
    %sub3A_12 = arith.subf %get3A_11, %get3A_1 : vector<256x128xf32>
    %concatenate3A_13 = tpu.concatenate %sub3A_12, %get3A_1 in 1 : vector<256x128xf32>, vector<256x128xf32> -> vector<256x256xf32>
    %dot_general3A_14 = arith.constant dense<0.000000e+00> : vector<256x256xf32>
    %dot_general3A_15 = tpu.matmul %concatenate3A_13, %get3A_4, %dot_general3A_14 {dimension_numbers = #tpu.dot_dimension_numbers<[1], [0], [0], [1], [0, 0, 1, 1], [], []>, transpose_lhs_hint = false} : vector<256x256xf32>, vector<256x256xf32>, vector<256x256xf32> -> vector<256x256xf32>
    %max3A = arith.maximumf %dot_general3A_8, %dot_general3A_15 : vector<256x256xf32>
    %add3A = arith.addf %dot_general3A_8, %dot_general3A_15 : vector<256x256xf32>
    %mul3A_16 = arith.mulf %dot_general3A_15, %dot_general3A_15 : vector<256x256xf32>
    %add3A_17 = arith.addf %mul3A, %mul3A_16 : vector<256x256xf32>
    %get3A_18 = arith.constant 0 : index
    %get3A_19 = arith.constant 256 : index
    %get3A_20 = vector.load %arg2[%get3A_18, %get3A_19] : memref<256x3072xf32, #tpu.memory_space<vmem>>, vector<256x128xf32>
    %sub3A_21 = arith.subf %get3A_20, %get3A_1 : vector<256x128xf32>
    %concatenate3A_22 = tpu.concatenate %sub3A_21, %get3A_1 in 1 : vector<256x128xf32>, vector<256x128xf32> -> vector<256x256xf32>
    %dot_general3A_23 = arith.constant dense<0.000000e+00> : vector<256x256xf32>
    %dot_general3A_24 = tpu.matmul %concatenate3A_22, %get3A_4, %dot_general3A_23 {dimension_numbers = #tpu.dot_dimension_numbers<[1], [0], [0], [1], [0, 0, 1, 1], [], []>, transpose_lhs_hint = false} : vector<256x256xf32>, vector<256x256xf32>, vector<256x256xf32> -> vector<256x256xf32>
    %max3A_25 = arith.maximumf %max3A, %dot_general3A_24 : vector<256x256xf32>
    %add3A_26 = arith.addf %add3A, %dot_general3A_24 : vector<256x256xf32>
    %mul3A_27 = arith.mulf %dot_general3A_24, %dot_general3A_24 : vector<256x256xf32>
    %add3A_28 = arith.addf %add3A_17, %mul3A_27 : vector<256x256xf32>
    %get3A_29 = arith.constant 0 : index
    %get3A_30 = arith.constant 384 : index
    %get3A_31 = vector.load %arg2[%get3A_29, %get3A_30] : memref<256x3072xf32, #tpu.memory_space<vmem>>, vector<256x128xf32>
    %sub3A_32 = arith.subf %get3A_31, %get3A_1 : vector<256x128xf32>
    %concatenate3A_33 = tpu.concatenate %sub3A_32, %get3A_1 in 1 : vector<256x128xf32>, vector<256x128xf32> -> vector<256x256xf32>
    %dot_general3A_34 = arith.constant dense<0.000000e+00> : vector<256x256xf32>
    %dot_general3A_35 = tpu.matmul %concatenate3A_33, %get3A_4, %dot_general3A_34 {dimension_numbers = #tpu.dot_dimension_numbers<[1], [0], [0], [1], [0, 0, 1, 1], [], []>, transpose_lhs_hint = false} : vector<256x256xf32>, vector<256x256xf32>, vector<256x256xf32> -> vector<256x256xf32>
    %max3A_36 = arith.maximumf %max3A_25, %dot_general3A_35 : vector<256x256xf32>
    %add3A_37 = arith.addf %add3A_26, %dot_general3A_35 : vector<256x256xf32>
    %mul3A_38 = arith.mulf %dot_general3A_35, %dot_general3A_35 : vector<256x256xf32>
    %add3A_39 = arith.addf %add3A_28, %mul3A_38 : vector<256x256xf32>
    %get3A_40 = arith.constant 0 : index
    %get3A_41 = arith.constant 512 : index
    %get3A_42 = vector.load %arg2[%get3A_40, %get3A_41] : memref<256x3072xf32, #tpu.memory_space<vmem>>, vector<256x128xf32>
    %sub3A_43 = arith.subf %get3A_42, %get3A_1 : vector<256x128xf32>
    %concatenate3A_44 = tpu.concatenate %sub3A_43, %get3A_1 in 1 : vector<256x128xf32>, vector<256x128xf32> -> vector<256x256xf32>
    %dot_general3A_45 = arith.constant dense<0.000000e+00> : vector<256x256xf32>
    %dot_general3A_46 = tpu.matmul %concatenate3A_44, %get3A_4, %dot_general3A_45 {dimension_numbers = #tpu.dot_dimension_numbers<[1], [0], [0], [1], [0, 0, 1, 1], [], []>, transpose_lhs_hint = false} : vector<256x256xf32>, vector<256x256xf32>, vector<256x256xf32> -> vector<256x256xf32>
    %max3A_47 = arith.maximumf %max3A_36, %dot_general3A_46 : vector<256x256xf32>
    %add3A_48 = arith.addf %add3A_37, %dot_general3A_46 : vector<256x256xf32>
    %mul3A_49 = arith.mulf %dot_general3A_46, %dot_general3A_46 : vector<256x256xf32>
    %add3A_50 = arith.addf %add3A_39, %mul3A_49 : vector<256x256xf32>
    %get3A_51 = arith.constant 0 : index
    %get3A_52 = arith.constant 640 : index
    %get3A_53 = vector.load %arg2[%get3A_51, %get3A_52] : memref<256x3072xf32, #tpu.memory_space<vmem>>, vector<256x128xf32>
    %sub3A_54 = arith.subf %get3A_53, %get3A_1 : vector<256x128xf32>
    %concatenate3A_55 = tpu.concatenate %sub3A_54, %get3A_1 in 1 : vector<256x128xf32>, vector<256x128xf32> -> vector<256x256xf32>
    %dot_general3A_56 = arith.constant dense<0.000000e+00> : vector<256x256xf32>
    %dot_general3A_57 = tpu.matmul %concatenate3A_55, %get3A_4, %dot_general3A_56 {dimension_numbers = #tpu.dot_dimension_numbers<[1], [0], [0], [1], [0, 0, 1, 1], [], []>, transpose_lhs_hint = false} : vector<256x256xf32>, vector<256x256xf32>, vector<256x256xf32> -> vector<256x256xf32>
    %max3A_58 = arith.maximumf %max3A_47, %dot_general3A_57 : vector<256x256xf32>
    %add3A_59 = arith.addf %add3A_48, %dot_general3A_57 : vector<256x256xf32>
    %mul3A_60 = arith.mulf %dot_general3A_57, %dot_general3A_57 : vector<256x256xf32>
    %add3A_61 = arith.addf %add3A_50, %mul3A_60 : vector<256x256xf32>
    %get3A_62 = arith.constant 0 : index
    %get3A_63 = arith.constant 768 : index
    %get3A_64 = vector.load %arg2[%get3A_62, %get3A_63] : memref<256x3072xf32, #tpu.memory_space<vmem>>, vector<256x128xf32>
    %sub3A_65 = arith.subf %get3A_64, %get3A_1 : vector<256x128xf32>
    %concatenate3A_66 = tpu.concatenate %sub3A_65, %get3A_1 in 1 : vector<256x128xf32>, vector<256x128xf32> -> vector<256x256xf32>
    %dot_general3A_67 = arith.constant dense<0.000000e+00> : vector<256x256xf32>
    %dot_general3A_68 = tpu.matmul %concatenate3A_66, %get3A_4, %dot_general3A_67 {dimension_numbers = #tpu.dot_dimension_numbers<[1], [0], [0], [1], [0, 0, 1, 1], [], []>, transpose_lhs_hint = false} : vector<256x256xf32>, vector<256x256xf32>, vector<256x256xf32> -> vector<256x256xf32>
    %max3A_69 = arith.maximumf %max3A_58, %dot_general3A_68 : vector<256x256xf32>
    %add3A_70 = arith.addf %add3A_59, %dot_general3A_68 : vector<256x256xf32>
    %mul3A_71 = arith.mulf %dot_general3A_68, %dot_general3A_68 : vector<256x256xf32>
    %add3A_72 = arith.addf %add3A_61, %mul3A_71 : vector<256x256xf32>
    %get3A_73 = arith.constant 0 : index
    %get3A_74 = arith.constant 896 : index
    %get3A_75 = vector.load %arg2[%get3A_73, %get3A_74] : memref<256x3072xf32, #tpu.memory_space<vmem>>, vector<256x128xf32>
    %sub3A_76 = arith.subf %get3A_75, %get3A_1 : vector<256x128xf32>
    %concatenate3A_77 = tpu.concatenate %sub3A_76, %get3A_1 in 1 : vector<256x128xf32>, vector<256x128xf32> -> vector<256x256xf32>
    %dot_general3A_78 = arith.constant dense<0.000000e+00> : vector<256x256xf32>
    %dot_general3A_79 = tpu.matmul %concatenate3A_77, %get3A_4, %dot_general3A_78 {dimension_numbers = #tpu.dot_dimension_numbers<[1], [0], [0], [1], [0, 0, 1, 1], [], []>, transpose_lhs_hint = false} : vector<256x256xf32>, vector<256x256xf32>, vector<256x256xf32> -> vector<256x256xf32>
    %max3A_80 = arith.maximumf %max3A_69, %dot_general3A_79 : vector<256x256xf32>
    %add3A_81 = arith.addf %add3A_70, %dot_general3A_79 : vector<256x256xf32>
    %mul3A_82 = arith.mulf %dot_general3A_79, %dot_general3A_79 : vector<256x256xf32>
    %add3A_83 = arith.addf %add3A_72, %mul3A_82 : vector<256x256xf32>
    %get3A_84 = arith.constant 0 : index
    %get3A_85 = arith.constant 1024 : index
    %get3A_86 = vector.load %arg2[%get3A_84, %get3A_85] : memref<256x3072xf32, #tpu.memory_space<vmem>>, vector<256x128xf32>
    %sub3A_87 = arith.subf %get3A_86, %get3A_1 : vector<256x128xf32>
    %concatenate3A_88 = tpu.concatenate %sub3A_87, %get3A_1 in 1 : vector<256x128xf32>, vector<256x128xf32> -> vector<256x256xf32>
    %dot_general3A_89 = arith.constant dense<0.000000e+00> : vector<256x256xf32>
    %dot_general3A_90 = tpu.matmul %concatenate3A_88, %get3A_4, %dot_general3A_89 {dimension_numbers = #tpu.dot_dimension_numbers<[1], [0], [0], [1], [0, 0, 1, 1], [], []>, transpose_lhs_hint = false} : vector<256x256xf32>, vector<256x256xf32>, vector<256x256xf32> -> vector<256x256xf32>
    %max3A_91 = arith.maximumf %max3A_80, %dot_general3A_90 : vector<256x256xf32>
    %add3A_92 = arith.addf %add3A_81, %dot_general3A_90 : vector<256x256xf32>
    %mul3A_93 = arith.mulf %dot_general3A_90, %dot_general3A_90 : vector<256x256xf32>
    %add3A_94 = arith.addf %add3A_83, %mul3A_93 : vector<256x256xf32>
    %get3A_95 = arith.constant 0 : index
    %get3A_96 = arith.constant 1152 : index
    %get3A_97 = vector.load %arg2[%get3A_95, %get3A_96] : memref<256x3072xf32, #tpu.memory_space<vmem>>, vector<256x128xf32>
    %sub3A_98 = arith.subf %get3A_97, %get3A_1 : vector<256x128xf32>
    %concatenate3A_99 = tpu.concatenate %sub3A_98, %get3A_1 in 1 : vector<256x128xf32>, vector<256x128xf32> -> vector<256x256xf32>
    %dot_general3A_100 = arith.constant dense<0.000000e+00> : vector<256x256xf32>
    %dot_general3A_101 = tpu.matmul %concatenate3A_99, %get3A_4, %dot_general3A_100 {dimension_numbers = #tpu.dot_dimension_numbers<[1], [0], [0], [1], [0, 0, 1, 1], [], []>, transpose_lhs_hint = false} : vector<256x256xf32>, vector<256x256xf32>, vector<256x256xf32> -> vector<256x256xf32>
    %max3A_102 = arith.maximumf %max3A_91, %dot_general3A_101 : vector<256x256xf32>
    %add3A_103 = arith.addf %add3A_92, %dot_general3A_101 : vector<256x256xf32>
    %mul3A_104 = arith.mulf %dot_general3A_101, %dot_general3A_101 : vector<256x256xf32>
    %add3A_105 = arith.addf %add3A_94, %mul3A_104 : vector<256x256xf32>
    %get3A_106 = arith.constant 0 : index
    %get3A_107 = arith.constant 1280 : index
    %get3A_108 = vector.load %arg2[%get3A_106, %get3A_107] : memref<256x3072xf32, #tpu.memory_space<vmem>>, vector<256x128xf32>
    %sub3A_109 = arith.subf %get3A_108, %get3A_1 : vector<256x128xf32>
    %concatenate3A_110 = tpu.concatenate %sub3A_109, %get3A_1 in 1 : vector<256x128xf32>, vector<256x128xf32> -> vector<256x256xf32>
    %dot_general3A_111 = arith.constant dense<0.000000e+00> : vector<256x256xf32>
    %dot_general3A_112 = tpu.matmul %concatenate3A_110, %get3A_4, %dot_general3A_111 {dimension_numbers = #tpu.dot_dimension_numbers<[1], [0], [0], [1], [0, 0, 1, 1], [], []>, transpose_lhs_hint = false} : vector<256x256xf32>, vector<256x256xf32>, vector<256x256xf32> -> vector<256x256xf32>
    %max3A_113 = arith.maximumf %max3A_102, %dot_general3A_112 : vector<256x256xf32>
    %add3A_114 = arith.addf %add3A_103, %dot_general3A_112 : vector<256x256xf32>
    %mul3A_115 = arith.mulf %dot_general3A_112, %dot_general3A_112 : vector<256x256xf32>
    %add3A_116 = arith.addf %add3A_105, %mul3A_115 : vector<256x256xf32>
    %get3A_117 = arith.constant 0 : index
    %get3A_118 = arith.constant 1408 : index
    %get3A_119 = vector.load %arg2[%get3A_117, %get3A_118] : memref<256x3072xf32, #tpu.memory_space<vmem>>, vector<256x128xf32>
    %sub3A_120 = arith.subf %get3A_119, %get3A_1 : vector<256x128xf32>
    %concatenate3A_121 = tpu.concatenate %sub3A_120, %get3A_1 in 1 : vector<256x128xf32>, vector<256x128xf32> -> vector<256x256xf32>
    %dot_general3A_122 = arith.constant dense<0.000000e+00> : vector<256x256xf32>
    %dot_general3A_123 = tpu.matmul %concatenate3A_121, %get3A_4, %dot_general3A_122 {dimension_numbers = #tpu.dot_dimension_numbers<[1], [0], [0], [1], [0, 0, 1, 1], [], []>, transpose_lhs_hint = false} : vector<256x256xf32>, vector<256x256xf32>, vector<256x256xf32> -> vector<256x256xf32>
    %max3A_124 = arith.maximumf %max3A_113, %dot_general3A_123 : vector<256x256xf32>
    %add3A_125 = arith.addf %add3A_114, %dot_general3A_123 : vector<256x256xf32>
    %mul3A_126 = arith.mulf %dot_general3A_123, %dot_general3A_123 : vector<256x256xf32>
    %add3A_127 = arith.addf %add3A_116, %mul3A_126 : vector<256x256xf32>
    %get3A_128 = arith.constant 0 : index
    %get3A_129 = arith.constant 1536 : index
    %get3A_130 = vector.load %arg2[%get3A_128, %get3A_129] : memref<256x3072xf32, #tpu.memory_space<vmem>>, vector<256x128xf32>
    %sub3A_131 = arith.subf %get3A_130, %get3A_1 : vector<256x128xf32>
    %concatenate3A_132 = tpu.concatenate %sub3A_131, %get3A_1 in 1 : vector<256x128xf32>, vector<256x128xf32> -> vector<256x256xf32>
    %dot_general3A_133 = arith.constant dense<0.000000e+00> : vector<256x256xf32>
    %dot_general3A_134 = tpu.matmul %concatenate3A_132, %get3A_4, %dot_general3A_133 {dimension_numbers = #tpu.dot_dimension_numbers<[1], [0], [0], [1], [0, 0, 1, 1], [], []>, transpose_lhs_hint = false} : vector<256x256xf32>, vector<256x256xf32>, vector<256x256xf32> -> vector<256x256xf32>
    %max3A_135 = arith.maximumf %max3A_124, %dot_general3A_134 : vector<256x256xf32>
    %add3A_136 = arith.addf %add3A_125, %dot_general3A_134 : vector<256x256xf32>
    %mul3A_137 = arith.mulf %dot_general3A_134, %dot_general3A_134 : vector<256x256xf32>
    %add3A_138 = arith.addf %add3A_127, %mul3A_137 : vector<256x256xf32>
    %get3A_139 = arith.constant 0 : index
    %get3A_140 = arith.constant 1664 : index
    %get3A_141 = vector.load %arg2[%get3A_139, %get3A_140] : memref<256x3072xf32, #tpu.memory_space<vmem>>, vector<256x128xf32>
    %sub3A_142 = arith.subf %get3A_141, %get3A_1 : vector<256x128xf32>
    %concatenate3A_143 = tpu.concatenate %sub3A_142, %get3A_1 in 1 : vector<256x128xf32>, vector<256x128xf32> -> vector<256x256xf32>
    %dot_general3A_144 = arith.constant dense<0.000000e+00> : vector<256x256xf32>
    %dot_general3A_145 = tpu.matmul %concatenate3A_143, %get3A_4, %dot_general3A_144 {dimension_numbers = #tpu.dot_dimension_numbers<[1], [0], [0], [1], [0, 0, 1, 1], [], []>, transpose_lhs_hint = false} : vector<256x256xf32>, vector<256x256xf32>, vector<256x256xf32> -> vector<256x256xf32>
    %max3A_146 = arith.maximumf %max3A_135, %dot_general3A_145 : vector<256x256xf32>
    %add3A_147 = arith.addf %add3A_136, %dot_general3A_145 : vector<256x256xf32>
    %mul3A_148 = arith.mulf %dot_general3A_145, %dot_general3A_145 : vector<256x256xf32>
    %add3A_149 = arith.addf %add3A_138, %mul3A_148 : vector<256x256xf32>
    %get3A_150 = arith.constant 0 : index
    %get3A_151 = arith.constant 1792 : index
    %get3A_152 = vector.load %arg2[%get3A_150, %get3A_151] : memref<256x3072xf32, #tpu.memory_space<vmem>>, vector<256x128xf32>
    %sub3A_153 = arith.subf %get3A_152, %get3A_1 : vector<256x128xf32>
    %concatenate3A_154 = tpu.concatenate %sub3A_153, %get3A_1 in 1 : vector<256x128xf32>, vector<256x128xf32> -> vector<256x256xf32>
    %dot_general3A_155 = arith.constant dense<0.000000e+00> : vector<256x256xf32>
    %dot_general3A_156 = tpu.matmul %concatenate3A_154, %get3A_4, %dot_general3A_155 {dimension_numbers = #tpu.dot_dimension_numbers<[1], [0], [0], [1], [0, 0, 1, 1], [], []>, transpose_lhs_hint = false} : vector<256x256xf32>, vector<256x256xf32>, vector<256x256xf32> -> vector<256x256xf32>
    %max3A_157 = arith.maximumf %max3A_146, %dot_general3A_156 : vector<256x256xf32>
    %add3A_158 = arith.addf %add3A_147, %dot_general3A_156 : vector<256x256xf32>
    %mul3A_159 = arith.mulf %dot_general3A_156, %dot_general3A_156 : vector<256x256xf32>
    %add3A_160 = arith.addf %add3A_149, %mul3A_159 : vector<256x256xf32>
    %get3A_161 = arith.constant 0 : index
    %get3A_162 = arith.constant 1920 : index
    %get3A_163 = vector.load %arg2[%get3A_161, %get3A_162] : memref<256x3072xf32, #tpu.memory_space<vmem>>, vector<256x128xf32>
    %sub3A_164 = arith.subf %get3A_163, %get3A_1 : vector<256x128xf32>
    %concatenate3A_165 = tpu.concatenate %sub3A_164, %get3A_1 in 1 : vector<256x128xf32>, vector<256x128xf32> -> vector<256x256xf32>
    %dot_general3A_166 = arith.constant dense<0.000000e+00> : vector<256x256xf32>
    %dot_general3A_167 = tpu.matmul %concatenate3A_165, %get3A_4, %dot_general3A_166 {dimension_numbers = #tpu.dot_dimension_numbers<[1], [0], [0], [1], [0, 0, 1, 1], [], []>, transpose_lhs_hint = false} : vector<256x256xf32>, vector<256x256xf32>, vector<256x256xf32> -> vector<256x256xf32>
    %max3A_168 = arith.maximumf %max3A_157, %dot_general3A_167 : vector<256x256xf32>
    %add3A_169 = arith.addf %add3A_158, %dot_general3A_167 : vector<256x256xf32>
    %mul3A_170 = arith.mulf %dot_general3A_167, %dot_general3A_167 : vector<256x256xf32>
    %add3A_171 = arith.addf %add3A_160, %mul3A_170 : vector<256x256xf32>
    %get3A_172 = arith.constant 0 : index
    %get3A_173 = arith.constant 2048 : index
    %get3A_174 = vector.load %arg2[%get3A_172, %get3A_173] : memref<256x3072xf32, #tpu.memory_space<vmem>>, vector<256x128xf32>
    %sub3A_175 = arith.subf %get3A_174, %get3A_1 : vector<256x128xf32>
    %concatenate3A_176 = tpu.concatenate %sub3A_175, %get3A_1 in 1 : vector<256x128xf32>, vector<256x128xf32> -> vector<256x256xf32>
    %dot_general3A_177 = arith.constant dense<0.000000e+00> : vector<256x256xf32>
    %dot_general3A_178 = tpu.matmul %concatenate3A_176, %get3A_4, %dot_general3A_177 {dimension_numbers = #tpu.dot_dimension_numbers<[1], [0], [0], [1], [0, 0, 1, 1], [], []>, transpose_lhs_hint = false} : vector<256x256xf32>, vector<256x256xf32>, vector<256x256xf32> -> vector<256x256xf32>
    %max3A_179 = arith.maximumf %max3A_168, %dot_general3A_178 : vector<256x256xf32>
    %add3A_180 = arith.addf %add3A_169, %dot_general3A_178 : vector<256x256xf32>
    %mul3A_181 = arith.mulf %dot_general3A_178, %dot_general3A_178 : vector<256x256xf32>
    %add3A_182 = arith.addf %add3A_171, %mul3A_181 : vector<256x256xf32>
    %get3A_183 = arith.constant 0 : index
    %get3A_184 = arith.constant 2176 : index
    %get3A_185 = vector.load %arg2[%get3A_183, %get3A_184] : memref<256x3072xf32, #tpu.memory_space<vmem>>, vector<256x128xf32>
    %sub3A_186 = arith.subf %get3A_185, %get3A_1 : vector<256x128xf32>
    %concatenate3A_187 = tpu.concatenate %sub3A_186, %get3A_1 in 1 : vector<256x128xf32>, vector<256x128xf32> -> vector<256x256xf32>
    %dot_general3A_188 = arith.constant dense<0.000000e+00> : vector<256x256xf32>
    %dot_general3A_189 = tpu.matmul %concatenate3A_187, %get3A_4, %dot_general3A_188 {dimension_numbers = #tpu.dot_dimension_numbers<[1], [0], [0], [1], [0, 0, 1, 1], [], []>, transpose_lhs_hint = false} : vector<256x256xf32>, vector<256x256xf32>, vector<256x256xf32> -> vector<256x256xf32>
    %max3A_190 = arith.maximumf %max3A_179, %dot_general3A_189 : vector<256x256xf32>
    %add3A_191 = arith.addf %add3A_180, %dot_general3A_189 : vector<256x256xf32>
    %mul3A_192 = arith.mulf %dot_general3A_189, %dot_general3A_189 : vector<256x256xf32>
    %add3A_193 = arith.addf %add3A_182, %mul3A_192 : vector<256x256xf32>
    %get3A_194 = arith.constant 0 : index
    %get3A_195 = arith.constant 2304 : index
    %get3A_196 = vector.load %arg2[%get3A_194, %get3A_195] : memref<256x3072xf32, #tpu.memory_space<vmem>>, vector<256x128xf32>
    %sub3A_197 = arith.subf %get3A_196, %get3A_1 : vector<256x128xf32>
    %concatenate3A_198 = tpu.concatenate %sub3A_197, %get3A_1 in 1 : vector<256x128xf32>, vector<256x128xf32> -> vector<256x256xf32>
    %dot_general3A_199 = arith.constant dense<0.000000e+00> : vector<256x256xf32>
    %dot_general3A_200 = tpu.matmul %concatenate3A_198, %get3A_4, %dot_general3A_199 {dimension_numbers = #tpu.dot_dimension_numbers<[1], [0], [0], [1], [0, 0, 1, 1], [], []>, transpose_lhs_hint = false} : vector<256x256xf32>, vector<256x256xf32>, vector<256x256xf32> -> vector<256x256xf32>
    %max3A_201 = arith.maximumf %max3A_190, %dot_general3A_200 : vector<256x256xf32>
    %add3A_202 = arith.addf %add3A_191, %dot_general3A_200 : vector<256x256xf32>
    %mul3A_203 = arith.mulf %dot_general3A_200, %dot_general3A_200 : vector<256x256xf32>
    %add3A_204 = arith.addf %add3A_193, %mul3A_203 : vector<256x256xf32>
    %get3A_205 = arith.constant 0 : index
    %get3A_206 = arith.constant 2432 : index
    %get3A_207 = vector.load %arg2[%get3A_205, %get3A_206] : memref<256x3072xf32, #tpu.memory_space<vmem>>, vector<256x128xf32>
    %sub3A_208 = arith.subf %get3A_207, %get3A_1 : vector<256x128xf32>
    %concatenate3A_209 = tpu.concatenate %sub3A_208, %get3A_1 in 1 : vector<256x128xf32>, vector<256x128xf32> -> vector<256x256xf32>
    %dot_general3A_210 = arith.constant dense<0.000000e+00> : vector<256x256xf32>
    %dot_general3A_211 = tpu.matmul %concatenate3A_209, %get3A_4, %dot_general3A_210 {dimension_numbers = #tpu.dot_dimension_numbers<[1], [0], [0], [1], [0, 0, 1, 1], [], []>, transpose_lhs_hint = false} : vector<256x256xf32>, vector<256x256xf32>, vector<256x256xf32> -> vector<256x256xf32>
    %max3A_212 = arith.maximumf %max3A_201, %dot_general3A_211 : vector<256x256xf32>
    %add3A_213 = arith.addf %add3A_202, %dot_general3A_211 : vector<256x256xf32>
    %mul3A_214 = arith.mulf %dot_general3A_211, %dot_general3A_211 : vector<256x256xf32>
    %add3A_215 = arith.addf %add3A_204, %mul3A_214 : vector<256x256xf32>
    %swap3A = arith.constant 0 : index
    %swap3A_216 = arith.constant 0 : index
    %swap3A_217 = vector.load %arg4[%swap3A, %swap3A_216] : memref<256x256xf32, #tpu.memory_space<vmem>>, vector<256x256xf32>
    tpu.vector_store %arg4[%swap3A, %swap3A_216], %max3A_212 {strides = array<i32>} : memref<256x256xf32, #tpu.memory_space<vmem>>, vector<256x256xf32>,
    %reduce_sum3A = arith.constant dense<0.000000e+00> : vector<256xf32>
    %reduce_sum3A_218 = vector.multi_reduction <add>, %add3A_213, %reduce_sum3A [0] : vector<256x256xf32> to vector<256xf32>
    %swap3A_219 = arith.constant 0 : index
    %swap3A_220 = arith.constant 0 : index
    %swap3A_221 = arith.constant 0 : index
    %swap3A_222 = vector.load %arg5[%swap3A_219, %swap3A_220, %swap3A_221] : memref<1x2x256xf32, #tpu.memory_space<vmem>>, vector<1x1x256xf32>
    %swap3A_223 = vector.shape_cast %swap3A_222 : vector<1x1x256xf32> to vector<256xf32>
    %swap3A_224 = vector.shape_cast %reduce_sum3A_218 : vector<256xf32> to vector<1x1x256xf32>
    tpu.vector_store %arg5[%swap3A_219, %swap3A_220, %swap3A_221], %swap3A_224 {strides = array<i32>} : memref<1x2x256xf32, #tpu.memory_space<vmem>>, vector<1x1x256xf32>,
    %reduce_sum3A_225 = arith.constant dense<0.000000e+00> : vector<256xf32>
    %reduce_sum3A_226 = vector.multi_reduction <add>, %add3A_215, %reduce_sum3A_225 [0] : vector<256x256xf32> to vector<256xf32>
    %swap3A_227 = arith.constant 0 : index
    %swap3A_228 = arith.constant 1 : index
    %swap3A_229 = arith.constant 0 : index
    %swap3A_230 = vector.load %arg5[%swap3A_227, %swap3A_228, %swap3A_229] : memref<1x2x256xf32, #tpu.memory_space<vmem>>, vector<1x1x256xf32>
    %swap3A_231 = vector.shape_cast %swap3A_230 : vector<1x1x256xf32> to vector<256xf32>
    %swap3A_232 = vector.shape_cast %reduce_sum3A_226 : vector<256xf32> to vector<1x1x256xf32>
    tpu.vector_store %arg5[%swap3A_227, %swap3A_228, %swap3A_229], %swap3A_232 {strides = array<i32>} : memref<1x2x256xf32, #tpu.memory_space<vmem>>, vector<1x1x256xf32>,
    return
  }
  func.func @transform_0(%arg0: i32) -> (i32, i32) {
    %c0_i32 = arith.constant 0 : i32
    %c0_i32_0 = arith.constant 0 : i32
    return %arg0, %c0_i32 : i32, i32
  }
  func.func @transform_1(%arg0: i32) -> (i32, i32) {
    %c0_i32 = arith.constant 0 : i32
    %c0_i32_0 = arith.constant 0 : i32
    return %arg0, %c0_i32 : i32, i32
  }
  func.func @transform_2(%arg0: i32) -> (i32, i32) {
    %c0_i32 = arith.constant 0 : i32
    %c0_i32_0 = arith.constant 0 : i32
    %c0_i32_1 = arith.constant 0 : i32
    return %c0_i32, %c0_i32_0 : i32, i32
  }
  func.func @transform_3(%arg0: i32) -> (i32, i32) {
    %c0_i32 = arith.constant 0 : i32
    %c0_i32_0 = arith.constant 0 : i32
    return %arg0, %c0_i32 : i32, i32
  }
  func.func @transform_4(%arg0: i32) -> (i32, i32, i32) {
    %c0_i32 = arith.constant 0 : i32
    %c0_i32_0 = arith.constant 0 : i32
    %c0_i32_1 = arith.constant 0 : i32
    return %arg0, %c0_i32, %c0_i32_0 : i32, i32, i32
  }
}

module attributes {stable_mosaic.version = 14 : i64} {
  func.func @_norm_body(%arg0: i32, %arg1: memref<1x256xf32, #tpu.memory_space<vmem>>, %arg2: memref<1x256xf32, #tpu.memory_space<vmem>>, %arg3: memref<32x2x256xf32, #tpu.memory_space<vmem>>, %arg4: memref<1024x256xf32, #tpu.memory_space<vmem>>, %arg5: memref<1024x256xf32, #tpu.memory_space<vmem>>) attributes {dimension_semantics = [#tpu.dimension_semantics<arbitrary>], iteration_bounds = array<i64: 8>, scalar_prefetch = 0 : i64, scratch_operands = 0 : i64, tpu.core_type = #tpu.core_type<tc>, window_params = [{pipeline_mode = #tpu.pipeline_mode<synchronous>, transform_indices = @transform_0, window_bounds = array<i64: 1, 256>}, {pipeline_mode = #tpu.pipeline_mode<synchronous>, transform_indices = @transform_1, window_bounds = array<i64: 1, 256>}, {pipeline_mode = #tpu.pipeline_mode<synchronous>, transform_indices = @transform_2, window_bounds = array<i64: 32, 2, 256>}, {transform_indices = @transform_3, window_bounds = array<i64: 1024, 256>}, {transform_indices = @transform_4, window_bounds = array<i64: 1024, 256>}]} {
    %get3A = arith.constant 0 : index
    %get3A_0 = arith.constant 0 : index
    %get3A_1 = arith.constant 0 : index
    %get3A_2 = vector.load %arg3[%get3A, %get3A_0, %get3A_1] : memref<32x2x256xf32, #tpu.memory_space<vmem>>, vector<32x1x256xf32>
    %get3A_3 = vector.shape_cast %get3A_2 : vector<32x1x256xf32> to vector<32x256xf32>
    %reduce_sum3A = arith.constant dense<0.000000e+00> : vector<256xf32>
    %reduce_sum3A_4 = vector.multi_reduction <add>, %get3A_3, %reduce_sum3A [0] : vector<32x256xf32> to vector<256xf32>
    %broadcast_in_dim3A = vector.shape_cast %reduce_sum3A_4 : vector<256xf32> to vector<1x256xf32>
    %mul3A = arith.constant 6.10351572E-6 : f32
    %mul3A_5 = vector.broadcast %mul3A : f32 to vector<1x256xf32>
    %mul3A_6 = arith.mulf %broadcast_in_dim3A, %mul3A_5 : vector<1x256xf32>
    %get3A_7 = arith.constant 0 : index
    %get3A_8 = arith.constant 1 : index
    %get3A_9 = arith.constant 0 : index
    %get3A_10 = vector.load %arg3[%get3A_7, %get3A_8, %get3A_9] : memref<32x2x256xf32, #tpu.memory_space<vmem>>, vector<32x1x256xf32>
    %get3A_11 = vector.shape_cast %get3A_10 : vector<32x1x256xf32> to vector<32x256xf32>
    %reduce_sum3A_12 = arith.constant dense<0.000000e+00> : vector<256xf32>
    %reduce_sum3A_13 = vector.multi_reduction <add>, %get3A_11, %reduce_sum3A_12 [0] : vector<32x256xf32> to vector<256xf32>
    %broadcast_in_dim3A_14 = vector.shape_cast %reduce_sum3A_13 : vector<256xf32> to vector<1x256xf32>
    %mul3A_15 = arith.constant 6.10351572E-6 : f32
    %mul3A_16 = vector.broadcast %mul3A_15 : f32 to vector<1x256xf32>
    %mul3A_17 = arith.mulf %broadcast_in_dim3A_14, %mul3A_16 : vector<1x256xf32>
    %mul3A_18 = arith.mulf %mul3A_6, %mul3A_6 : vector<1x256xf32>
    %sub3A = arith.subf %mul3A_17, %mul3A_18 : vector<1x256xf32>
    %get3A_19 = arith.constant 0 : index
    %get3A_20 = arith.constant 0 : index
    %get3A_21 = vector.load %arg4[%get3A_19, %get3A_20] : memref<1024x256xf32, #tpu.memory_space<vmem>>, vector<1024x256xf32>
    %sub3A_22 = vector.broadcast %mul3A_6 : vector<1x256xf32> to vector<1024x256xf32>
    %sub3A_23 = arith.subf %get3A_21, %sub3A_22 : vector<1024x256xf32>
    %add3A = arith.constant 9.99999974E-6 : f32
    %add3A_24 = vector.broadcast %add3A : f32 to vector<1x256xf32>
    %add3A_25 = arith.addf %sub3A, %add3A_24 : vector<1x256xf32>
    %sqrt3A = math.sqrt %add3A_25 : vector<1x256xf32>
    %div3A = vector.broadcast %sqrt3A : vector<1x256xf32> to vector<1024x256xf32>
    %div3A_26 = arith.divf %sub3A_23, %div3A : vector<1024x256xf32>
    %get3A_27 = arith.constant 0 : index
    %get3A_28 = arith.constant 0 : index
    %get3A_29 = vector.load %arg1[%get3A_27, %get3A_28] : memref<1x256xf32, #tpu.memory_space<vmem>>, vector<1x256xf32>
    %mul3A_30 = vector.broadcast %get3A_29 : vector<1x256xf32> to vector<1024x256xf32>
    %mul3A_31 = arith.mulf %div3A_26, %mul3A_30 : vector<1024x256xf32>
    %get3A_32 = arith.constant 0 : index
    %get3A_33 = arith.constant 0 : index
    %get3A_34 = vector.load %arg2[%get3A_32, %get3A_33] : memref<1x256xf32, #tpu.memory_space<vmem>>, vector<1x256xf32>
    %add3A_35 = vector.broadcast %get3A_34 : vector<1x256xf32> to vector<1024x256xf32>
    %add3A_36 = arith.addf %mul3A_31, %add3A_35 : vector<1024x256xf32>
    %gt3A = arith.constant 0.000000e+00 : f32
    %gt3A_37 = vector.broadcast %gt3A : f32 to vector<1024x256xf32>
    %gt3A_38 = arith.cmpf ogt, %add3A_36, %gt3A_37 : vector<1024x256xf32>
    %mul3A_39 = arith.constant 2.000000e-01 : f32
    %mul3A_40 = vector.broadcast %mul3A_39 : f32 to vector<1024x256xf32>
    %mul3A_41 = arith.mulf %mul3A_40, %add3A_36 : vector<1024x256xf32>
    %select_n3A = arith.select %gt3A_38, %add3A_36, %mul3A_41 : vector<1024x256xi1>, vector<1024x256xf32>
    %jit3A = arith.constant 0 : i32
    %convert_element_type3A = arith.sitofp %jit3A : i32 to f32
    %swap3A = arith.constant 0 : index
    %swap3A_42 = arith.constant 0 : index
    %swap3A_43 = vector.load %arg5[%swap3A, %swap3A_42] : memref<1024x256xf32, #tpu.memory_space<vmem>>, vector<1024x256xf32>
    tpu.vector_store %arg5[%swap3A, %swap3A_42], %select_n3A {strides = array<i32>} : memref<1024x256xf32, #tpu.memory_space<vmem>>, vector<1024x256xf32>,
    return
  }
  func.func @transform_0(%arg0: i32) -> (i32, i32) {
    %c0_i32 = arith.constant 0 : i32
    %c0_i32_0 = arith.constant 0 : i32
    %c0_i32_1 = arith.constant 0 : i32
    return %c0_i32, %c0_i32_0 : i32, i32
  }
  func.func @transform_1(%arg0: i32) -> (i32, i32) {
    %c0_i32 = arith.constant 0 : i32
    %c0_i32_0 = arith.constant 0 : i32
    %c0_i32_1 = arith.constant 0 : i32
    return %c0_i32, %c0_i32_0 : i32, i32
  }
  func.func @transform_2(%arg0: i32) -> (i32, i32, i32) {
    %c0_i32 = arith.constant 0 : i32
    %c0_i32_0 = arith.constant 0 : i32
    %c0_i32_1 = arith.constant 0 : i32
    %c0_i32_2 = arith.constant 0 : i32
    return %c0_i32, %c0_i32_0, %c0_i32_1 : i32, i32, i32
  }
  func.func @transform_3(%arg0: i32) -> (i32, i32) {
    %c0_i32 = arith.constant 0 : i32
    %c0_i32_0 = arith.constant 0 : i32
    return %arg0, %c0_i32 : i32, i32
  }
  func.func @transform_4(%arg0: i32) -> (i32, i32) {
    %c0_i32 = arith.constant 0 : i32
    %c0_i32_0 = arith.constant 0 : i32
    return %arg0, %c0_i32 : i32, i32
  }
}

module attributes {stable_mosaic.version = 14 : i64} {
  func.func @_topk_body(%arg0: i32, %arg1: i32, %arg2: memref<1x256x256xf32, #tpu.memory_space<vmem>>, %arg3: memref<1x1024x256xf32, #tpu.memory_space<vmem>>, %arg4: memref<1x256x24xi32, #tpu.memory_space<vmem>>) attributes {dimension_semantics = [#tpu.dimension_semantics<arbitrary>, #tpu.dimension_semantics<arbitrary>], iteration_bounds = array<i64: 8, 4>, scalar_prefetch = 0 : i64, scratch_operands = 0 : i64, tpu.core_type = #tpu.core_type<tc>, window_params = [{transform_indices = @transform_0, window_bounds = array<i64: 1, 256, 256>}, {transform_indices = @transform_1, window_bounds = array<i64: 1, 1024, 256>}, {transform_indices = @transform_2, window_bounds = array<i64: 1, 256, 24>}]} {
    %get3A = arith.constant 0 : index
    %get3A_0 = arith.constant 0 : index
    %get3A_1 = arith.constant 0 : index
    %get3A_2 = vector.load %arg2[%get3A, %get3A_0, %get3A_1] : memref<1x256x256xf32, #tpu.memory_space<vmem>>, vector<1x256x256xf32>
    %get3A_3 = vector.shape_cast %get3A_2 : vector<1x256x256xf32> to vector<256x256xf32>
    %get3A_4 = arith.constant 0 : index
    %get3A_5 = arith.constant 0 : index
    %get3A_6 = arith.constant 0 : index
    %get3A_7 = vector.load %arg3[%get3A_4, %get3A_5, %get3A_6] : memref<1x1024x256xf32, #tpu.memory_space<vmem>>, vector<1x1024x256xf32>
    %get3A_8 = vector.shape_cast %get3A_7 : vector<1x1024x256xf32> to vector<1024x256xf32>
    %dot_general3A = arith.constant dense<0.000000e+00> : vector<256x1024xf32>
    %dot_general3A_9 = tpu.matmul %get3A_3, %get3A_8, %dot_general3A {dimension_numbers = #tpu.dot_dimension_numbers<[1], [1], [0], [0], [0, 0, 1, 0], [], []>, transpose_lhs_hint = false} : vector<256x256xf32>, vector<1024x256xf32>, vector<256x1024xf32> -> vector<256x1024xf32>
    %mul3A = arith.constant -2.000000e+00 : f32
    %mul3A_10 = vector.broadcast %mul3A : f32 to vector<256x1024xf32>
    %mul3A_11 = arith.mulf %mul3A_10, %dot_general3A_9 : vector<256x1024xf32>
    %mul3A_12 = arith.mulf %get3A_3, %get3A_3 : vector<256x256xf32>
    %reduce_sum3A = arith.constant dense<0.000000e+00> : vector<256xf32>
    %reduce_sum3A_13 = vector.multi_reduction <add>, %mul3A_12, %reduce_sum3A [1] : vector<256x256xf32> to vector<256xf32>
    %broadcast_in_dim3A = vector.shape_cast %reduce_sum3A_13 : vector<256xf32> to vector<256x1xf32>
    %mul3A_14 = arith.mulf %get3A_8, %get3A_8 : vector<1024x256xf32>
    %reduce_sum3A_15 = arith.constant dense<0.000000e+00> : vector<1024xf32>
    %reduce_sum3A_16 = vector.multi_reduction <add>, %mul3A_14, %reduce_sum3A_15 [1] : vector<1024x256xf32> to vector<1024xf32>
    %broadcast_in_dim3A_17 = vector.shape_cast %reduce_sum3A_16 : vector<1024xf32> to vector<1024x1xf32>
    %neg3A = arith.constant 0.000000e+00 : f32
    %neg3A_18 = vector.broadcast %neg3A : f32 to vector<256x1xf32>
    %neg3A_19 = arith.subf %neg3A_18, %broadcast_in_dim3A : vector<256x1xf32>
    %sub3A = vector.broadcast %neg3A_19 : vector<256x1xf32> to vector<256x1024xf32>
    %sub3A_20 = arith.subf %sub3A, %mul3A_11 : vector<256x1024xf32>
    %transpose3A = tpu.transpose %broadcast_in_dim3A_17, [1, 0] : vector<1024x1xf32> -> vector<1x1024xf32>
    %sub3A_21 = vector.broadcast %transpose3A : vector<1x1024xf32> to vector<256x1024xf32>
    %sub3A_22 = arith.subf %sub3A_20, %sub3A_21 : vector<256x1024xf32>
    %iota3A = tpu.iota {dimensions = array<i32: 1>} : vector<256x1024xi32>
    %reduce_max3A = arith.constant dense<0xFF800000> : vector<256xf32>
    %reduce_max3A_23 = vector.multi_reduction <maximumf>, %sub3A_22, %reduce_max3A [1] : vector<256x1024xf32> to vector<256xf32>
    %broadcast_in_dim3A_24 = vector.shape_cast %reduce_max3A_23 : vector<256xf32> to vector<256x1xf32>
    %ge3A = vector.broadcast %broadcast_in_dim3A_24 : vector<256x1xf32> to vector<256x1024xf32>
    %ge3A_25 = arith.cmpf oge, %sub3A_22, %ge3A : vector<256x1024xf32>
    %jit3A = arith.constant 1024 : i32
    %broadcast_in_dim3A_26 = vector.broadcast %jit3A : i32 to vector<256x1024xi32>
    %select_n3A = arith.select %ge3A_25, %iota3A, %broadcast_in_dim3A_26 : vector<256x1024xi1>, vector<256x1024xi32>
    %reduce_min3A = arith.constant dense<2147483647> : vector<256xi32>
    %reduce_min3A_27 = vector.multi_reduction <minsi>, %select_n3A, %reduce_min3A [1] : vector<256x1024xi32> to vector<256xi32>
    %broadcast_in_dim3A_28 = vector.shape_cast %reduce_min3A_27 : vector<256xi32> to vector<256x1xi32>
    %eq3A = vector.broadcast %broadcast_in_dim3A_28 : vector<256x1xi32> to vector<256x1024xi32>
    %eq3A_29 = arith.cmpi eq, %iota3A, %eq3A : vector<256x1024xi32>
    %jit3A_30 = arith.constant 0xFF800000 : f32
    %broadcast_in_dim3A_31 = vector.broadcast %jit3A_30 : f32 to vector<256x1024xf32>
    %select_n3A_32 = arith.select %eq3A_29, %broadcast_in_dim3A_31, %sub3A_22 : vector<256x1024xi1>, vector<256x1024xf32>
    %reduce_max3A_33 = arith.constant dense<0xFF800000> : vector<256xf32>
    %reduce_max3A_34 = vector.multi_reduction <maximumf>, %select_n3A_32, %reduce_max3A_33 [1] : vector<256x1024xf32> to vector<256xf32>
    %broadcast_in_dim3A_35 = vector.shape_cast %reduce_max3A_34 : vector<256xf32> to vector<256x1xf32>
    %ge3A_36 = vector.broadcast %broadcast_in_dim3A_35 : vector<256x1xf32> to vector<256x1024xf32>
    %ge3A_37 = arith.cmpf oge, %select_n3A_32, %ge3A_36 : vector<256x1024xf32>
    %jit3A_38 = arith.constant 1024 : i32
    %broadcast_in_dim3A_39 = vector.broadcast %jit3A_38 : i32 to vector<256x1024xi32>
    %select_n3A_40 = arith.select %ge3A_37, %iota3A, %broadcast_in_dim3A_39 : vector<256x1024xi1>, vector<256x1024xi32>
    %reduce_min3A_41 = arith.constant dense<2147483647> : vector<256xi32>
    %reduce_min3A_42 = vector.multi_reduction <minsi>, %select_n3A_40, %reduce_min3A_41 [1] : vector<256x1024xi32> to vector<256xi32>
    %broadcast_in_dim3A_43 = vector.shape_cast %reduce_min3A_42 : vector<256xi32> to vector<256x1xi32>
    %eq3A_44 = vector.broadcast %broadcast_in_dim3A_43 : vector<256x1xi32> to vector<256x1024xi32>
    %eq3A_45 = arith.cmpi eq, %iota3A, %eq3A_44 : vector<256x1024xi32>
    %jit3A_46 = arith.constant 0xFF800000 : f32
    %broadcast_in_dim3A_47 = vector.broadcast %jit3A_46 : f32 to vector<256x1024xf32>
    %select_n3A_48 = arith.select %eq3A_45, %broadcast_in_dim3A_47, %select_n3A_32 : vector<256x1024xi1>, vector<256x1024xf32>
    %reduce_max3A_49 = arith.constant dense<0xFF800000> : vector<256xf32>
    %reduce_max3A_50 = vector.multi_reduction <maximumf>, %select_n3A_48, %reduce_max3A_49 [1] : vector<256x1024xf32> to vector<256xf32>
    %broadcast_in_dim3A_51 = vector.shape_cast %reduce_max3A_50 : vector<256xf32> to vector<256x1xf32>
    %ge3A_52 = vector.broadcast %broadcast_in_dim3A_51 : vector<256x1xf32> to vector<256x1024xf32>
    %ge3A_53 = arith.cmpf oge, %select_n3A_48, %ge3A_52 : vector<256x1024xf32>
    %jit3A_54 = arith.constant 1024 : i32
    %broadcast_in_dim3A_55 = vector.broadcast %jit3A_54 : i32 to vector<256x1024xi32>
    %select_n3A_56 = arith.select %ge3A_53, %iota3A, %broadcast_in_dim3A_55 : vector<256x1024xi1>, vector<256x1024xi32>
    %reduce_min3A_57 = arith.constant dense<2147483647> : vector<256xi32>
    %reduce_min3A_58 = vector.multi_reduction <minsi>, %select_n3A_56, %reduce_min3A_57 [1] : vector<256x1024xi32> to vector<256xi32>
    %broadcast_in_dim3A_59 = vector.shape_cast %reduce_min3A_58 : vector<256xi32> to vector<256x1xi32>
    %eq3A_60 = vector.broadcast %broadcast_in_dim3A_59 : vector<256x1xi32> to vector<256x1024xi32>
    %eq3A_61 = arith.cmpi eq, %iota3A, %eq3A_60 : vector<256x1024xi32>
    %jit3A_62 = arith.constant 0xFF800000 : f32
    %broadcast_in_dim3A_63 = vector.broadcast %jit3A_62 : f32 to vector<256x1024xf32>
    %select_n3A_64 = arith.select %eq3A_61, %broadcast_in_dim3A_63, %select_n3A_48 : vector<256x1024xi1>, vector<256x1024xf32>
    %reduce_max3A_65 = arith.constant dense<0xFF800000> : vector<256xf32>
    %reduce_max3A_66 = vector.multi_reduction <maximumf>, %select_n3A_64, %reduce_max3A_65 [1] : vector<256x1024xf32> to vector<256xf32>
    %broadcast_in_dim3A_67 = vector.shape_cast %reduce_max3A_66 : vector<256xf32> to vector<256x1xf32>
    %ge3A_68 = vector.broadcast %broadcast_in_dim3A_67 : vector<256x1xf32> to vector<256x1024xf32>
    %ge3A_69 = arith.cmpf oge, %select_n3A_64, %ge3A_68 : vector<256x1024xf32>
    %jit3A_70 = arith.constant 1024 : i32
    %broadcast_in_dim3A_71 = vector.broadcast %jit3A_70 : i32 to vector<256x1024xi32>
    %select_n3A_72 = arith.select %ge3A_69, %iota3A, %broadcast_in_dim3A_71 : vector<256x1024xi1>, vector<256x1024xi32>
    %reduce_min3A_73 = arith.constant dense<2147483647> : vector<256xi32>
    %reduce_min3A_74 = vector.multi_reduction <minsi>, %select_n3A_72, %reduce_min3A_73 [1] : vector<256x1024xi32> to vector<256xi32>
    %broadcast_in_dim3A_75 = vector.shape_cast %reduce_min3A_74 : vector<256xi32> to vector<256x1xi32>
    %eq3A_76 = vector.broadcast %broadcast_in_dim3A_75 : vector<256x1xi32> to vector<256x1024xi32>
    %eq3A_77 = arith.cmpi eq, %iota3A, %eq3A_76 : vector<256x1024xi32>
    %jit3A_78 = arith.constant 0xFF800000 : f32
    %broadcast_in_dim3A_79 = vector.broadcast %jit3A_78 : f32 to vector<256x1024xf32>
    %select_n3A_80 = arith.select %eq3A_77, %broadcast_in_dim3A_79, %select_n3A_64 : vector<256x1024xi1>, vector<256x1024xf32>
    %reduce_max3A_81 = arith.constant dense<0xFF800000> : vector<256xf32>
    %reduce_max3A_82 = vector.multi_reduction <maximumf>, %select_n3A_80, %reduce_max3A_81 [1] : vector<256x1024xf32> to vector<256xf32>
    %broadcast_in_dim3A_83 = vector.shape_cast %reduce_max3A_82 : vector<256xf32> to vector<256x1xf32>
    %ge3A_84 = vector.broadcast %broadcast_in_dim3A_83 : vector<256x1xf32> to vector<256x1024xf32>
    %ge3A_85 = arith.cmpf oge, %select_n3A_80, %ge3A_84 : vector<256x1024xf32>
    %jit3A_86 = arith.constant 1024 : i32
    %broadcast_in_dim3A_87 = vector.broadcast %jit3A_86 : i32 to vector<256x1024xi32>
    %select_n3A_88 = arith.select %ge3A_85, %iota3A, %broadcast_in_dim3A_87 : vector<256x1024xi1>, vector<256x1024xi32>
    %reduce_min3A_89 = arith.constant dense<2147483647> : vector<256xi32>
    %reduce_min3A_90 = vector.multi_reduction <minsi>, %select_n3A_88, %reduce_min3A_89 [1] : vector<256x1024xi32> to vector<256xi32>
    %broadcast_in_dim3A_91 = vector.shape_cast %reduce_min3A_90 : vector<256xi32> to vector<256x1xi32>
    %eq3A_92 = vector.broadcast %broadcast_in_dim3A_91 : vector<256x1xi32> to vector<256x1024xi32>
    %eq3A_93 = arith.cmpi eq, %iota3A, %eq3A_92 : vector<256x1024xi32>
    %jit3A_94 = arith.constant 0xFF800000 : f32
    %broadcast_in_dim3A_95 = vector.broadcast %jit3A_94 : f32 to vector<256x1024xf32>
    %select_n3A_96 = arith.select %eq3A_93, %broadcast_in_dim3A_95, %select_n3A_80 : vector<256x1024xi1>, vector<256x1024xf32>
    %reduce_max3A_97 = arith.constant dense<0xFF800000> : vector<256xf32>
    %reduce_max3A_98 = vector.multi_reduction <maximumf>, %select_n3A_96, %reduce_max3A_97 [1] : vector<256x1024xf32> to vector<256xf32>
    %broadcast_in_dim3A_99 = vector.shape_cast %reduce_max3A_98 : vector<256xf32> to vector<256x1xf32>
    %ge3A_100 = vector.broadcast %broadcast_in_dim3A_99 : vector<256x1xf32> to vector<256x1024xf32>
    %ge3A_101 = arith.cmpf oge, %select_n3A_96, %ge3A_100 : vector<256x1024xf32>
    %jit3A_102 = arith.constant 1024 : i32
    %broadcast_in_dim3A_103 = vector.broadcast %jit3A_102 : i32 to vector<256x1024xi32>
    %select_n3A_104 = arith.select %ge3A_101, %iota3A, %broadcast_in_dim3A_103 : vector<256x1024xi1>, vector<256x1024xi32>
    %reduce_min3A_105 = arith.constant dense<2147483647> : vector<256xi32>
    %reduce_min3A_106 = vector.multi_reduction <minsi>, %select_n3A_104, %reduce_min3A_105 [1] : vector<256x1024xi32> to vector<256xi32>
    %broadcast_in_dim3A_107 = vector.shape_cast %reduce_min3A_106 : vector<256xi32> to vector<256x1xi32>
    %eq3A_108 = vector.broadcast %broadcast_in_dim3A_107 : vector<256x1xi32> to vector<256x1024xi32>
    %eq3A_109 = arith.cmpi eq, %iota3A, %eq3A_108 : vector<256x1024xi32>
    %jit3A_110 = arith.constant 0xFF800000 : f32
    %broadcast_in_dim3A_111 = vector.broadcast %jit3A_110 : f32 to vector<256x1024xf32>
    %select_n3A_112 = arith.select %eq3A_109, %broadcast_in_dim3A_111, %select_n3A_96 : vector<256x1024xi1>, vector<256x1024xf32>
    %reduce_max3A_113 = arith.constant dense<0xFF800000> : vector<256xf32>
    %reduce_max3A_114 = vector.multi_reduction <maximumf>, %select_n3A_112, %reduce_max3A_113 [1] : vector<256x1024xf32> to vector<256xf32>
    %broadcast_in_dim3A_115 = vector.shape_cast %reduce_max3A_114 : vector<256xf32> to vector<256x1xf32>
    %ge3A_116 = vector.broadcast %broadcast_in_dim3A_115 : vector<256x1xf32> to vector<256x1024xf32>
    %ge3A_117 = arith.cmpf oge, %select_n3A_112, %ge3A_116 : vector<256x1024xf32>
    %jit3A_118 = arith.constant 1024 : i32
    %broadcast_in_dim3A_119 = vector.broadcast %jit3A_118 : i32 to vector<256x1024xi32>
    %select_n3A_120 = arith.select %ge3A_117, %iota3A, %broadcast_in_dim3A_119 : vector<256x1024xi1>, vector<256x1024xi32>
    %reduce_min3A_121 = arith.constant dense<2147483647> : vector<256xi32>
    %reduce_min3A_122 = vector.multi_reduction <minsi>, %select_n3A_120, %reduce_min3A_121 [1] : vector<256x1024xi32> to vector<256xi32>
    %broadcast_in_dim3A_123 = vector.shape_cast %reduce_min3A_122 : vector<256xi32> to vector<256x1xi32>
    %eq3A_124 = vector.broadcast %broadcast_in_dim3A_123 : vector<256x1xi32> to vector<256x1024xi32>
    %eq3A_125 = arith.cmpi eq, %iota3A, %eq3A_124 : vector<256x1024xi32>
    %jit3A_126 = arith.constant 0xFF800000 : f32
    %broadcast_in_dim3A_127 = vector.broadcast %jit3A_126 : f32 to vector<256x1024xf32>
    %select_n3A_128 = arith.select %eq3A_125, %broadcast_in_dim3A_127, %select_n3A_112 : vector<256x1024xi1>, vector<256x1024xf32>
    %reduce_max3A_129 = arith.constant dense<0xFF800000> : vector<256xf32>
    %reduce_max3A_130 = vector.multi_reduction <maximumf>, %select_n3A_128, %reduce_max3A_129 [1] : vector<256x1024xf32> to vector<256xf32>
    %broadcast_in_dim3A_131 = vector.shape_cast %reduce_max3A_130 : vector<256xf32> to vector<256x1xf32>
    %ge3A_132 = vector.broadcast %broadcast_in_dim3A_131 : vector<256x1xf32> to vector<256x1024xf32>
    %ge3A_133 = arith.cmpf oge, %select_n3A_128, %ge3A_132 : vector<256x1024xf32>
    %jit3A_134 = arith.constant 1024 : i32
    %broadcast_in_dim3A_135 = vector.broadcast %jit3A_134 : i32 to vector<256x1024xi32>
    %select_n3A_136 = arith.select %ge3A_133, %iota3A, %broadcast_in_dim3A_135 : vector<256x1024xi1>, vector<256x1024xi32>
    %reduce_min3A_137 = arith.constant dense<2147483647> : vector<256xi32>
    %reduce_min3A_138 = vector.multi_reduction <minsi>, %select_n3A_136, %reduce_min3A_137 [1] : vector<256x1024xi32> to vector<256xi32>
    %broadcast_in_dim3A_139 = vector.shape_cast %reduce_min3A_138 : vector<256xi32> to vector<256x1xi32>
    %eq3A_140 = vector.broadcast %broadcast_in_dim3A_139 : vector<256x1xi32> to vector<256x1024xi32>
    %eq3A_141 = arith.cmpi eq, %iota3A, %eq3A_140 : vector<256x1024xi32>
    %jit3A_142 = arith.constant 0xFF800000 : f32
    %broadcast_in_dim3A_143 = vector.broadcast %jit3A_142 : f32 to vector<256x1024xf32>
    %select_n3A_144 = arith.select %eq3A_141, %broadcast_in_dim3A_143, %select_n3A_128 : vector<256x1024xi1>, vector<256x1024xf32>
    %reduce_max3A_145 = arith.constant dense<0xFF800000> : vector<256xf32>
    %reduce_max3A_146 = vector.multi_reduction <maximumf>, %select_n3A_144, %reduce_max3A_145 [1] : vector<256x1024xf32> to vector<256xf32>
    %broadcast_in_dim3A_147 = vector.shape_cast %reduce_max3A_146 : vector<256xf32> to vector<256x1xf32>
    %ge3A_148 = vector.broadcast %broadcast_in_dim3A_147 : vector<256x1xf32> to vector<256x1024xf32>
    %ge3A_149 = arith.cmpf oge, %select_n3A_144, %ge3A_148 : vector<256x1024xf32>
    %jit3A_150 = arith.constant 1024 : i32
    %broadcast_in_dim3A_151 = vector.broadcast %jit3A_150 : i32 to vector<256x1024xi32>
    %select_n3A_152 = arith.select %ge3A_149, %iota3A, %broadcast_in_dim3A_151 : vector<256x1024xi1>, vector<256x1024xi32>
    %reduce_min3A_153 = arith.constant dense<2147483647> : vector<256xi32>
    %reduce_min3A_154 = vector.multi_reduction <minsi>, %select_n3A_152, %reduce_min3A_153 [1] : vector<256x1024xi32> to vector<256xi32>
    %broadcast_in_dim3A_155 = vector.shape_cast %reduce_min3A_154 : vector<256xi32> to vector<256x1xi32>
    %eq3A_156 = vector.broadcast %broadcast_in_dim3A_155 : vector<256x1xi32> to vector<256x1024xi32>
    %eq3A_157 = arith.cmpi eq, %iota3A, %eq3A_156 : vector<256x1024xi32>
    %jit3A_158 = arith.constant 0xFF800000 : f32
    %broadcast_in_dim3A_159 = vector.broadcast %jit3A_158 : f32 to vector<256x1024xf32>
    %select_n3A_160 = arith.select %eq3A_157, %broadcast_in_dim3A_159, %select_n3A_144 : vector<256x1024xi1>, vector<256x1024xf32>
    %reduce_max3A_161 = arith.constant dense<0xFF800000> : vector<256xf32>
    %reduce_max3A_162 = vector.multi_reduction <maximumf>, %select_n3A_160, %reduce_max3A_161 [1] : vector<256x1024xf32> to vector<256xf32>
    %broadcast_in_dim3A_163 = vector.shape_cast %reduce_max3A_162 : vector<256xf32> to vector<256x1xf32>
    %ge3A_164 = vector.broadcast %broadcast_in_dim3A_163 : vector<256x1xf32> to vector<256x1024xf32>
    %ge3A_165 = arith.cmpf oge, %select_n3A_160, %ge3A_164 : vector<256x1024xf32>
    %jit3A_166 = arith.constant 1024 : i32
    %broadcast_in_dim3A_167 = vector.broadcast %jit3A_166 : i32 to vector<256x1024xi32>
    %select_n3A_168 = arith.select %ge3A_165, %iota3A, %broadcast_in_dim3A_167 : vector<256x1024xi1>, vector<256x1024xi32>
    %reduce_min3A_169 = arith.constant dense<2147483647> : vector<256xi32>
    %reduce_min3A_170 = vector.multi_reduction <minsi>, %select_n3A_168, %reduce_min3A_169 [1] : vector<256x1024xi32> to vector<256xi32>
    %broadcast_in_dim3A_171 = vector.shape_cast %reduce_min3A_170 : vector<256xi32> to vector<256x1xi32>
    %eq3A_172 = vector.broadcast %broadcast_in_dim3A_171 : vector<256x1xi32> to vector<256x1024xi32>
    %eq3A_173 = arith.cmpi eq, %iota3A, %eq3A_172 : vector<256x1024xi32>
    %jit3A_174 = arith.constant 0xFF800000 : f32
    %broadcast_in_dim3A_175 = vector.broadcast %jit3A_174 : f32 to vector<256x1024xf32>
    %select_n3A_176 = arith.select %eq3A_173, %broadcast_in_dim3A_175, %select_n3A_160 : vector<256x1024xi1>, vector<256x1024xf32>
    %reduce_max3A_177 = arith.constant dense<0xFF800000> : vector<256xf32>
    %reduce_max3A_178 = vector.multi_reduction <maximumf>, %select_n3A_176, %reduce_max3A_177 [1] : vector<256x1024xf32> to vector<256xf32>
    %broadcast_in_dim3A_179 = vector.shape_cast %reduce_max3A_178 : vector<256xf32> to vector<256x1xf32>
    %ge3A_180 = vector.broadcast %broadcast_in_dim3A_179 : vector<256x1xf32> to vector<256x1024xf32>
    %ge3A_181 = arith.cmpf oge, %select_n3A_176, %ge3A_180 : vector<256x1024xf32>
    %jit3A_182 = arith.constant 1024 : i32
    %broadcast_in_dim3A_183 = vector.broadcast %jit3A_182 : i32 to vector<256x1024xi32>
    %select_n3A_184 = arith.select %ge3A_181, %iota3A, %broadcast_in_dim3A_183 : vector<256x1024xi1>, vector<256x1024xi32>
    %reduce_min3A_185 = arith.constant dense<2147483647> : vector<256xi32>
    %reduce_min3A_186 = vector.multi_reduction <minsi>, %select_n3A_184, %reduce_min3A_185 [1] : vector<256x1024xi32> to vector<256xi32>
    %broadcast_in_dim3A_187 = vector.shape_cast %reduce_min3A_186 : vector<256xi32> to vector<256x1xi32>
    %eq3A_188 = vector.broadcast %broadcast_in_dim3A_187 : vector<256x1xi32> to vector<256x1024xi32>
    %eq3A_189 = arith.cmpi eq, %iota3A, %eq3A_188 : vector<256x1024xi32>
    %jit3A_190 = arith.constant 0xFF800000 : f32
    %broadcast_in_dim3A_191 = vector.broadcast %jit3A_190 : f32 to vector<256x1024xf32>
    %select_n3A_192 = arith.select %eq3A_189, %broadcast_in_dim3A_191, %select_n3A_176 : vector<256x1024xi1>, vector<256x1024xf32>
    %reduce_max3A_193 = arith.constant dense<0xFF800000> : vector<256xf32>
    %reduce_max3A_194 = vector.multi_reduction <maximumf>, %select_n3A_192, %reduce_max3A_193 [1] : vector<256x1024xf32> to vector<256xf32>
    %broadcast_in_dim3A_195 = vector.shape_cast %reduce_max3A_194 : vector<256xf32> to vector<256x1xf32>
    %ge3A_196 = vector.broadcast %broadcast_in_dim3A_195 : vector<256x1xf32> to vector<256x1024xf32>
    %ge3A_197 = arith.cmpf oge, %select_n3A_192, %ge3A_196 : vector<256x1024xf32>
    %jit3A_198 = arith.constant 1024 : i32
    %broadcast_in_dim3A_199 = vector.broadcast %jit3A_198 : i32 to vector<256x1024xi32>
    %select_n3A_200 = arith.select %ge3A_197, %iota3A, %broadcast_in_dim3A_199 : vector<256x1024xi1>, vector<256x1024xi32>
    %reduce_min3A_201 = arith.constant dense<2147483647> : vector<256xi32>
    %reduce_min3A_202 = vector.multi_reduction <minsi>, %select_n3A_200, %reduce_min3A_201 [1] : vector<256x1024xi32> to vector<256xi32>
    %broadcast_in_dim3A_203 = vector.shape_cast %reduce_min3A_202 : vector<256xi32> to vector<256x1xi32>
    %eq3A_204 = vector.broadcast %broadcast_in_dim3A_203 : vector<256x1xi32> to vector<256x1024xi32>
    %eq3A_205 = arith.cmpi eq, %iota3A, %eq3A_204 : vector<256x1024xi32>
    %jit3A_206 = arith.constant 0xFF800000 : f32
    %broadcast_in_dim3A_207 = vector.broadcast %jit3A_206 : f32 to vector<256x1024xf32>
    %select_n3A_208 = arith.select %eq3A_205, %broadcast_in_dim3A_207, %select_n3A_192 : vector<256x1024xi1>, vector<256x1024xf32>
    %reduce_max3A_209 = arith.constant dense<0xFF800000> : vector<256xf32>
    %reduce_max3A_210 = vector.multi_reduction <maximumf>, %select_n3A_208, %reduce_max3A_209 [1] : vector<256x1024xf32> to vector<256xf32>
    %broadcast_in_dim3A_211 = vector.shape_cast %reduce_max3A_210 : vector<256xf32> to vector<256x1xf32>
    %ge3A_212 = vector.broadcast %broadcast_in_dim3A_211 : vector<256x1xf32> to vector<256x1024xf32>
    %ge3A_213 = arith.cmpf oge, %select_n3A_208, %ge3A_212 : vector<256x1024xf32>
    %jit3A_214 = arith.constant 1024 : i32
    %broadcast_in_dim3A_215 = vector.broadcast %jit3A_214 : i32 to vector<256x1024xi32>
    %select_n3A_216 = arith.select %ge3A_213, %iota3A, %broadcast_in_dim3A_215 : vector<256x1024xi1>, vector<256x1024xi32>
    %reduce_min3A_217 = arith.constant dense<2147483647> : vector<256xi32>
    %reduce_min3A_218 = vector.multi_reduction <minsi>, %select_n3A_216, %reduce_min3A_217 [1] : vector<256x1024xi32> to vector<256xi32>
    %broadcast_in_dim3A_219 = vector.shape_cast %reduce_min3A_218 : vector<256xi32> to vector<256x1xi32>
    %eq3A_220 = vector.broadcast %broadcast_in_dim3A_219 : vector<256x1xi32> to vector<256x1024xi32>
    %eq3A_221 = arith.cmpi eq, %iota3A, %eq3A_220 : vector<256x1024xi32>
    %jit3A_222 = arith.constant 0xFF800000 : f32
    %broadcast_in_dim3A_223 = vector.broadcast %jit3A_222 : f32 to vector<256x1024xf32>
    %select_n3A_224 = arith.select %eq3A_221, %broadcast_in_dim3A_223, %select_n3A_208 : vector<256x1024xi1>, vector<256x1024xf32>
    %reduce_max3A_225 = arith.constant dense<0xFF800000> : vector<256xf32>
    %reduce_max3A_226 = vector.multi_reduction <maximumf>, %select_n3A_224, %reduce_max3A_225 [1] : vector<256x1024xf32> to vector<256xf32>
    %broadcast_in_dim3A_227 = vector.shape_cast %reduce_max3A_226 : vector<256xf32> to vector<256x1xf32>
    %ge3A_228 = vector.broadcast %broadcast_in_dim3A_227 : vector<256x1xf32> to vector<256x1024xf32>
    %ge3A_229 = arith.cmpf oge, %select_n3A_224, %ge3A_228 : vector<256x1024xf32>
    %jit3A_230 = arith.constant 1024 : i32
    %broadcast_in_dim3A_231 = vector.broadcast %jit3A_230 : i32 to vector<256x1024xi32>
    %select_n3A_232 = arith.select %ge3A_229, %iota3A, %broadcast_in_dim3A_231 : vector<256x1024xi1>, vector<256x1024xi32>
    %reduce_min3A_233 = arith.constant dense<2147483647> : vector<256xi32>
    %reduce_min3A_234 = vector.multi_reduction <minsi>, %select_n3A_232, %reduce_min3A_233 [1] : vector<256x1024xi32> to vector<256xi32>
    %broadcast_in_dim3A_235 = vector.shape_cast %reduce_min3A_234 : vector<256xi32> to vector<256x1xi32>
    %eq3A_236 = vector.broadcast %broadcast_in_dim3A_235 : vector<256x1xi32> to vector<256x1024xi32>
    %eq3A_237 = arith.cmpi eq, %iota3A, %eq3A_236 : vector<256x1024xi32>
    %jit3A_238 = arith.constant 0xFF800000 : f32
    %broadcast_in_dim3A_239 = vector.broadcast %jit3A_238 : f32 to vector<256x1024xf32>
    %select_n3A_240 = arith.select %eq3A_237, %broadcast_in_dim3A_239, %select_n3A_224 : vector<256x1024xi1>, vector<256x1024xf32>
    %reduce_max3A_241 = arith.constant dense<0xFF800000> : vector<256xf32>
    %reduce_max3A_242 = vector.multi_reduction <maximumf>, %select_n3A_240, %reduce_max3A_241 [1] : vector<256x1024xf32> to vector<256xf32>
    %broadcast_in_dim3A_243 = vector.shape_cast %reduce_max3A_242 : vector<256xf32> to vector<256x1xf32>
    %ge3A_244 = vector.broadcast %broadcast_in_dim3A_243 : vector<256x1xf32> to vector<256x1024xf32>
    %ge3A_245 = arith.cmpf oge, %select_n3A_240, %ge3A_244 : vector<256x1024xf32>
    %jit3A_246 = arith.constant 1024 : i32
    %broadcast_in_dim3A_247 = vector.broadcast %jit3A_246 : i32 to vector<256x1024xi32>
    %select_n3A_248 = arith.select %ge3A_245, %iota3A, %broadcast_in_dim3A_247 : vector<256x1024xi1>, vector<256x1024xi32>
    %reduce_min3A_249 = arith.constant dense<2147483647> : vector<256xi32>
    %reduce_min3A_250 = vector.multi_reduction <minsi>, %select_n3A_248, %reduce_min3A_249 [1] : vector<256x1024xi32> to vector<256xi32>
    %broadcast_in_dim3A_251 = vector.shape_cast %reduce_min3A_250 : vector<256xi32> to vector<256x1xi32>
    %eq3A_252 = vector.broadcast %broadcast_in_dim3A_251 : vector<256x1xi32> to vector<256x1024xi32>
    %eq3A_253 = arith.cmpi eq, %iota3A, %eq3A_252 : vector<256x1024xi32>
    %jit3A_254 = arith.constant 0xFF800000 : f32
    %broadcast_in_dim3A_255 = vector.broadcast %jit3A_254 : f32 to vector<256x1024xf32>
    %select_n3A_256 = arith.select %eq3A_253, %broadcast_in_dim3A_255, %select_n3A_240 : vector<256x1024xi1>, vector<256x1024xf32>
    %reduce_max3A_257 = arith.constant dense<0xFF800000> : vector<256xf32>
    %reduce_max3A_258 = vector.multi_reduction <maximumf>, %select_n3A_256, %reduce_max3A_257 [1] : vector<256x1024xf32> to vector<256xf32>
    %broadcast_in_dim3A_259 = vector.shape_cast %reduce_max3A_258 : vector<256xf32> to vector<256x1xf32>
    %ge3A_260 = vector.broadcast %broadcast_in_dim3A_259 : vector<256x1xf32> to vector<256x1024xf32>
    %ge3A_261 = arith.cmpf oge, %select_n3A_256, %ge3A_260 : vector<256x1024xf32>
    %jit3A_262 = arith.constant 1024 : i32
    %broadcast_in_dim3A_263 = vector.broadcast %jit3A_262 : i32 to vector<256x1024xi32>
    %select_n3A_264 = arith.select %ge3A_261, %iota3A, %broadcast_in_dim3A_263 : vector<256x1024xi1>, vector<256x1024xi32>
    %reduce_min3A_265 = arith.constant dense<2147483647> : vector<256xi32>
    %reduce_min3A_266 = vector.multi_reduction <minsi>, %select_n3A_264, %reduce_min3A_265 [1] : vector<256x1024xi32> to vector<256xi32>
    %broadcast_in_dim3A_267 = vector.shape_cast %reduce_min3A_266 : vector<256xi32> to vector<256x1xi32>
    %eq3A_268 = vector.broadcast %broadcast_in_dim3A_267 : vector<256x1xi32> to vector<256x1024xi32>
    %eq3A_269 = arith.cmpi eq, %iota3A, %eq3A_268 : vector<256x1024xi32>
    %jit3A_270 = arith.constant 0xFF800000 : f32
    %broadcast_in_dim3A_271 = vector.broadcast %jit3A_270 : f32 to vector<256x1024xf32>
    %select_n3A_272 = arith.select %eq3A_269, %broadcast_in_dim3A_271, %select_n3A_256 : vector<256x1024xi1>, vector<256x1024xf32>
    %reduce_max3A_273 = arith.constant dense<0xFF800000> : vector<256xf32>
    %reduce_max3A_274 = vector.multi_reduction <maximumf>, %select_n3A_272, %reduce_max3A_273 [1] : vector<256x1024xf32> to vector<256xf32>
    %broadcast_in_dim3A_275 = vector.shape_cast %reduce_max3A_274 : vector<256xf32> to vector<256x1xf32>
    %ge3A_276 = vector.broadcast %broadcast_in_dim3A_275 : vector<256x1xf32> to vector<256x1024xf32>
    %ge3A_277 = arith.cmpf oge, %select_n3A_272, %ge3A_276 : vector<256x1024xf32>
    %jit3A_278 = arith.constant 1024 : i32
    %broadcast_in_dim3A_279 = vector.broadcast %jit3A_278 : i32 to vector<256x1024xi32>
    %select_n3A_280 = arith.select %ge3A_277, %iota3A, %broadcast_in_dim3A_279 : vector<256x1024xi1>, vector<256x1024xi32>
    %reduce_min3A_281 = arith.constant dense<2147483647> : vector<256xi32>
    %reduce_min3A_282 = vector.multi_reduction <minsi>, %select_n3A_280, %reduce_min3A_281 [1] : vector<256x1024xi32> to vector<256xi32>
    %broadcast_in_dim3A_283 = vector.shape_cast %reduce_min3A_282 : vector<256xi32> to vector<256x1xi32>
    %eq3A_284 = vector.broadcast %broadcast_in_dim3A_283 : vector<256x1xi32> to vector<256x1024xi32>
    %eq3A_285 = arith.cmpi eq, %iota3A, %eq3A_284 : vector<256x1024xi32>
    %jit3A_286 = arith.constant 0xFF800000 : f32
    %broadcast_in_dim3A_287 = vector.broadcast %jit3A_286 : f32 to vector<256x1024xf32>
    %select_n3A_288 = arith.select %eq3A_285, %broadcast_in_dim3A_287, %select_n3A_272 : vector<256x1024xi1>, vector<256x1024xf32>
    %reduce_max3A_289 = arith.constant dense<0xFF800000> : vector<256xf32>
    %reduce_max3A_290 = vector.multi_reduction <maximumf>, %select_n3A_288, %reduce_max3A_289 [1] : vector<256x1024xf32> to vector<256xf32>
    %broadcast_in_dim3A_291 = vector.shape_cast %reduce_max3A_290 : vector<256xf32> to vector<256x1xf32>
    %ge3A_292 = vector.broadcast %broadcast_in_dim3A_291 : vector<256x1xf32> to vector<256x1024xf32>
    %ge3A_293 = arith.cmpf oge, %select_n3A_288, %ge3A_292 : vector<256x1024xf32>
    %jit3A_294 = arith.constant 1024 : i32
    %broadcast_in_dim3A_295 = vector.broadcast %jit3A_294 : i32 to vector<256x1024xi32>
    %select_n3A_296 = arith.select %ge3A_293, %iota3A, %broadcast_in_dim3A_295 : vector<256x1024xi1>, vector<256x1024xi32>
    %reduce_min3A_297 = arith.constant dense<2147483647> : vector<256xi32>
    %reduce_min3A_298 = vector.multi_reduction <minsi>, %select_n3A_296, %reduce_min3A_297 [1] : vector<256x1024xi32> to vector<256xi32>
    %broadcast_in_dim3A_299 = vector.shape_cast %reduce_min3A_298 : vector<256xi32> to vector<256x1xi32>
    %eq3A_300 = vector.broadcast %broadcast_in_dim3A_299 : vector<256x1xi32> to vector<256x1024xi32>
    %eq3A_301 = arith.cmpi eq, %iota3A, %eq3A_300 : vector<256x1024xi32>
    %jit3A_302 = arith.constant 0xFF800000 : f32
    %broadcast_in_dim3A_303 = vector.broadcast %jit3A_302 : f32 to vector<256x1024xf32>
    %select_n3A_304 = arith.select %eq3A_301, %broadcast_in_dim3A_303, %select_n3A_288 : vector<256x1024xi1>, vector<256x1024xf32>
    %reduce_max3A_305 = arith.constant dense<0xFF800000> : vector<256xf32>
    %reduce_max3A_306 = vector.multi_reduction <maximumf>, %select_n3A_304, %reduce_max3A_305 [1] : vector<256x1024xf32> to vector<256xf32>
    %broadcast_in_dim3A_307 = vector.shape_cast %reduce_max3A_306 : vector<256xf32> to vector<256x1xf32>
    %ge3A_308 = vector.broadcast %broadcast_in_dim3A_307 : vector<256x1xf32> to vector<256x1024xf32>
    %ge3A_309 = arith.cmpf oge, %select_n3A_304, %ge3A_308 : vector<256x1024xf32>
    %jit3A_310 = arith.constant 1024 : i32
    %broadcast_in_dim3A_311 = vector.broadcast %jit3A_310 : i32 to vector<256x1024xi32>
    %select_n3A_312 = arith.select %ge3A_309, %iota3A, %broadcast_in_dim3A_311 : vector<256x1024xi1>, vector<256x1024xi32>
    %reduce_min3A_313 = arith.constant dense<2147483647> : vector<256xi32>
    %reduce_min3A_314 = vector.multi_reduction <minsi>, %select_n3A_312, %reduce_min3A_313 [1] : vector<256x1024xi32> to vector<256xi32>
    %broadcast_in_dim3A_315 = vector.shape_cast %reduce_min3A_314 : vector<256xi32> to vector<256x1xi32>
    %eq3A_316 = vector.broadcast %broadcast_in_dim3A_315 : vector<256x1xi32> to vector<256x1024xi32>
    %eq3A_317 = arith.cmpi eq, %iota3A, %eq3A_316 : vector<256x1024xi32>
    %jit3A_318 = arith.constant 0xFF800000 : f32
    %broadcast_in_dim3A_319 = vector.broadcast %jit3A_318 : f32 to vector<256x1024xf32>
    %select_n3A_320 = arith.select %eq3A_317, %broadcast_in_dim3A_319, %select_n3A_304 : vector<256x1024xi1>, vector<256x1024xf32>
    %reduce_max3A_321 = arith.constant dense<0xFF800000> : vector<256xf32>
    %reduce_max3A_322 = vector.multi_reduction <maximumf>, %select_n3A_320, %reduce_max3A_321 [1] : vector<256x1024xf32> to vector<256xf32>
    %broadcast_in_dim3A_323 = vector.shape_cast %reduce_max3A_322 : vector<256xf32> to vector<256x1xf32>
    %ge3A_324 = vector.broadcast %broadcast_in_dim3A_323 : vector<256x1xf32> to vector<256x1024xf32>
    %ge3A_325 = arith.cmpf oge, %select_n3A_320, %ge3A_324 : vector<256x1024xf32>
    %jit3A_326 = arith.constant 1024 : i32
    %broadcast_in_dim3A_327 = vector.broadcast %jit3A_326 : i32 to vector<256x1024xi32>
    %select_n3A_328 = arith.select %ge3A_325, %iota3A, %broadcast_in_dim3A_327 : vector<256x1024xi1>, vector<256x1024xi32>
    %reduce_min3A_329 = arith.constant dense<2147483647> : vector<256xi32>
    %reduce_min3A_330 = vector.multi_reduction <minsi>, %select_n3A_328, %reduce_min3A_329 [1] : vector<256x1024xi32> to vector<256xi32>
    %broadcast_in_dim3A_331 = vector.shape_cast %reduce_min3A_330 : vector<256xi32> to vector<256x1xi32>
    %concatenate3A = tpu.concatenate %broadcast_in_dim3A_28, %broadcast_in_dim3A_43, %broadcast_in_dim3A_59, %broadcast_in_dim3A_75, %broadcast_in_dim3A_91, %broadcast_in_dim3A_107, %broadcast_in_dim3A_123, %broadcast_in_dim3A_139, %broadcast_in_dim3A_155, %broadcast_in_dim3A_171, %broadcast_in_dim3A_187, %broadcast_in_dim3A_203, %broadcast_in_dim3A_219, %broadcast_in_dim3A_235, %broadcast_in_dim3A_251, %broadcast_in_dim3A_267, %broadcast_in_dim3A_283, %broadcast_in_dim3A_299, %broadcast_in_dim3A_315, %broadcast_in_dim3A_331, %broadcast_in_dim3A_28, %broadcast_in_dim3A_28, %broadcast_in_dim3A_28, %broadcast_in_dim3A_28 in 1 : vector<256x1xi32>, vector<256x1xi32>, vector<256x1xi32>, vector<256x1xi32>, vector<256x1xi32>, vector<256x1xi32>, vector<256x1xi32>, vector<256x1xi32>, vector<256x1xi32>, vector<256x1xi32>, vector<256x1xi32>, vector<256x1xi32>, vector<256x1xi32>, vector<256x1xi32>, vector<256x1xi32>, vector<256x1xi32>, vector<256x1xi32>, vector<256x1xi32>, vector<256x1xi32>, vector<256x1xi32>, vector<256x1xi32>, vector<256x1xi32>, vector<256x1xi32>, vector<256x1xi32> -> vector<256x24xi32>
    %mul3A_332 = arith.constant 1024 : i32
    %mul3A_333 = arith.muli %arg0, %mul3A_332 : i32
    %add3A = vector.broadcast %mul3A_333 : i32 to vector<256x24xi32>
    %add3A_334 = arith.addi %concatenate3A, %add3A : vector<256x24xi32>
    %swap3A = arith.constant 0 : index
    %swap3A_335 = arith.constant 0 : index
    %swap3A_336 = arith.constant 0 : index
    %swap3A_337 = vector.load %arg4[%swap3A, %swap3A_335, %swap3A_336] : memref<1x256x24xi32, #tpu.memory_space<vmem>>, vector<1x256x24xi32>
    %swap3A_338 = vector.shape_cast %swap3A_337 : vector<1x256x24xi32> to vector<256x24xi32>
    %swap3A_339 = vector.shape_cast %add3A_334 : vector<256x24xi32> to vector<1x256x24xi32>
    tpu.vector_store %arg4[%swap3A, %swap3A_335, %swap3A_336], %swap3A_339 {strides = array<i32>} : memref<1x256x24xi32, #tpu.memory_space<vmem>>, vector<1x256x24xi32>,
    return
  }
  func.func @transform_0(%arg0: i32, %arg1: i32) -> (i32, i32, i32) {
    %c0_i32 = arith.constant 0 : i32
    %c0_i32_0 = arith.constant 0 : i32
    return %arg0, %arg1, %c0_i32 : i32, i32, i32
  }
  func.func @transform_1(%arg0: i32, %arg1: i32) -> (i32, i32, i32) {
    %c0_i32 = arith.constant 0 : i32
    %c0_i32_0 = arith.constant 0 : i32
    %c0_i32_1 = arith.constant 0 : i32
    return %arg0, %c0_i32, %c0_i32_0 : i32, i32, i32
  }
  func.func @transform_2(%arg0: i32, %arg1: i32) -> (i32, i32, i32) {
    %c0_i32 = arith.constant 0 : i32
    %c0_i32_0 = arith.constant 0 : i32
    return %arg0, %arg1, %c0_i32 : i32, i32, i32
  }
}

module attributes {stable_mosaic.version = 14 : i64} {
  func.func @_conv_body(%arg0: i32, %arg1: memref<256x256xf32, #tpu.memory_space<vmem>>, %arg2: memref<256x6144xf32, #tpu.memory_space<vmem>>, %arg3: memref<512x512xf32, #tpu.memory_space<vmem>>, %arg4: memref<256x512xf32, #tpu.memory_space<vmem>>, %arg5: memref<1x2x512xf32, #tpu.memory_space<vmem>>) attributes {dimension_semantics = [#tpu.dimension_semantics<arbitrary>], iteration_bounds = array<i64: 32>, scalar_prefetch = 0 : i64, scratch_operands = 0 : i64, tpu.core_type = #tpu.core_type<tc>, window_params = [{transform_indices = @transform_0, window_bounds = array<i64: 256, 256>}, {transform_indices = @transform_1, window_bounds = array<i64: 256, 6144>}, {pipeline_mode = #tpu.pipeline_mode<synchronous>, transform_indices = @transform_2, window_bounds = array<i64: 512, 512>}, {transform_indices = @transform_3, window_bounds = array<i64: 256, 512>}, {transform_indices = @transform_4, window_bounds = array<i64: 1, 2, 512>}]} {
    %get3A = arith.constant 0 : index
    %get3A_0 = arith.constant 0 : index
    %get3A_1 = vector.load %arg1[%get3A, %get3A_0] : memref<256x256xf32, #tpu.memory_space<vmem>>, vector<256x256xf32>
    %get3A_2 = arith.constant 0 : index
    %get3A_3 = arith.constant 0 : index
    %get3A_4 = vector.load %arg3[%get3A_2, %get3A_3] : memref<512x512xf32, #tpu.memory_space<vmem>>, vector<512x512xf32>
    %get3A_5 = arith.constant 0 : index
    %get3A_6 = arith.constant 0 : index
    %get3A_7 = vector.load %arg2[%get3A_5, %get3A_6] : memref<256x6144xf32, #tpu.memory_space<vmem>>, vector<256x256xf32>
    %sub3A = arith.subf %get3A_7, %get3A_1 : vector<256x256xf32>
    %concatenate3A = tpu.concatenate %sub3A, %get3A_1 in 1 : vector<256x256xf32>, vector<256x256xf32> -> vector<256x512xf32>
    %dot_general3A = arith.constant dense<0.000000e+00> : vector<256x512xf32>
    %dot_general3A_8 = tpu.matmul %concatenate3A, %get3A_4, %dot_general3A {dimension_numbers = #tpu.dot_dimension_numbers<[1], [0], [0], [1], [0, 0, 1, 1], [], []>, transpose_lhs_hint = false} : vector<256x512xf32>, vector<512x512xf32>, vector<256x512xf32> -> vector<256x512xf32>
    %mul3A = arith.mulf %dot_general3A_8, %dot_general3A_8 : vector<256x512xf32>
    %get3A_9 = arith.constant 0 : index
    %get3A_10 = arith.constant 256 : index
    %get3A_11 = vector.load %arg2[%get3A_9, %get3A_10] : memref<256x6144xf32, #tpu.memory_space<vmem>>, vector<256x256xf32>
    %sub3A_12 = arith.subf %get3A_11, %get3A_1 : vector<256x256xf32>
    %concatenate3A_13 = tpu.concatenate %sub3A_12, %get3A_1 in 1 : vector<256x256xf32>, vector<256x256xf32> -> vector<256x512xf32>
    %dot_general3A_14 = arith.constant dense<0.000000e+00> : vector<256x512xf32>
    %dot_general3A_15 = tpu.matmul %concatenate3A_13, %get3A_4, %dot_general3A_14 {dimension_numbers = #tpu.dot_dimension_numbers<[1], [0], [0], [1], [0, 0, 1, 1], [], []>, transpose_lhs_hint = false} : vector<256x512xf32>, vector<512x512xf32>, vector<256x512xf32> -> vector<256x512xf32>
    %max3A = arith.maximumf %dot_general3A_8, %dot_general3A_15 : vector<256x512xf32>
    %add3A = arith.addf %dot_general3A_8, %dot_general3A_15 : vector<256x512xf32>
    %mul3A_16 = arith.mulf %dot_general3A_15, %dot_general3A_15 : vector<256x512xf32>
    %add3A_17 = arith.addf %mul3A, %mul3A_16 : vector<256x512xf32>
    %get3A_18 = arith.constant 0 : index
    %get3A_19 = arith.constant 512 : index
    %get3A_20 = vector.load %arg2[%get3A_18, %get3A_19] : memref<256x6144xf32, #tpu.memory_space<vmem>>, vector<256x256xf32>
    %sub3A_21 = arith.subf %get3A_20, %get3A_1 : vector<256x256xf32>
    %concatenate3A_22 = tpu.concatenate %sub3A_21, %get3A_1 in 1 : vector<256x256xf32>, vector<256x256xf32> -> vector<256x512xf32>
    %dot_general3A_23 = arith.constant dense<0.000000e+00> : vector<256x512xf32>
    %dot_general3A_24 = tpu.matmul %concatenate3A_22, %get3A_4, %dot_general3A_23 {dimension_numbers = #tpu.dot_dimension_numbers<[1], [0], [0], [1], [0, 0, 1, 1], [], []>, transpose_lhs_hint = false} : vector<256x512xf32>, vector<512x512xf32>, vector<256x512xf32> -> vector<256x512xf32>
    %max3A_25 = arith.maximumf %max3A, %dot_general3A_24 : vector<256x512xf32>
    %add3A_26 = arith.addf %add3A, %dot_general3A_24 : vector<256x512xf32>
    %mul3A_27 = arith.mulf %dot_general3A_24, %dot_general3A_24 : vector<256x512xf32>
    %add3A_28 = arith.addf %add3A_17, %mul3A_27 : vector<256x512xf32>
    %get3A_29 = arith.constant 0 : index
    %get3A_30 = arith.constant 768 : index
    %get3A_31 = vector.load %arg2[%get3A_29, %get3A_30] : memref<256x6144xf32, #tpu.memory_space<vmem>>, vector<256x256xf32>
    %sub3A_32 = arith.subf %get3A_31, %get3A_1 : vector<256x256xf32>
    %concatenate3A_33 = tpu.concatenate %sub3A_32, %get3A_1 in 1 : vector<256x256xf32>, vector<256x256xf32> -> vector<256x512xf32>
    %dot_general3A_34 = arith.constant dense<0.000000e+00> : vector<256x512xf32>
    %dot_general3A_35 = tpu.matmul %concatenate3A_33, %get3A_4, %dot_general3A_34 {dimension_numbers = #tpu.dot_dimension_numbers<[1], [0], [0], [1], [0, 0, 1, 1], [], []>, transpose_lhs_hint = false} : vector<256x512xf32>, vector<512x512xf32>, vector<256x512xf32> -> vector<256x512xf32>
    %max3A_36 = arith.maximumf %max3A_25, %dot_general3A_35 : vector<256x512xf32>
    %add3A_37 = arith.addf %add3A_26, %dot_general3A_35 : vector<256x512xf32>
    %mul3A_38 = arith.mulf %dot_general3A_35, %dot_general3A_35 : vector<256x512xf32>
    %add3A_39 = arith.addf %add3A_28, %mul3A_38 : vector<256x512xf32>
    %get3A_40 = arith.constant 0 : index
    %get3A_41 = arith.constant 1024 : index
    %get3A_42 = vector.load %arg2[%get3A_40, %get3A_41] : memref<256x6144xf32, #tpu.memory_space<vmem>>, vector<256x256xf32>
    %sub3A_43 = arith.subf %get3A_42, %get3A_1 : vector<256x256xf32>
    %concatenate3A_44 = tpu.concatenate %sub3A_43, %get3A_1 in 1 : vector<256x256xf32>, vector<256x256xf32> -> vector<256x512xf32>
    %dot_general3A_45 = arith.constant dense<0.000000e+00> : vector<256x512xf32>
    %dot_general3A_46 = tpu.matmul %concatenate3A_44, %get3A_4, %dot_general3A_45 {dimension_numbers = #tpu.dot_dimension_numbers<[1], [0], [0], [1], [0, 0, 1, 1], [], []>, transpose_lhs_hint = false} : vector<256x512xf32>, vector<512x512xf32>, vector<256x512xf32> -> vector<256x512xf32>
    %max3A_47 = arith.maximumf %max3A_36, %dot_general3A_46 : vector<256x512xf32>
    %add3A_48 = arith.addf %add3A_37, %dot_general3A_46 : vector<256x512xf32>
    %mul3A_49 = arith.mulf %dot_general3A_46, %dot_general3A_46 : vector<256x512xf32>
    %add3A_50 = arith.addf %add3A_39, %mul3A_49 : vector<256x512xf32>
    %get3A_51 = arith.constant 0 : index
    %get3A_52 = arith.constant 1280 : index
    %get3A_53 = vector.load %arg2[%get3A_51, %get3A_52] : memref<256x6144xf32, #tpu.memory_space<vmem>>, vector<256x256xf32>
    %sub3A_54 = arith.subf %get3A_53, %get3A_1 : vector<256x256xf32>
    %concatenate3A_55 = tpu.concatenate %sub3A_54, %get3A_1 in 1 : vector<256x256xf32>, vector<256x256xf32> -> vector<256x512xf32>
    %dot_general3A_56 = arith.constant dense<0.000000e+00> : vector<256x512xf32>
    %dot_general3A_57 = tpu.matmul %concatenate3A_55, %get3A_4, %dot_general3A_56 {dimension_numbers = #tpu.dot_dimension_numbers<[1], [0], [0], [1], [0, 0, 1, 1], [], []>, transpose_lhs_hint = false} : vector<256x512xf32>, vector<512x512xf32>, vector<256x512xf32> -> vector<256x512xf32>
    %max3A_58 = arith.maximumf %max3A_47, %dot_general3A_57 : vector<256x512xf32>
    %add3A_59 = arith.addf %add3A_48, %dot_general3A_57 : vector<256x512xf32>
    %mul3A_60 = arith.mulf %dot_general3A_57, %dot_general3A_57 : vector<256x512xf32>
    %add3A_61 = arith.addf %add3A_50, %mul3A_60 : vector<256x512xf32>
    %get3A_62 = arith.constant 0 : index
    %get3A_63 = arith.constant 1536 : index
    %get3A_64 = vector.load %arg2[%get3A_62, %get3A_63] : memref<256x6144xf32, #tpu.memory_space<vmem>>, vector<256x256xf32>
    %sub3A_65 = arith.subf %get3A_64, %get3A_1 : vector<256x256xf32>
    %concatenate3A_66 = tpu.concatenate %sub3A_65, %get3A_1 in 1 : vector<256x256xf32>, vector<256x256xf32> -> vector<256x512xf32>
    %dot_general3A_67 = arith.constant dense<0.000000e+00> : vector<256x512xf32>
    %dot_general3A_68 = tpu.matmul %concatenate3A_66, %get3A_4, %dot_general3A_67 {dimension_numbers = #tpu.dot_dimension_numbers<[1], [0], [0], [1], [0, 0, 1, 1], [], []>, transpose_lhs_hint = false} : vector<256x512xf32>, vector<512x512xf32>, vector<256x512xf32> -> vector<256x512xf32>
    %max3A_69 = arith.maximumf %max3A_58, %dot_general3A_68 : vector<256x512xf32>
    %add3A_70 = arith.addf %add3A_59, %dot_general3A_68 : vector<256x512xf32>
    %mul3A_71 = arith.mulf %dot_general3A_68, %dot_general3A_68 : vector<256x512xf32>
    %add3A_72 = arith.addf %add3A_61, %mul3A_71 : vector<256x512xf32>
    %get3A_73 = arith.constant 0 : index
    %get3A_74 = arith.constant 1792 : index
    %get3A_75 = vector.load %arg2[%get3A_73, %get3A_74] : memref<256x6144xf32, #tpu.memory_space<vmem>>, vector<256x256xf32>
    %sub3A_76 = arith.subf %get3A_75, %get3A_1 : vector<256x256xf32>
    %concatenate3A_77 = tpu.concatenate %sub3A_76, %get3A_1 in 1 : vector<256x256xf32>, vector<256x256xf32> -> vector<256x512xf32>
    %dot_general3A_78 = arith.constant dense<0.000000e+00> : vector<256x512xf32>
    %dot_general3A_79 = tpu.matmul %concatenate3A_77, %get3A_4, %dot_general3A_78 {dimension_numbers = #tpu.dot_dimension_numbers<[1], [0], [0], [1], [0, 0, 1, 1], [], []>, transpose_lhs_hint = false} : vector<256x512xf32>, vector<512x512xf32>, vector<256x512xf32> -> vector<256x512xf32>
    %max3A_80 = arith.maximumf %max3A_69, %dot_general3A_79 : vector<256x512xf32>
    %add3A_81 = arith.addf %add3A_70, %dot_general3A_79 : vector<256x512xf32>
    %mul3A_82 = arith.mulf %dot_general3A_79, %dot_general3A_79 : vector<256x512xf32>
    %add3A_83 = arith.addf %add3A_72, %mul3A_82 : vector<256x512xf32>
    %get3A_84 = arith.constant 0 : index
    %get3A_85 = arith.constant 2048 : index
    %get3A_86 = vector.load %arg2[%get3A_84, %get3A_85] : memref<256x6144xf32, #tpu.memory_space<vmem>>, vector<256x256xf32>
    %sub3A_87 = arith.subf %get3A_86, %get3A_1 : vector<256x256xf32>
    %concatenate3A_88 = tpu.concatenate %sub3A_87, %get3A_1 in 1 : vector<256x256xf32>, vector<256x256xf32> -> vector<256x512xf32>
    %dot_general3A_89 = arith.constant dense<0.000000e+00> : vector<256x512xf32>
    %dot_general3A_90 = tpu.matmul %concatenate3A_88, %get3A_4, %dot_general3A_89 {dimension_numbers = #tpu.dot_dimension_numbers<[1], [0], [0], [1], [0, 0, 1, 1], [], []>, transpose_lhs_hint = false} : vector<256x512xf32>, vector<512x512xf32>, vector<256x512xf32> -> vector<256x512xf32>
    %max3A_91 = arith.maximumf %max3A_80, %dot_general3A_90 : vector<256x512xf32>
    %add3A_92 = arith.addf %add3A_81, %dot_general3A_90 : vector<256x512xf32>
    %mul3A_93 = arith.mulf %dot_general3A_90, %dot_general3A_90 : vector<256x512xf32>
    %add3A_94 = arith.addf %add3A_83, %mul3A_93 : vector<256x512xf32>
    %get3A_95 = arith.constant 0 : index
    %get3A_96 = arith.constant 2304 : index
    %get3A_97 = vector.load %arg2[%get3A_95, %get3A_96] : memref<256x6144xf32, #tpu.memory_space<vmem>>, vector<256x256xf32>
    %sub3A_98 = arith.subf %get3A_97, %get3A_1 : vector<256x256xf32>
    %concatenate3A_99 = tpu.concatenate %sub3A_98, %get3A_1 in 1 : vector<256x256xf32>, vector<256x256xf32> -> vector<256x512xf32>
    %dot_general3A_100 = arith.constant dense<0.000000e+00> : vector<256x512xf32>
    %dot_general3A_101 = tpu.matmul %concatenate3A_99, %get3A_4, %dot_general3A_100 {dimension_numbers = #tpu.dot_dimension_numbers<[1], [0], [0], [1], [0, 0, 1, 1], [], []>, transpose_lhs_hint = false} : vector<256x512xf32>, vector<512x512xf32>, vector<256x512xf32> -> vector<256x512xf32>
    %max3A_102 = arith.maximumf %max3A_91, %dot_general3A_101 : vector<256x512xf32>
    %add3A_103 = arith.addf %add3A_92, %dot_general3A_101 : vector<256x512xf32>
    %mul3A_104 = arith.mulf %dot_general3A_101, %dot_general3A_101 : vector<256x512xf32>
    %add3A_105 = arith.addf %add3A_94, %mul3A_104 : vector<256x512xf32>
    %get3A_106 = arith.constant 0 : index
    %get3A_107 = arith.constant 2560 : index
    %get3A_108 = vector.load %arg2[%get3A_106, %get3A_107] : memref<256x6144xf32, #tpu.memory_space<vmem>>, vector<256x256xf32>
    %sub3A_109 = arith.subf %get3A_108, %get3A_1 : vector<256x256xf32>
    %concatenate3A_110 = tpu.concatenate %sub3A_109, %get3A_1 in 1 : vector<256x256xf32>, vector<256x256xf32> -> vector<256x512xf32>
    %dot_general3A_111 = arith.constant dense<0.000000e+00> : vector<256x512xf32>
    %dot_general3A_112 = tpu.matmul %concatenate3A_110, %get3A_4, %dot_general3A_111 {dimension_numbers = #tpu.dot_dimension_numbers<[1], [0], [0], [1], [0, 0, 1, 1], [], []>, transpose_lhs_hint = false} : vector<256x512xf32>, vector<512x512xf32>, vector<256x512xf32> -> vector<256x512xf32>
    %max3A_113 = arith.maximumf %max3A_102, %dot_general3A_112 : vector<256x512xf32>
    %add3A_114 = arith.addf %add3A_103, %dot_general3A_112 : vector<256x512xf32>
    %mul3A_115 = arith.mulf %dot_general3A_112, %dot_general3A_112 : vector<256x512xf32>
    %add3A_116 = arith.addf %add3A_105, %mul3A_115 : vector<256x512xf32>
    %get3A_117 = arith.constant 0 : index
    %get3A_118 = arith.constant 2816 : index
    %get3A_119 = vector.load %arg2[%get3A_117, %get3A_118] : memref<256x6144xf32, #tpu.memory_space<vmem>>, vector<256x256xf32>
    %sub3A_120 = arith.subf %get3A_119, %get3A_1 : vector<256x256xf32>
    %concatenate3A_121 = tpu.concatenate %sub3A_120, %get3A_1 in 1 : vector<256x256xf32>, vector<256x256xf32> -> vector<256x512xf32>
    %dot_general3A_122 = arith.constant dense<0.000000e+00> : vector<256x512xf32>
    %dot_general3A_123 = tpu.matmul %concatenate3A_121, %get3A_4, %dot_general3A_122 {dimension_numbers = #tpu.dot_dimension_numbers<[1], [0], [0], [1], [0, 0, 1, 1], [], []>, transpose_lhs_hint = false} : vector<256x512xf32>, vector<512x512xf32>, vector<256x512xf32> -> vector<256x512xf32>
    %max3A_124 = arith.maximumf %max3A_113, %dot_general3A_123 : vector<256x512xf32>
    %add3A_125 = arith.addf %add3A_114, %dot_general3A_123 : vector<256x512xf32>
    %mul3A_126 = arith.mulf %dot_general3A_123, %dot_general3A_123 : vector<256x512xf32>
    %add3A_127 = arith.addf %add3A_116, %mul3A_126 : vector<256x512xf32>
    %get3A_128 = arith.constant 0 : index
    %get3A_129 = arith.constant 3072 : index
    %get3A_130 = vector.load %arg2[%get3A_128, %get3A_129] : memref<256x6144xf32, #tpu.memory_space<vmem>>, vector<256x256xf32>
    %sub3A_131 = arith.subf %get3A_130, %get3A_1 : vector<256x256xf32>
    %concatenate3A_132 = tpu.concatenate %sub3A_131, %get3A_1 in 1 : vector<256x256xf32>, vector<256x256xf32> -> vector<256x512xf32>
    %dot_general3A_133 = arith.constant dense<0.000000e+00> : vector<256x512xf32>
    %dot_general3A_134 = tpu.matmul %concatenate3A_132, %get3A_4, %dot_general3A_133 {dimension_numbers = #tpu.dot_dimension_numbers<[1], [0], [0], [1], [0, 0, 1, 1], [], []>, transpose_lhs_hint = false} : vector<256x512xf32>, vector<512x512xf32>, vector<256x512xf32> -> vector<256x512xf32>
    %max3A_135 = arith.maximumf %max3A_124, %dot_general3A_134 : vector<256x512xf32>
    %add3A_136 = arith.addf %add3A_125, %dot_general3A_134 : vector<256x512xf32>
    %mul3A_137 = arith.mulf %dot_general3A_134, %dot_general3A_134 : vector<256x512xf32>
    %add3A_138 = arith.addf %add3A_127, %mul3A_137 : vector<256x512xf32>
    %get3A_139 = arith.constant 0 : index
    %get3A_140 = arith.constant 3328 : index
    %get3A_141 = vector.load %arg2[%get3A_139, %get3A_140] : memref<256x6144xf32, #tpu.memory_space<vmem>>, vector<256x256xf32>
    %sub3A_142 = arith.subf %get3A_141, %get3A_1 : vector<256x256xf32>
    %concatenate3A_143 = tpu.concatenate %sub3A_142, %get3A_1 in 1 : vector<256x256xf32>, vector<256x256xf32> -> vector<256x512xf32>
    %dot_general3A_144 = arith.constant dense<0.000000e+00> : vector<256x512xf32>
    %dot_general3A_145 = tpu.matmul %concatenate3A_143, %get3A_4, %dot_general3A_144 {dimension_numbers = #tpu.dot_dimension_numbers<[1], [0], [0], [1], [0, 0, 1, 1], [], []>, transpose_lhs_hint = false} : vector<256x512xf32>, vector<512x512xf32>, vector<256x512xf32> -> vector<256x512xf32>
    %max3A_146 = arith.maximumf %max3A_135, %dot_general3A_145 : vector<256x512xf32>
    %add3A_147 = arith.addf %add3A_136, %dot_general3A_145 : vector<256x512xf32>
    %mul3A_148 = arith.mulf %dot_general3A_145, %dot_general3A_145 : vector<256x512xf32>
    %add3A_149 = arith.addf %add3A_138, %mul3A_148 : vector<256x512xf32>
    %get3A_150 = arith.constant 0 : index
    %get3A_151 = arith.constant 3584 : index
    %get3A_152 = vector.load %arg2[%get3A_150, %get3A_151] : memref<256x6144xf32, #tpu.memory_space<vmem>>, vector<256x256xf32>
    %sub3A_153 = arith.subf %get3A_152, %get3A_1 : vector<256x256xf32>
    %concatenate3A_154 = tpu.concatenate %sub3A_153, %get3A_1 in 1 : vector<256x256xf32>, vector<256x256xf32> -> vector<256x512xf32>
    %dot_general3A_155 = arith.constant dense<0.000000e+00> : vector<256x512xf32>
    %dot_general3A_156 = tpu.matmul %concatenate3A_154, %get3A_4, %dot_general3A_155 {dimension_numbers = #tpu.dot_dimension_numbers<[1], [0], [0], [1], [0, 0, 1, 1], [], []>, transpose_lhs_hint = false} : vector<256x512xf32>, vector<512x512xf32>, vector<256x512xf32> -> vector<256x512xf32>
    %max3A_157 = arith.maximumf %max3A_146, %dot_general3A_156 : vector<256x512xf32>
    %add3A_158 = arith.addf %add3A_147, %dot_general3A_156 : vector<256x512xf32>
    %mul3A_159 = arith.mulf %dot_general3A_156, %dot_general3A_156 : vector<256x512xf32>
    %add3A_160 = arith.addf %add3A_149, %mul3A_159 : vector<256x512xf32>
    %get3A_161 = arith.constant 0 : index
    %get3A_162 = arith.constant 3840 : index
    %get3A_163 = vector.load %arg2[%get3A_161, %get3A_162] : memref<256x6144xf32, #tpu.memory_space<vmem>>, vector<256x256xf32>
    %sub3A_164 = arith.subf %get3A_163, %get3A_1 : vector<256x256xf32>
    %concatenate3A_165 = tpu.concatenate %sub3A_164, %get3A_1 in 1 : vector<256x256xf32>, vector<256x256xf32> -> vector<256x512xf32>
    %dot_general3A_166 = arith.constant dense<0.000000e+00> : vector<256x512xf32>
    %dot_general3A_167 = tpu.matmul %concatenate3A_165, %get3A_4, %dot_general3A_166 {dimension_numbers = #tpu.dot_dimension_numbers<[1], [0], [0], [1], [0, 0, 1, 1], [], []>, transpose_lhs_hint = false} : vector<256x512xf32>, vector<512x512xf32>, vector<256x512xf32> -> vector<256x512xf32>
    %max3A_168 = arith.maximumf %max3A_157, %dot_general3A_167 : vector<256x512xf32>
    %add3A_169 = arith.addf %add3A_158, %dot_general3A_167 : vector<256x512xf32>
    %mul3A_170 = arith.mulf %dot_general3A_167, %dot_general3A_167 : vector<256x512xf32>
    %add3A_171 = arith.addf %add3A_160, %mul3A_170 : vector<256x512xf32>
    %get3A_172 = arith.constant 0 : index
    %get3A_173 = arith.constant 4096 : index
    %get3A_174 = vector.load %arg2[%get3A_172, %get3A_173] : memref<256x6144xf32, #tpu.memory_space<vmem>>, vector<256x256xf32>
    %sub3A_175 = arith.subf %get3A_174, %get3A_1 : vector<256x256xf32>
    %concatenate3A_176 = tpu.concatenate %sub3A_175, %get3A_1 in 1 : vector<256x256xf32>, vector<256x256xf32> -> vector<256x512xf32>
    %dot_general3A_177 = arith.constant dense<0.000000e+00> : vector<256x512xf32>
    %dot_general3A_178 = tpu.matmul %concatenate3A_176, %get3A_4, %dot_general3A_177 {dimension_numbers = #tpu.dot_dimension_numbers<[1], [0], [0], [1], [0, 0, 1, 1], [], []>, transpose_lhs_hint = false} : vector<256x512xf32>, vector<512x512xf32>, vector<256x512xf32> -> vector<256x512xf32>
    %max3A_179 = arith.maximumf %max3A_168, %dot_general3A_178 : vector<256x512xf32>
    %add3A_180 = arith.addf %add3A_169, %dot_general3A_178 : vector<256x512xf32>
    %mul3A_181 = arith.mulf %dot_general3A_178, %dot_general3A_178 : vector<256x512xf32>
    %add3A_182 = arith.addf %add3A_171, %mul3A_181 : vector<256x512xf32>
    %get3A_183 = arith.constant 0 : index
    %get3A_184 = arith.constant 4352 : index
    %get3A_185 = vector.load %arg2[%get3A_183, %get3A_184] : memref<256x6144xf32, #tpu.memory_space<vmem>>, vector<256x256xf32>
    %sub3A_186 = arith.subf %get3A_185, %get3A_1 : vector<256x256xf32>
    %concatenate3A_187 = tpu.concatenate %sub3A_186, %get3A_1 in 1 : vector<256x256xf32>, vector<256x256xf32> -> vector<256x512xf32>
    %dot_general3A_188 = arith.constant dense<0.000000e+00> : vector<256x512xf32>
    %dot_general3A_189 = tpu.matmul %concatenate3A_187, %get3A_4, %dot_general3A_188 {dimension_numbers = #tpu.dot_dimension_numbers<[1], [0], [0], [1], [0, 0, 1, 1], [], []>, transpose_lhs_hint = false} : vector<256x512xf32>, vector<512x512xf32>, vector<256x512xf32> -> vector<256x512xf32>
    %max3A_190 = arith.maximumf %max3A_179, %dot_general3A_189 : vector<256x512xf32>
    %add3A_191 = arith.addf %add3A_180, %dot_general3A_189 : vector<256x512xf32>
    %mul3A_192 = arith.mulf %dot_general3A_189, %dot_general3A_189 : vector<256x512xf32>
    %add3A_193 = arith.addf %add3A_182, %mul3A_192 : vector<256x512xf32>
    %get3A_194 = arith.constant 0 : index
    %get3A_195 = arith.constant 4608 : index
    %get3A_196 = vector.load %arg2[%get3A_194, %get3A_195] : memref<256x6144xf32, #tpu.memory_space<vmem>>, vector<256x256xf32>
    %sub3A_197 = arith.subf %get3A_196, %get3A_1 : vector<256x256xf32>
    %concatenate3A_198 = tpu.concatenate %sub3A_197, %get3A_1 in 1 : vector<256x256xf32>, vector<256x256xf32> -> vector<256x512xf32>
    %dot_general3A_199 = arith.constant dense<0.000000e+00> : vector<256x512xf32>
    %dot_general3A_200 = tpu.matmul %concatenate3A_198, %get3A_4, %dot_general3A_199 {dimension_numbers = #tpu.dot_dimension_numbers<[1], [0], [0], [1], [0, 0, 1, 1], [], []>, transpose_lhs_hint = false} : vector<256x512xf32>, vector<512x512xf32>, vector<256x512xf32> -> vector<256x512xf32>
    %max3A_201 = arith.maximumf %max3A_190, %dot_general3A_200 : vector<256x512xf32>
    %add3A_202 = arith.addf %add3A_191, %dot_general3A_200 : vector<256x512xf32>
    %mul3A_203 = arith.mulf %dot_general3A_200, %dot_general3A_200 : vector<256x512xf32>
    %add3A_204 = arith.addf %add3A_193, %mul3A_203 : vector<256x512xf32>
    %get3A_205 = arith.constant 0 : index
    %get3A_206 = arith.constant 4864 : index
    %get3A_207 = vector.load %arg2[%get3A_205, %get3A_206] : memref<256x6144xf32, #tpu.memory_space<vmem>>, vector<256x256xf32>
    %sub3A_208 = arith.subf %get3A_207, %get3A_1 : vector<256x256xf32>
    %concatenate3A_209 = tpu.concatenate %sub3A_208, %get3A_1 in 1 : vector<256x256xf32>, vector<256x256xf32> -> vector<256x512xf32>
    %dot_general3A_210 = arith.constant dense<0.000000e+00> : vector<256x512xf32>
    %dot_general3A_211 = tpu.matmul %concatenate3A_209, %get3A_4, %dot_general3A_210 {dimension_numbers = #tpu.dot_dimension_numbers<[1], [0], [0], [1], [0, 0, 1, 1], [], []>, transpose_lhs_hint = false} : vector<256x512xf32>, vector<512x512xf32>, vector<256x512xf32> -> vector<256x512xf32>
    %max3A_212 = arith.maximumf %max3A_201, %dot_general3A_211 : vector<256x512xf32>
    %add3A_213 = arith.addf %add3A_202, %dot_general3A_211 : vector<256x512xf32>
    %mul3A_214 = arith.mulf %dot_general3A_211, %dot_general3A_211 : vector<256x512xf32>
    %add3A_215 = arith.addf %add3A_204, %mul3A_214 : vector<256x512xf32>
    %swap3A = arith.constant 0 : index
    %swap3A_216 = arith.constant 0 : index
    %swap3A_217 = vector.load %arg4[%swap3A, %swap3A_216] : memref<256x512xf32, #tpu.memory_space<vmem>>, vector<256x512xf32>
    tpu.vector_store %arg4[%swap3A, %swap3A_216], %max3A_212 {strides = array<i32>} : memref<256x512xf32, #tpu.memory_space<vmem>>, vector<256x512xf32>,
    %reduce_sum3A = arith.constant dense<0.000000e+00> : vector<512xf32>
    %reduce_sum3A_218 = vector.multi_reduction <add>, %add3A_213, %reduce_sum3A [0] : vector<256x512xf32> to vector<512xf32>
    %swap3A_219 = arith.constant 0 : index
    %swap3A_220 = arith.constant 0 : index
    %swap3A_221 = arith.constant 0 : index
    %swap3A_222 = vector.load %arg5[%swap3A_219, %swap3A_220, %swap3A_221] : memref<1x2x512xf32, #tpu.memory_space<vmem>>, vector<1x1x512xf32>
    %swap3A_223 = vector.shape_cast %swap3A_222 : vector<1x1x512xf32> to vector<512xf32>
    %swap3A_224 = vector.shape_cast %reduce_sum3A_218 : vector<512xf32> to vector<1x1x512xf32>
    tpu.vector_store %arg5[%swap3A_219, %swap3A_220, %swap3A_221], %swap3A_224 {strides = array<i32>} : memref<1x2x512xf32, #tpu.memory_space<vmem>>, vector<1x1x512xf32>,
    %reduce_sum3A_225 = arith.constant dense<0.000000e+00> : vector<512xf32>
    %reduce_sum3A_226 = vector.multi_reduction <add>, %add3A_215, %reduce_sum3A_225 [0] : vector<256x512xf32> to vector<512xf32>
    %swap3A_227 = arith.constant 0 : index
    %swap3A_228 = arith.constant 1 : index
    %swap3A_229 = arith.constant 0 : index
    %swap3A_230 = vector.load %arg5[%swap3A_227, %swap3A_228, %swap3A_229] : memref<1x2x512xf32, #tpu.memory_space<vmem>>, vector<1x1x512xf32>
    %swap3A_231 = vector.shape_cast %swap3A_230 : vector<1x1x512xf32> to vector<512xf32>
    %swap3A_232 = vector.shape_cast %reduce_sum3A_226 : vector<512xf32> to vector<1x1x512xf32>
    tpu.vector_store %arg5[%swap3A_227, %swap3A_228, %swap3A_229], %swap3A_232 {strides = array<i32>} : memref<1x2x512xf32, #tpu.memory_space<vmem>>, vector<1x1x512xf32>,
    return
  }
  func.func @transform_0(%arg0: i32) -> (i32, i32) {
    %c0_i32 = arith.constant 0 : i32
    %c0_i32_0 = arith.constant 0 : i32
    return %arg0, %c0_i32 : i32, i32
  }
  func.func @transform_1(%arg0: i32) -> (i32, i32) {
    %c0_i32 = arith.constant 0 : i32
    %c0_i32_0 = arith.constant 0 : i32
    return %arg0, %c0_i32 : i32, i32
  }
  func.func @transform_2(%arg0: i32) -> (i32, i32) {
    %c0_i32 = arith.constant 0 : i32
    %c0_i32_0 = arith.constant 0 : i32
    %c0_i32_1 = arith.constant 0 : i32
    return %c0_i32, %c0_i32_0 : i32, i32
  }
  func.func @transform_3(%arg0: i32) -> (i32, i32) {
    %c0_i32 = arith.constant 0 : i32
    %c0_i32_0 = arith.constant 0 : i32
    return %arg0, %c0_i32 : i32, i32
  }
  func.func @transform_4(%arg0: i32) -> (i32, i32, i32) {
    %c0_i32 = arith.constant 0 : i32
    %c0_i32_0 = arith.constant 0 : i32
    %c0_i32_1 = arith.constant 0 : i32
    return %arg0, %c0_i32, %c0_i32_0 : i32, i32, i32
  }
}

module attributes {stable_mosaic.version = 14 : i64} {
  func.func @_norm_body(%arg0: i32, %arg1: memref<1x512xf32, #tpu.memory_space<vmem>>, %arg2: memref<1x512xf32, #tpu.memory_space<vmem>>, %arg3: memref<32x2x512xf32, #tpu.memory_space<vmem>>, %arg4: memref<1024x512xf32, #tpu.memory_space<vmem>>, %arg5: memref<1024x512xf32, #tpu.memory_space<vmem>>) attributes {dimension_semantics = [#tpu.dimension_semantics<arbitrary>], iteration_bounds = array<i64: 8>, scalar_prefetch = 0 : i64, scratch_operands = 0 : i64, tpu.core_type = #tpu.core_type<tc>, window_params = [{pipeline_mode = #tpu.pipeline_mode<synchronous>, transform_indices = @transform_0, window_bounds = array<i64: 1, 512>}, {pipeline_mode = #tpu.pipeline_mode<synchronous>, transform_indices = @transform_1, window_bounds = array<i64: 1, 512>}, {pipeline_mode = #tpu.pipeline_mode<synchronous>, transform_indices = @transform_2, window_bounds = array<i64: 32, 2, 512>}, {transform_indices = @transform_3, window_bounds = array<i64: 1024, 512>}, {transform_indices = @transform_4, window_bounds = array<i64: 1024, 512>}]} {
    %get3A = arith.constant 0 : index
    %get3A_0 = arith.constant 0 : index
    %get3A_1 = arith.constant 0 : index
    %get3A_2 = vector.load %arg3[%get3A, %get3A_0, %get3A_1] : memref<32x2x512xf32, #tpu.memory_space<vmem>>, vector<32x1x512xf32>
    %get3A_3 = vector.shape_cast %get3A_2 : vector<32x1x512xf32> to vector<32x512xf32>
    %reduce_sum3A = arith.constant dense<0.000000e+00> : vector<512xf32>
    %reduce_sum3A_4 = vector.multi_reduction <add>, %get3A_3, %reduce_sum3A [0] : vector<32x512xf32> to vector<512xf32>
    %broadcast_in_dim3A = vector.shape_cast %reduce_sum3A_4 : vector<512xf32> to vector<1x512xf32>
    %mul3A = arith.constant 6.10351572E-6 : f32
    %mul3A_5 = vector.broadcast %mul3A : f32 to vector<1x512xf32>
    %mul3A_6 = arith.mulf %broadcast_in_dim3A, %mul3A_5 : vector<1x512xf32>
    %get3A_7 = arith.constant 0 : index
    %get3A_8 = arith.constant 1 : index
    %get3A_9 = arith.constant 0 : index
    %get3A_10 = vector.load %arg3[%get3A_7, %get3A_8, %get3A_9] : memref<32x2x512xf32, #tpu.memory_space<vmem>>, vector<32x1x512xf32>
    %get3A_11 = vector.shape_cast %get3A_10 : vector<32x1x512xf32> to vector<32x512xf32>
    %reduce_sum3A_12 = arith.constant dense<0.000000e+00> : vector<512xf32>
    %reduce_sum3A_13 = vector.multi_reduction <add>, %get3A_11, %reduce_sum3A_12 [0] : vector<32x512xf32> to vector<512xf32>
    %broadcast_in_dim3A_14 = vector.shape_cast %reduce_sum3A_13 : vector<512xf32> to vector<1x512xf32>
    %mul3A_15 = arith.constant 6.10351572E-6 : f32
    %mul3A_16 = vector.broadcast %mul3A_15 : f32 to vector<1x512xf32>
    %mul3A_17 = arith.mulf %broadcast_in_dim3A_14, %mul3A_16 : vector<1x512xf32>
    %mul3A_18 = arith.mulf %mul3A_6, %mul3A_6 : vector<1x512xf32>
    %sub3A = arith.subf %mul3A_17, %mul3A_18 : vector<1x512xf32>
    %get3A_19 = arith.constant 0 : index
    %get3A_20 = arith.constant 0 : index
    %get3A_21 = vector.load %arg4[%get3A_19, %get3A_20] : memref<1024x512xf32, #tpu.memory_space<vmem>>, vector<1024x512xf32>
    %sub3A_22 = vector.broadcast %mul3A_6 : vector<1x512xf32> to vector<1024x512xf32>
    %sub3A_23 = arith.subf %get3A_21, %sub3A_22 : vector<1024x512xf32>
    %add3A = arith.constant 9.99999974E-6 : f32
    %add3A_24 = vector.broadcast %add3A : f32 to vector<1x512xf32>
    %add3A_25 = arith.addf %sub3A, %add3A_24 : vector<1x512xf32>
    %sqrt3A = math.sqrt %add3A_25 : vector<1x512xf32>
    %div3A = vector.broadcast %sqrt3A : vector<1x512xf32> to vector<1024x512xf32>
    %div3A_26 = arith.divf %sub3A_23, %div3A : vector<1024x512xf32>
    %get3A_27 = arith.constant 0 : index
    %get3A_28 = arith.constant 0 : index
    %get3A_29 = vector.load %arg1[%get3A_27, %get3A_28] : memref<1x512xf32, #tpu.memory_space<vmem>>, vector<1x512xf32>
    %mul3A_30 = vector.broadcast %get3A_29 : vector<1x512xf32> to vector<1024x512xf32>
    %mul3A_31 = arith.mulf %div3A_26, %mul3A_30 : vector<1024x512xf32>
    %get3A_32 = arith.constant 0 : index
    %get3A_33 = arith.constant 0 : index
    %get3A_34 = vector.load %arg2[%get3A_32, %get3A_33] : memref<1x512xf32, #tpu.memory_space<vmem>>, vector<1x512xf32>
    %add3A_35 = vector.broadcast %get3A_34 : vector<1x512xf32> to vector<1024x512xf32>
    %add3A_36 = arith.addf %mul3A_31, %add3A_35 : vector<1024x512xf32>
    %gt3A = arith.constant 0.000000e+00 : f32
    %gt3A_37 = vector.broadcast %gt3A : f32 to vector<1024x512xf32>
    %gt3A_38 = arith.cmpf ogt, %add3A_36, %gt3A_37 : vector<1024x512xf32>
    %mul3A_39 = arith.constant 2.000000e-01 : f32
    %mul3A_40 = vector.broadcast %mul3A_39 : f32 to vector<1024x512xf32>
    %mul3A_41 = arith.mulf %mul3A_40, %add3A_36 : vector<1024x512xf32>
    %select_n3A = arith.select %gt3A_38, %add3A_36, %mul3A_41 : vector<1024x512xi1>, vector<1024x512xf32>
    %jit3A = arith.constant 0 : i32
    %convert_element_type3A = arith.sitofp %jit3A : i32 to f32
    %swap3A = arith.constant 0 : index
    %swap3A_42 = arith.constant 0 : index
    %swap3A_43 = vector.load %arg5[%swap3A, %swap3A_42] : memref<1024x512xf32, #tpu.memory_space<vmem>>, vector<1024x512xf32>
    tpu.vector_store %arg5[%swap3A, %swap3A_42], %select_n3A {strides = array<i32>} : memref<1024x512xf32, #tpu.memory_space<vmem>>, vector<1024x512xf32>,
    return
  }
  func.func @transform_0(%arg0: i32) -> (i32, i32) {
    %c0_i32 = arith.constant 0 : i32
    %c0_i32_0 = arith.constant 0 : i32
    %c0_i32_1 = arith.constant 0 : i32
    return %c0_i32, %c0_i32_0 : i32, i32
  }
  func.func @transform_1(%arg0: i32) -> (i32, i32) {
    %c0_i32 = arith.constant 0 : i32
    %c0_i32_0 = arith.constant 0 : i32
    %c0_i32_1 = arith.constant 0 : i32
    return %c0_i32, %c0_i32_0 : i32, i32
  }
  func.func @transform_2(%arg0: i32) -> (i32, i32, i32) {
    %c0_i32 = arith.constant 0 : i32
    %c0_i32_0 = arith.constant 0 : i32
    %c0_i32_1 = arith.constant 0 : i32
    %c0_i32_2 = arith.constant 0 : i32
    return %c0_i32, %c0_i32_0, %c0_i32_1 : i32, i32, i32
  }
  func.func @transform_3(%arg0: i32) -> (i32, i32) {
    %c0_i32 = arith.constant 0 : i32
    %c0_i32_0 = arith.constant 0 : i32
    return %arg0, %c0_i32 : i32, i32
  }
  func.func @transform_4(%arg0: i32) -> (i32, i32) {
    %c0_i32 = arith.constant 0 : i32
    %c0_i32_0 = arith.constant 0 : i32
    return %arg0, %c0_i32 : i32, i32
  }
}

</mosaic_0001>

<sc_bundles>
// kernel: kernel.22.cloned.1.call-start
scs
__scs_entry_jumppad:
0x0: {  	(pc) =	sbr.rel $0x88, $3  }
0x1: {  	(tag) =	ssettag $0x0;
	lr =	simm.s32 $0x1  }
0x2: {  	[smem:$0x3F91] =	sst lr;
	_ =	strace $0xD0000000  }
0x3: {  	_ = 	snop  }
0x4: {  	_ = 	snop  }
0x5: {  	_ = 	snop  }
0x6: {  	_ = 	snop  }
0x7: {  	_ = 	snop  }
__scs_overlays_trampoline_lowered:
0x8: {  	[smem:$0x3FA0] =	sst s0  }
0x9: {  	[smem:$0x3FA1] =	sst s1  }
0xa: {  	[smem:$0x3FA2] =	sst s2  }
0xb: {  	[smem:$0x3FA3] =	sst s3  }
0xc: {  	[smem:$0x3FA4] =	sst s4  }
0xd: {  	[smem:$0x3FA5] =	sst s5  }
0xe: {  	[smem:$0x3FA6] =	sst s6  }
0xf: {  	[smem:$0x3FA7] =	sst s7  }
0x10: {  	[smem:$0x3FA8] =	sst s8  }
0x11: {  	[smem:$0x3FA9] =	sst s9;
	s0 =	simm.s32 @!p0 $0x0  }
0x12: {  	s1 =	sld [smem:$0x3F8F];
	s0 =	simm.s32 @p0 $0x1  }
0x13: {  	[smem:$0x3FAA] =	sst s0;
	s0 =	simm.s32 @!p1 $0x0  }
0x14: {  	s2 =	sld [smem:$0x3F8E];
	s0 =	simm.s32 @p1 $0x1  }
0x15: {  	[smem:$0x3FAB] =	sst s0;
	s0 =	simm.s32 @!p2 $0x0  }
0x16: {  	s3 =	sld [smem:$0x3FDB];
	s0 =	simm.s32 @p2 $0x1  }
0x17: {  	s4 =	simm.s32 $0x1BF5;
	[smem:$0x3FAD] =	sst s0  }
0x18: {  	s0 =	sld [smem:$0x3F90];
	_ =	swait.ge [sflag:s4], $0x0  }
0x19: {  	s7 =	sld [smem:$0x3F91]  }
0x1a: {  	s8 =	sadd.s32 $0xFFFFE003, lr  }
0x1b: {  	s9 =	sadd.s32 $0xFFFFFEF7, lr;
	s5 =	simm.s32 $0xFFFFFFFF;
	p2 =	slt.u32 s8, $0xFFFFF086  }
0x1c: {  	p1 =	slt.u32 s9, $0xF7A;
	s5 =	simm.s32 @!p2 $0x0  }
0x1d: {  	s5 =	simm.s32 @p1 $0x1;
	p0 =	seq.s32 s7, s2  }
0x1e: {  	s7 =	smul.u32 @!p0 $0xF7A, s2;
	p2 =	seq.s32 @!p0 s5, $0x0  }
0x1f: {  	s9 =	smul.u32 $0xF7A, s1;
	s8 =	simm.s32 @!p0 $0x1BF5;
	p2 =	por !p2, p0  }
0x20: {  	[sflag:s8] =	ssyncset.s32 @!p0 $0xFFFFF086;
	s6 =	sadd.s32 @!p0 s3, s7;
	s7 =	simm.s32 @!p0 $0x108  }
0x21: {  	s3 =	sadd.s32 s3, s9;
	s6 =	sadd.s32 @!p0 $0x88, s6;
	s7 =	simm.s32 @p2 $0x1082  }
0x22: {  	[simem:s7], [sflag:s8] =	dma.local @!p0 [hbm:s6], $0xF7A  }
0x23: {  	s9 =	sor.u32 $0xD0000000, s2;
	s6 =	simm.s32 $0x108;
	_ =	swait.ge @!p0 [sflag:s8], $0x0  }
0x24: {  	s3 =	sadd.s32 $0x88, s3;
	s6 =	simm.s32 @!p1 $0x1082;
	[sflag:s4] =	ssyncset.s32 $0xFFFFF086  }
0x25: {  	[simem:s6], [sflag:s4] =	dma.local [hbm:s3], $0xF7A  }
0x26: {  	[smem:$0x3F91] =	sst s1;
	(tag) =	ssettag s2;
	_ =	strace s9  }
0x27: {  	s1 =	sld [smem:$0x3FA1]  }
0x28: {  	s2 =	sld [smem:$0x3FA2]  }
0x29: {  	s4 =	sld [smem:$0x3FA4]  }
0x2a: {  	p0 =	seq.s32 s5, $0x0;
	s5 =	sld [smem:$0x3FA5]  }
0x2b: {  	s6 =	sld [smem:$0x3FA6]  }
0x2c: {  	s7 =	sld [smem:$0x3FA7]  }
0x2d: {  	s3 =	simm.s32 $0x108;
	s8 =	sld [smem:$0x3FA8]  }
0x2e: {  	s3 =	simm.s32 @!p0 $0x1082;
	s9 =	sld [smem:$0x3FA9]  }
0x2f: {  	lr =	sadd.s32 s0, s3;
	s0 =	sld [smem:$0x3FA0]  }
0x30: {  	s3 =	sld [smem:$0x3FA3]  }
0x31: {  	[smem:$0x3FAC] =	sst s10  }
0x32: {  	s10 =	sld [smem:$0x3FAA];
	_ =	sdelay $0x3  }
0x33: {  	p0 =	seq.s32 s10, $0x1;
	s10 =	sld [smem:$0x3FAC];
	_ =	sdelay $0x3  }
0x34: {  	[smem:$0x3FAC] =	sst s10  }
0x35: {  	s10 =	sld [smem:$0x3FAB];
	_ =	sdelay $0x3  }
0x36: {  	p1 =	seq.s32 s10, $0x1;
	s10 =	sld [smem:$0x3FAC];
	_ =	sdelay $0x3  }
0x37: {  	[smem:$0x3FAC] =	sst s10  }
0x38: {  	s10 =	sld [smem:$0x3FAD]  }
0x39: {  	_ = 	snop;
	(pc) =	sbr.ind lr, $3  }
0x3a: {  	_ = 	snop  }
0x3b: {  	_ = 	snop  }
0x3c: {  	p2 =	seq.s32 s10, $0x1;
	s10 =	sld [smem:$0x3FAC]  }
0x3d: {  	_ =	shalt  }
0x3e: {  	_ =	shalt  }
0x3f: {  	_ =	shalt  }
0x40: {  	_ =	shalt  }
0x41: {  	_ =	shalt  }
0x42: {  	_ =	shalt  }
0x43: {  	_ =	shalt  }
0x44: {  	_ =	shalt  }
0x45: {  	_ =	shalt  }
0x46: {  	_ =	shalt  }
0x47: {  	_ =	shalt  }
0x48: {  	_ =	shalt  }
0x49: {  	_ =	shalt  }
0x4a: {  	_ =	shalt  }
0x4b: {  	_ =	shalt  }
0x4c: {  	_ =	shalt  }
0x4d: {  	_ =	shalt  }
0x4e: {  	_ =	shalt  }
0x4f: {  	_ =	shalt  }
0x50: {  	_ =	shalt  }
0x51: {  	_ =	shalt  }
0x52: {  	_ =	shalt  }
0x53: {  	_ =	shalt  }
0x54: {  	_ =	shalt  }
0x55: {  	_ =	shalt  }
0x56: {  	_ =	shalt  }
0x57: {  	_ =	shalt  }
0x58: {  	_ =	shalt  }
0x59: {  	_ =	shalt  }
0x5a: {  	_ =	shalt  }
0x5b: {  	_ =	shalt  }
0x5c: {  	_ =	shalt  }
0x5d: {  	_ =	shalt  }
0x5e: {  	_ =	shalt  }
0x5f: {  	_ =	shalt  }
0x60: {  	_ =	shalt  }
0x61: {  	_ =	shalt  }
0x62: {  	_ =	shalt  }
0x63: {  	_ =	shalt  }
0x64: {  	_ =	shalt  }
0x65: {  	_ =	shalt  }
0x66: {  	_ =	shalt  }
0x67: {  	_ =	shalt  }
0x68: {  	_ =	shalt  }
0x69: {  	_ =	shalt  }
0x6a: {  	_ =	shalt  }
0x6b: {  	_ =	shalt  }
0x6c: {  	_ =	shalt  }
0x6d: {  	_ =	shalt  }
0x6e: {  	_ =	shalt  }
0x6f: {  	_ =	shalt  }
0x70: {  	_ =	shalt  }
0x71: {  	_ =	shalt  }
0x72: {  	_ =	shalt  }
0x73: {  	_ =	shalt  }
0x74: {  	_ =	shalt  }
0x75: {  	_ =	shalt  }
0x76: {  	_ =	shalt  }
0x77: {  	_ =	shalt  }
0x78: {  	_ =	shalt  }
0x79: {  	_ =	shalt  }
0x7a: {  	_ =	shalt  }
0x7b: {  	_ =	shalt  }
0x7c: {  	_ =	shalt  }
0x7d: {  	_ =	shalt  }
0x7e: {  	_ =	shalt  }
0x7f: {  	_ =	shalt  }
0x80: {  	_ =	shalt  }
0x81: {  	_ =	shalt  }
0x82: {  	_ =	shalt  }
0x83: {  	_ =	shalt  }
0x84: {  	_ =	shalt  }
0x85: {  	_ =	shalt  }
0x86: {  	_ =	shalt  }
0x87: {  	_ =	shalt  }
.Lfunc_end0:
.L_simem_size_0:
called_computation_lowered:
.L_overlay_start_0:
0x88: {  	s2 =	sld [smem:$0x3FD9]  }
0x89: {  	s3 =	sld [smem:$0x3FFE];
	_ =	sdelay $0x1  }
0x8a: {  	s1 =	srdreg.scid  }
0x8b: {  	s0 =	sand.u32 $0x1, s1  }
0x8c: {  	s17 =	sshll.u32 s0, $0xA;
	s2 =	sadd.s32 s3, s2  }
0x8d: {  	s2 =	sadd.s32 s2, s17  }
0x8e: {  	[smem:$0x3FB8] =	sst s2  }
0x8f: {  	_ = 	snop  }
0x90: {  	s2 =	sld [smem:$0x3FD0];
	(tm) =	ssettm $0x1  }
0x91: {  	s18 =	sld [smem:$0x3FFB];
	_ =	sdelay $0x3  }
0x92: {  	_ =	strace s18  }
0x93: {  	s3 =	sld [smem:$0x3FFC];
	_ =	sdelay $0x3  }
0x94: {  	_ =	strace s3  }
0x95: {  	s3 =	sld [smem:$0x3FFD];
	_ =	sdelay $0x3  }
0x96: {  	_ =	strace s3  }
0x97: {  	_ =	strace $0x8FFFFFFF  }
0x98: {  	s19 =	sld [smem:$0x3FDB];
	_ =	sdelay $0x1  }
0x99: {  	s4 =	simm.s32 $_scs_section_size  }
0x9a: {  	s5 =	simm.s32 $_size__tile_overlayer_lowered;
	s6 =	simm.s32 $_tile_overlayer_lowered  }
0x9b: {  	s22 =	simm.s32 $0x1BFF;
	s21 =	sshll.u32 s6, $0x1;
	s3 =	sadd.s32 s4, s19  }
0x9c: {  	s7 =	simm.s32 $0x0;
	s20 =	sshll.u32 s5, $0x1;
	s5 =	sadd.s32 s21, s3  }
0x9d: {  	[timem:s7], [sflag:s22] =	dma.local [hbm:s5], s20  }
0x9e: {  	_ =	swait.ge [sflag:s22], s20  }
0x9f: {  	s4 =	ssub.s32 $0x0, s20;
	[sflag:s22] =	ssyncset.done $0x0  }
0xa0: {  	[sflag:s22] =	ssyncadd.s32 s4;
	_ =	sdelay $0x1  }
0xa1: {  	s23 =	simm.s32 $0x1B8B  }
0xa2: {  	_ =	swait.ge [sflag:s23], $0x1  }
0xa3: {  	[sflag:s23] =	ssyncset.done $0x0  }
0xa4: {  	s25 =	simm.s32 $0x1B8E;
	s24 =	sld [smem:$0x3FFE];
	[sflag:s23] =	ssyncadd.s32 $0xFFFFFFFF  }
0xa5: {  	s26 =	simm.s32 $execute0_lowered;
	[smem:$0x3FD2] =	sst s25  }
0xa6: {  	s5 =	sshll.u32 s26, $0x1;
	_ =	strace $0x80000046;
	[dreg:$0x1] =	wrdreg $0xFFFFFFFF  }
0xa7: {  	s28 =	simm.s32 $_size_execute0_lowered;
	s3 =	sadd.s32 s3, s5;
	[dreg:$0x0] =	wrdreg $0x0  }
0xa8: {  	s5 =	sshll.u32 s28, $0x1;
	[dreg:$0x2] =	wrdreg s3  }
0xa9: {  	[dreg:$0x3] =	wrdreg s5  }
0xaa: {  	[dreg:$0x4] =	wrdreg $0xC0  }
0xab: {  	_ =	task [dreg:s7], $0x5FFFF  }
0xac: {  	[dreg:$0x1] =	wrdreg $0xFFFFFFFF  }
0xad: {  	[dreg:$0x0] =	wrdreg $0x60  }
0xae: {  	[dreg:$0x2] =	wrdreg s2  }
0xaf: {  	[dreg:$0x3] =	wrdreg s24  }
0xb0: {  	[dreg:$0x4] =	wrdreg $0x9  }
0xb1: {  	_ =	task.clear_ibuf [dreg:s7], $0x5FFFF;
	_ =	strace $0x90000046  }
0xb2: {  	s29 =	simm.s32 $0x9;
	_ =	strace $0x80000048  }
0xb3: {  	_ =	swait.ge [sflag:s29], $0x1  }
0xb4: {  	[sflag:s29] =	ssyncadd.s32 $0xFFFFFFFF  }
0xb5: {  	_ =	strace $0x90000048  }
0xb6: {  	_ =	sfence  }
0xb7: {  	s30 =	sld [smem:$0x0];
	_ =	sdelay $0x2  }
0xb8: {  	s31 =	sshll.u32 s1, $0xD;
	s1 =	sshrl.u32 s1, $0x2  }
0xb9: {  	s3 =	sand.u32 $0x4000, s31;
	s1 =	sadd.s32 s1, s30  }
0xba: {  	s0 =	sor.u32 s3, s0;
	s1 =	sshll.u32 s1, $0x11  }
0xbb: {  	s0 =	sor.u32 s1, s0  }
0xbc: {  	s0 =	sadd.s32 $0x8F2B, s0  }
0xbd: {  	[sflag:s0] =	ssyncadd.remote.s32 $0x1  }
0xbe: {  	_ =	sfence.sel $0xFFFF  }
0xbf: {  	[dreg:$0x0] =	wrdreg $0xFFFFFFFF;
	(pc) =	sbr.abs _section_cstart, $3  }
0xc0: {  	[dreg:$0x1] =	wrdreg $0xFFFFFFFF  }
0xc1: {  	_ =	task.clear_ibuf [dreg:s7], $0x2FFFF;
	_ =	strace $0x9FFFFFFF  }
0xc2: {  	(tm) =	ssettm $0x7FFFFFFF  }
0xc3: {  	_ =	shalt  }
tec
execute0_lowered:
.L_overlay_start_1:
0x0: {  	(tag) =	ssettag $0x1  }
0x1: {  	s1 =	rddreg [dreg:$0x0]  }
0x2: {  	s4 =	rddreg [dreg:$0x1]  }
0x3: {  	s0 =	rddreg [dreg:$0x2];
	s3 =	simm.s32 $0x0  }
0x4: {  	s5 =	srdreg.scid;
	s2 =	stileid.u32;
	s11 =	simm.s32 $0x0  }
0x5: {  	[smem:$0x7FF] =	sst s3;
	s5 =	sand.u32 $0x1, s5;
	s6 =	sshll.u32 s2, $0xD  }
0x6: {  	s8 =	smul.u32 $0x30000, s2;
	_ =	strace $0x80000047;
	s7 =	sshll.u32 s5, $0xC  }
0x7: {  	s9 =	ssub.s32 $0x2, s5;
	s10 =	smul.u32 $0x18000, s5;
	s6 =	sor.u32 s7, s6  }
0x8: {  	s29 =	sshrl.u32 s9, $0x1;
	s31 =	sadd.s32 s8, s4;
	s8 =	simm.s32 $0x18  }
0x9: {  	s30 =	sadd.s32 s6, s4;
	s7 =	ssub.s32 s9, s29;
	s6 =	sadd.s32 s10, s31  }
0xa: {  	s9 =	simm.s32 $0x8000;
	s10 =	simm.s32 $0x1;
	s4 =	sadd.s32 $0x7000, s30  }
0xb: {  	s5 =	smax.u32 s7, $0x1;
	s6 =	sadd.s32 $0x27000, s6;
	s7 =	simm.s32 $0x2  }
.LBB2_1:
0xc: {  	[tilespmem:s3], [sflag:$0x2] =	stream.linear.gather [hbm4b:s4+s3], $0x8000, $0x38;
	[tilespmem:$0x8C00] =	vst v63  }
0xd: {  	_ =	swait.ge [sflag:s7], $0x8000  }
0xe: {  	[sflag:s7] =	ssyncset.done $0x0  }
0xf: {  	[sflag:s7] =	ssyncadd.s32 $0xFFFF8000  }
0x10: {  	[tilespmem:s9], [sflag:$0x1] =	stream.indirect.gather [hbm4b:s1+s8], $0x80, s3, s8, $0xb8;
	[tilespmem:$0x8C00] =	vst v63  }
0x11: {  	_ =	swait.ge [sflag:s10], $0xC00  }
0x12: {  	[sflag:s10] =	ssyncset.done $0x0  }
0x13: {  	s12 =	sadd.s32 $0x0, s6;
	[sflag:s10] =	ssyncadd.s32 $0xFFFFF400  }
0x14: {  	[hbm4b:s12+s3] =	stream.linear.scatter [tilespmem:s9], [sflag:$0x2], $0xC00, $0x38;
	[tilespmem:$0x8C00] =	vst v63  }
0x15: {  	_ =	swait.ge [sflag:s7], $0xC00  }
0x16: {  	s13 =	simm.s32 $0x0;
	s12 =	simm.s32 $0x180;
	[sflag:s7] =	ssyncset.done $0x0  }
.LBB2_2:
0x17: {  	p0 =	sne.s32 s12, $0x17E80;
	[sflag:s7] =	ssyncadd.s32 $0xFFFFF400;
	s13 =	sadd.s32 $0x80, s13  }
0x18: {  	[tilespmem:s9], [sflag:$0x1] =	stream.indirect.gather [hbm4b:s1+s8], $0x80, s13, s8, $0xb8;
	[tilespmem:$0x8C00] =	vst v63  }
0x19: {  	s14 =	smov.u32 s12;
	s12 =	sadd.s32 $0x180, s12;
	_ =	swait.ge [sflag:s10], $0xC00  }
.Ltmp0:
0x1a: {  	[sflag:s10] =	ssyncset.done $0x0;
	(pc) =	sbr.rel @p0 .LBB2_2-.Ltmp0, $4  }
0x1b: {  	s14 =	sadd.s32 s14, s6;
	[sflag:s10] =	ssyncadd.s32 $0xFFFFF400  }
0x1c: {  	[hbm4b:s14+s3] =	stream.linear.scatter [tilespmem:s9], [sflag:$0x2], $0xC00, $0x38;
	[tilespmem:$0x8C00] =	vst v63  }
0x1d: {  	_ =	swait.ge [sflag:s7], $0xC00  }
0x1e: {  	[sflag:s7] =	ssyncset.done $0x0  }
0x1f: {  	s11 =	sadd.s32 $0x1, s11  }
0x20: {  	p0 =	sne.s32 s11, s5  }
.Ltmp1:
0x21: {  	_ = 	snop;
	(pc) =	sbr.rel @p0 .LBB2_1-.Ltmp1, $2  }
0x22: {  	_ =	sdelay $0x2  }
0x23: {  	[sflag:s7] =	ssyncadd.s32 $0xFFFFF400  }
0x24: {  	_ =	sfence.sel $0x180000  }
0x25: {  	[bflag:$0x0] =	sbarrier.arrive $0xFFFF  }
0x26: {  	p0 =	sne.s32 s2, $0x0;
	_ =	strace $0x90000047  }
0x27: {  	s0 =	sadd.s32 @!p0 $0x100000, s0;
	[bflag:$0x2] =	sbarrier.arrive $0xFFFF  }
0x28: {  	[sflag:s0] =	ssyncadd.tile.s32 @!p0 $0x1;
	_ =	shalt  }
.Lfunc_end2:
_tile_overlayer_lowered:
.L_overlay_start_2:
0x29: {  	(tag) =	ssettag $0x2  }
0x2a: {  	s0 =	rddreg [dreg:$0x0];
	s2 =	stileid.u32  }
0x2b: {  	s1 =	rddreg [dreg:$0x1];
	p0 =	sne.s32 s2, $0x0  }
0x2c: {  	s3 =	rddreg [dreg:$0x2];
	[bflag:$0x3] =	sbarrier.arrive $0xFFFF;
	s2 =	simm.s32 @!p0 $0x1C02  }
0x2d: {  	[timem:s3], [sflag:s2] =	dma.local @!p0 [hbm:s0], s1  }
0x2e: {  	s0 =	simm.s32 @!p0 $0x2  }
0x2f: {  	_ =	swait.ge @!p0 [sflag:s0], s1  }
0x30: {  	s1 =	ssub.s32 @!p0 $0x0, s1;
	[sflag:s0] =	ssyncset.done @!p0 $0x0  }
0x31: {  	[sflag:s0] =	ssyncadd.s32 @!p0 s1  }
0x32: {  	[bflag:$0x3] =	sbarrier.arrive $0xFFFF  }
0x33: {  	_ =	shalt  }

// kernel: kernel.25.cloned.1.call-start
scs
__scs_entry_jumppad:
0x0: {  	(pc) =	sbr.rel $0x88, $3  }
0x1: {  	(tag) =	ssettag $0x0;
	lr =	simm.s32 $0x1  }
0x2: {  	[smem:$0x3F91] =	sst lr;
	_ =	strace $0xD0000000  }
0x3: {  	_ = 	snop  }
0x4: {  	_ = 	snop  }
0x5: {  	_ = 	snop  }
0x6: {  	_ = 	snop  }
0x7: {  	_ = 	snop  }
__scs_overlays_trampoline_lowered:
0x8: {  	[smem:$0x3FA0] =	sst s0  }
0x9: {  	[smem:$0x3FA1] =	sst s1  }
0xa: {  	[smem:$0x3FA2] =	sst s2  }
0xb: {  	[smem:$0x3FA3] =	sst s3  }
0xc: {  	[smem:$0x3FA4] =	sst s4  }
0xd: {  	[smem:$0x3FA5] =	sst s5  }
0xe: {  	[smem:$0x3FA6] =	sst s6  }
0xf: {  	[smem:$0x3FA7] =	sst s7  }
0x10: {  	[smem:$0x3FA8] =	sst s8  }
0x11: {  	[smem:$0x3FA9] =	sst s9;
	s0 =	simm.s32 @!p0 $0x0  }
0x12: {  	s1 =	sld [smem:$0x3F8F];
	s0 =	simm.s32 @p0 $0x1  }
0x13: {  	[smem:$0x3FAA] =	sst s0;
	s0 =	simm.s32 @!p1 $0x0  }
0x14: {  	s2 =	sld [smem:$0x3F8E];
	s0 =	simm.s32 @p1 $0x1  }
0x15: {  	[smem:$0x3FAB] =	sst s0;
	s0 =	simm.s32 @!p2 $0x0  }
0x16: {  	s3 =	sld [smem:$0x3FDB];
	s0 =	simm.s32 @p2 $0x1  }
0x17: {  	s4 =	simm.s32 $0x1BF5;
	[smem:$0x3FAD] =	sst s0  }
0x18: {  	s0 =	sld [smem:$0x3F90];
	_ =	swait.ge [sflag:s4], $0x0  }
0x19: {  	s7 =	sld [smem:$0x3F91]  }
0x1a: {  	s8 =	sadd.s32 $0xFFFFE003, lr  }
0x1b: {  	s9 =	sadd.s32 $0xFFFFFEF7, lr;
	s5 =	simm.s32 $0xFFFFFFFF;
	p2 =	slt.u32 s8, $0xFFFFF086  }
0x1c: {  	p1 =	slt.u32 s9, $0xF7A;
	s5 =	simm.s32 @!p2 $0x0  }
0x1d: {  	s5 =	simm.s32 @p1 $0x1;
	p0 =	seq.s32 s7, s2  }
0x1e: {  	s7 =	smul.u32 @!p0 $0xF7A, s2;
	p2 =	seq.s32 @!p0 s5, $0x0  }
0x1f: {  	s9 =	smul.u32 $0xF7A, s1;
	s8 =	simm.s32 @!p0 $0x1BF5;
	p2 =	por !p2, p0  }
0x20: {  	[sflag:s8] =	ssyncset.s32 @!p0 $0xFFFFF086;
	s6 =	sadd.s32 @!p0 s3, s7;
	s7 =	simm.s32 @!p0 $0x108  }
0x21: {  	s3 =	sadd.s32 s3, s9;
	s6 =	sadd.s32 @!p0 $0x88, s6;
	s7 =	simm.s32 @p2 $0x1082  }
0x22: {  	[simem:s7], [sflag:s8] =	dma.local @!p0 [hbm:s6], $0xF7A  }
0x23: {  	s9 =	sor.u32 $0xD0000000, s2;
	s6 =	simm.s32 $0x108;
	_ =	swait.ge @!p0 [sflag:s8], $0x0  }
0x24: {  	s3 =	sadd.s32 $0x88, s3;
	s6 =	simm.s32 @!p1 $0x1082;
	[sflag:s4] =	ssyncset.s32 $0xFFFFF086  }
0x25: {  	[simem:s6], [sflag:s4] =	dma.local [hbm:s3], $0xF7A  }
0x26: {  	[smem:$0x3F91] =	sst s1;
	(tag) =	ssettag s2;
	_ =	strace s9  }
0x27: {  	s1 =	sld [smem:$0x3FA1]  }
0x28: {  	s2 =	sld [smem:$0x3FA2]  }
0x29: {  	s4 =	sld [smem:$0x3FA4]  }
0x2a: {  	p0 =	seq.s32 s5, $0x0;
	s5 =	sld [smem:$0x3FA5]  }
0x2b: {  	s6 =	sld [smem:$0x3FA6]  }
0x2c: {  	s7 =	sld [smem:$0x3FA7]  }
0x2d: {  	s3 =	simm.s32 $0x108;
	s8 =	sld [smem:$0x3FA8]  }
0x2e: {  	s3 =	simm.s32 @!p0 $0x1082;
	s9 =	sld [smem:$0x3FA9]  }
0x2f: {  	lr =	sadd.s32 s0, s3;
	s0 =	sld [smem:$0x3FA0]  }
0x30: {  	s3 =	sld [smem:$0x3FA3]  }
0x31: {  	[smem:$0x3FAC] =	sst s10  }
0x32: {  	s10 =	sld [smem:$0x3FAA];
	_ =	sdelay $0x3  }
0x33: {  	p0 =	seq.s32 s10, $0x1;
	s10 =	sld [smem:$0x3FAC];
	_ =	sdelay $0x3  }
0x34: {  	[smem:$0x3FAC] =	sst s10  }
0x35: {  	s10 =	sld [smem:$0x3FAB];
	_ =	sdelay $0x3  }
0x36: {  	p1 =	seq.s32 s10, $0x1;
	s10 =	sld [smem:$0x3FAC];
	_ =	sdelay $0x3  }
0x37: {  	[smem:$0x3FAC] =	sst s10  }
0x38: {  	s10 =	sld [smem:$0x3FAD]  }
0x39: {  	_ = 	snop;
	(pc) =	sbr.ind lr, $3  }
0x3a: {  	_ = 	snop  }
0x3b: {  	_ = 	snop  }
0x3c: {  	p2 =	seq.s32 s10, $0x1;
	s10 =	sld [smem:$0x3FAC]  }
0x3d: {  	_ =	shalt  }
0x3e: {  	_ =	shalt  }
0x3f: {  	_ =	shalt  }
0x40: {  	_ =	shalt  }
0x41: {  	_ =	shalt  }
0x42: {  	_ =	shalt  }
0x43: {  	_ =	shalt  }
0x44: {  	_ =	shalt  }
0x45: {  	_ =	shalt  }
0x46: {  	_ =	shalt  }
0x47: {  	_ =	shalt  }
0x48: {  	_ =	shalt  }
0x49: {  	_ =	shalt  }
0x4a: {  	_ =	shalt  }
0x4b: {  	_ =	shalt  }
0x4c: {  	_ =	shalt  }
0x4d: {  	_ =	shalt  }
0x4e: {  	_ =	shalt  }
0x4f: {  	_ =	shalt  }
0x50: {  	_ =	shalt  }
0x51: {  	_ =	shalt  }
0x52: {  	_ =	shalt  }
0x53: {  	_ =	shalt  }
0x54: {  	_ =	shalt  }
0x55: {  	_ =	shalt  }
0x56: {  	_ =	shalt  }
0x57: {  	_ =	shalt  }
0x58: {  	_ =	shalt  }
0x59: {  	_ =	shalt  }
0x5a: {  	_ =	shalt  }
0x5b: {  	_ =	shalt  }
0x5c: {  	_ =	shalt  }
0x5d: {  	_ =	shalt  }
0x5e: {  	_ =	shalt  }
0x5f: {  	_ =	shalt  }
0x60: {  	_ =	shalt  }
0x61: {  	_ =	shalt  }
0x62: {  	_ =	shalt  }
0x63: {  	_ =	shalt  }
0x64: {  	_ =	shalt  }
0x65: {  	_ =	shalt  }
0x66: {  	_ =	shalt  }
0x67: {  	_ =	shalt  }
0x68: {  	_ =	shalt  }
0x69: {  	_ =	shalt  }
0x6a: {  	_ =	shalt  }
0x6b: {  	_ =	shalt  }
0x6c: {  	_ =	shalt  }
0x6d: {  	_ =	shalt  }
0x6e: {  	_ =	shalt  }
0x6f: {  	_ =	shalt  }
0x70: {  	_ =	shalt  }
0x71: {  	_ =	shalt  }
0x72: {  	_ =	shalt  }
0x73: {  	_ =	shalt  }
0x74: {  	_ =	shalt  }
0x75: {  	_ =	shalt  }
0x76: {  	_ =	shalt  }
0x77: {  	_ =	shalt  }
0x78: {  	_ =	shalt  }
0x79: {  	_ =	shalt  }
0x7a: {  	_ =	shalt  }
0x7b: {  	_ =	shalt  }
0x7c: {  	_ =	shalt  }
0x7d: {  	_ =	shalt  }
0x7e: {  	_ =	shalt  }
0x7f: {  	_ =	shalt  }
0x80: {  	_ =	shalt  }
0x81: {  	_ =	shalt  }
0x82: {  	_ =	shalt  }
0x83: {  	_ =	shalt  }
0x84: {  	_ =	shalt  }
0x85: {  	_ =	shalt  }
0x86: {  	_ =	shalt  }
0x87: {  	_ =	shalt  }
.Lfunc_end0:
.L_simem_size_0:
called_computation.1_lowered:
.L_overlay_start_0:
0x88: {  	s2 =	sld [smem:$0x3FD9]  }
0x89: {  	s3 =	sld [smem:$0x3FFE];
	_ =	sdelay $0x1  }
0x8a: {  	s1 =	srdreg.scid  }
0x8b: {  	s0 =	sand.u32 $0x1, s1  }
0x8c: {  	s17 =	sshll.u32 s0, $0xA;
	s2 =	sadd.s32 s3, s2  }
0x8d: {  	s2 =	sadd.s32 s2, s17  }
0x8e: {  	[smem:$0x3FB8] =	sst s2  }
0x8f: {  	_ = 	snop  }
0x90: {  	s2 =	sld [smem:$0x3FD0];
	(tm) =	ssettm $0x1  }
0x91: {  	s18 =	sld [smem:$0x3FFB];
	_ =	sdelay $0x3  }
0x92: {  	_ =	strace s18  }
0x93: {  	s3 =	sld [smem:$0x3FFC];
	_ =	sdelay $0x3  }
0x94: {  	_ =	strace s3  }
0x95: {  	s3 =	sld [smem:$0x3FFD];
	_ =	sdelay $0x3  }
0x96: {  	_ =	strace s3  }
0x97: {  	_ =	strace $0x8FFFFFFF  }
0x98: {  	s19 =	sld [smem:$0x3FDB];
	_ =	sdelay $0x1  }
0x99: {  	s4 =	simm.s32 $_scs_section_size  }
0x9a: {  	s5 =	simm.s32 $_size__tile_overlayer_lowered;
	s6 =	simm.s32 $_tile_overlayer_lowered  }
0x9b: {  	s22 =	simm.s32 $0x1BFF;
	s21 =	sshll.u32 s6, $0x1;
	s3 =	sadd.s32 s4, s19  }
0x9c: {  	s7 =	simm.s32 $0x0;
	s20 =	sshll.u32 s5, $0x1;
	s5 =	sadd.s32 s21, s3  }
0x9d: {  	[timem:s7], [sflag:s22] =	dma.local [hbm:s5], s20  }
0x9e: {  	_ =	swait.ge [sflag:s22], s20  }
0x9f: {  	s4 =	ssub.s32 $0x0, s20;
	[sflag:s22] =	ssyncset.done $0x0  }
0xa0: {  	[sflag:s22] =	ssyncadd.s32 s4;
	_ =	sdelay $0x1  }
0xa1: {  	s23 =	simm.s32 $0x1B8B  }
0xa2: {  	_ =	swait.ge [sflag:s23], $0x1  }
0xa3: {  	[sflag:s23] =	ssyncset.done $0x0  }
0xa4: {  	s25 =	simm.s32 $0x1B8E;
	s24 =	sld [smem:$0x3FFE];
	[sflag:s23] =	ssyncadd.s32 $0xFFFFFFFF  }
0xa5: {  	s26 =	simm.s32 $execute0_lowered;
	[smem:$0x3FD2] =	sst s25  }
0xa6: {  	s5 =	sshll.u32 s26, $0x1;
	_ =	strace $0x80000049;
	[dreg:$0x1] =	wrdreg $0xFFFFFFFF  }
0xa7: {  	s28 =	simm.s32 $_size_execute0_lowered;
	s3 =	sadd.s32 s3, s5;
	[dreg:$0x0] =	wrdreg $0x0  }
0xa8: {  	s5 =	sshll.u32 s28, $0x1;
	[dreg:$0x2] =	wrdreg s3  }
0xa9: {  	[dreg:$0x3] =	wrdreg s5  }
0xaa: {  	[dreg:$0x4] =	wrdreg $0xC0  }
0xab: {  	_ =	task [dreg:s7], $0x5FFFF  }
0xac: {  	[dreg:$0x1] =	wrdreg $0xFFFFFFFF  }
0xad: {  	[dreg:$0x0] =	wrdreg $0x60  }
0xae: {  	[dreg:$0x2] =	wrdreg s2  }
0xaf: {  	[dreg:$0x3] =	wrdreg s24  }
0xb0: {  	[dreg:$0x4] =	wrdreg $0x9  }
0xb1: {  	_ =	task.clear_ibuf [dreg:s7], $0x5FFFF;
	_ =	strace $0x90000049  }
0xb2: {  	s29 =	simm.s32 $0x9;
	_ =	strace $0x8000004B  }
0xb3: {  	_ =	swait.ge [sflag:s29], $0x1  }
0xb4: {  	[sflag:s29] =	ssyncadd.s32 $0xFFFFFFFF  }
0xb5: {  	_ =	strace $0x9000004B  }
0xb6: {  	_ =	sfence  }
0xb7: {  	s30 =	sld [smem:$0x0];
	_ =	sdelay $0x2  }
0xb8: {  	s31 =	sshll.u32 s1, $0xD;
	s1 =	sshrl.u32 s1, $0x2  }
0xb9: {  	s3 =	sand.u32 $0x4000, s31;
	s1 =	sadd.s32 s1, s30  }
0xba: {  	s0 =	sor.u32 s3, s0;
	s1 =	sshll.u32 s1, $0x11  }
0xbb: {  	s0 =	sor.u32 s1, s0  }
0xbc: {  	s0 =	sadd.s32 $0x8F2B, s0  }
0xbd: {  	[sflag:s0] =	ssyncadd.remote.s32 $0x1  }
0xbe: {  	_ =	sfence.sel $0xFFFF  }
0xbf: {  	[dreg:$0x0] =	wrdreg $0xFFFFFFFF;
	(pc) =	sbr.abs _section_cstart, $3  }
0xc0: {  	[dreg:$0x1] =	wrdreg $0xFFFFFFFF  }
0xc1: {  	_ =	task.clear_ibuf [dreg:s7], $0x2FFFF;
	_ =	strace $0x9FFFFFFF  }
0xc2: {  	(tm) =	ssettm $0x7FFFFFFF  }
0xc3: {  	_ =	shalt  }
tec
execute0_lowered:
.L_overlay_start_1:
0x0: {  	(tag) =	ssettag $0x1  }
0x1: {  	s1 =	rddreg [dreg:$0x0]  }
0x2: {  	s4 =	rddreg [dreg:$0x1]  }
0x3: {  	s0 =	rddreg [dreg:$0x2];
	s3 =	simm.s32 $0x0  }
0x4: {  	s5 =	srdreg.scid;
	s2 =	stileid.u32;
	s11 =	simm.s32 $0x0  }
0x5: {  	[smem:$0x7FF] =	sst s3;
	s5 =	sand.u32 $0x1, s5;
	s6 =	sshll.u32 s2, $0xD  }
0x6: {  	s8 =	smul.u32 $0x30000, s2;
	_ =	strace $0x8000004A;
	s7 =	sshll.u32 s5, $0xC  }
0x7: {  	s9 =	ssub.s32 $0x2, s5;
	s10 =	smul.u32 $0x18000, s5;
	s6 =	sor.u32 s7, s6  }
0x8: {  	s29 =	sshrl.u32 s9, $0x1;
	s31 =	sadd.s32 s8, s4;
	s8 =	simm.s32 $0x18  }
0x9: {  	s30 =	sadd.s32 s6, s4;
	s7 =	ssub.s32 s9, s29;
	s6 =	sadd.s32 s10, s31  }
0xa: {  	s9 =	simm.s32 $0x8000;
	s10 =	simm.s32 $0x1;
	s4 =	sadd.s32 $0x7000, s30  }
0xb: {  	s5 =	smax.u32 s7, $0x1;
	s6 =	sadd.s32 $0x27000, s6;
	s7 =	simm.s32 $0x2  }
.LBB2_1:
0xc: {  	[tilespmem:s3], [sflag:$0x2] =	stream.linear.gather [hbm4b:s4+s3], $0x8000, $0x38;
	[tilespmem:$0x8C00] =	vst v63  }
0xd: {  	_ =	swait.ge [sflag:s7], $0x8000  }
0xe: {  	[sflag:s7] =	ssyncset.done $0x0  }
0xf: {  	[sflag:s7] =	ssyncadd.s32 $0xFFFF8000  }
0x10: {  	[tilespmem:s9], [sflag:$0x1] =	stream.indirect.gather [hbm4b:s1+s8], $0x80, s3, s8, $0xb8;
	[tilespmem:$0x8C00] =	vst v63  }
0x11: {  	_ =	swait.ge [sflag:s10], $0xC00  }
0x12: {  	[sflag:s10] =	ssyncset.done $0x0  }
0x13: {  	s12 =	sadd.s32 $0x0, s6;
	[sflag:s10] =	ssyncadd.s32 $0xFFFFF400  }
0x14: {  	[hbm4b:s12+s3] =	stream.linear.scatter [tilespmem:s9], [sflag:$0x2], $0xC00, $0x38;
	[tilespmem:$0x8C00] =	vst v63  }
0x15: {  	_ =	swait.ge [sflag:s7], $0xC00  }
0x16: {  	s13 =	simm.s32 $0x0;
	s12 =	simm.s32 $0x180;
	[sflag:s7] =	ssyncset.done $0x0  }
.LBB2_2:
0x17: {  	p0 =	sne.s32 s12, $0x17E80;
	[sflag:s7] =	ssyncadd.s32 $0xFFFFF400;
	s13 =	sadd.s32 $0x80, s13  }
0x18: {  	[tilespmem:s9], [sflag:$0x1] =	stream.indirect.gather [hbm4b:s1+s8], $0x80, s13, s8, $0xb8;
	[tilespmem:$0x8C00] =	vst v63  }
0x19: {  	s14 =	smov.u32 s12;
	s12 =	sadd.s32 $0x180, s12;
	_ =	swait.ge [sflag:s10], $0xC00  }
.Ltmp0:
0x1a: {  	[sflag:s10] =	ssyncset.done $0x0;
	(pc) =	sbr.rel @p0 .LBB2_2-.Ltmp0, $4  }
0x1b: {  	s14 =	sadd.s32 s14, s6;
	[sflag:s10] =	ssyncadd.s32 $0xFFFFF400  }
0x1c: {  	[hbm4b:s14+s3] =	stream.linear.scatter [tilespmem:s9], [sflag:$0x2], $0xC00, $0x38;
	[tilespmem:$0x8C00] =	vst v63  }
0x1d: {  	_ =	swait.ge [sflag:s7], $0xC00  }
0x1e: {  	[sflag:s7] =	ssyncset.done $0x0  }
0x1f: {  	s11 =	sadd.s32 $0x1, s11  }
0x20: {  	p0 =	sne.s32 s11, s5  }
.Ltmp1:
0x21: {  	_ = 	snop;
	(pc) =	sbr.rel @p0 .LBB2_1-.Ltmp1, $2  }
0x22: {  	_ =	sdelay $0x2  }
0x23: {  	[sflag:s7] =	ssyncadd.s32 $0xFFFFF400  }
0x24: {  	_ =	sfence.sel $0x180000  }
0x25: {  	[bflag:$0x0] =	sbarrier.arrive $0xFFFF  }
0x26: {  	p0 =	sne.s32 s2, $0x0;
	_ =	strace $0x9000004A  }
0x27: {  	s0 =	sadd.s32 @!p0 $0x100000, s0;
	[bflag:$0x2] =	sbarrier.arrive $0xFFFF  }
0x28: {  	[sflag:s0] =	ssyncadd.tile.s32 @!p0 $0x1;
	_ =	shalt  }
.Lfunc_end2:
_tile_overlayer_lowered:
.L_overlay_start_2:
0x29: {  	(tag) =	ssettag $0x2  }
0x2a: {  	s0 =	rddreg [dreg:$0x0];
	s2 =	stileid.u32  }
0x2b: {  	s1 =	rddreg [dreg:$0x1];
	p0 =	sne.s32 s2, $0x0  }
0x2c: {  	s3 =	rddreg [dreg:$0x2];
	[bflag:$0x3] =	sbarrier.arrive $0xFFFF;
	s2 =	simm.s32 @!p0 $0x1C02  }
0x2d: {  	[timem:s3], [sflag:s2] =	dma.local @!p0 [hbm:s0], s1  }
0x2e: {  	s0 =	simm.s32 @!p0 $0x2  }
0x2f: {  	_ =	swait.ge @!p0 [sflag:s0], s1  }
0x30: {  	s1 =	ssub.s32 @!p0 $0x0, s1;
	[sflag:s0] =	ssyncset.done @!p0 $0x0  }
0x31: {  	[sflag:s0] =	ssyncadd.s32 @!p0 s1  }
0x32: {  	[bflag:$0x3] =	sbarrier.arrive $0xFFFF  }
0x33: {  	_ =	shalt  }

// kernel: kernel.28.cloned.1.call-start
scs
__scs_entry_jumppad:
0x0: {  	(pc) =	sbr.rel $0x88, $3  }
0x1: {  	(tag) =	ssettag $0x0;
	lr =	simm.s32 $0x1  }
0x2: {  	[smem:$0x3F91] =	sst lr;
	_ =	strace $0xD0000000  }
0x3: {  	_ = 	snop  }
0x4: {  	_ = 	snop  }
0x5: {  	_ = 	snop  }
0x6: {  	_ = 	snop  }
0x7: {  	_ = 	snop  }
__scs_overlays_trampoline_lowered:
0x8: {  	[smem:$0x3FA0] =	sst s0  }
0x9: {  	[smem:$0x3FA1] =	sst s1  }
0xa: {  	[smem:$0x3FA2] =	sst s2  }
0xb: {  	[smem:$0x3FA3] =	sst s3  }
0xc: {  	[smem:$0x3FA4] =	sst s4  }
0xd: {  	[smem:$0x3FA5] =	sst s5  }
0xe: {  	[smem:$0x3FA6] =	sst s6  }
0xf: {  	[smem:$0x3FA7] =	sst s7  }
0x10: {  	[smem:$0x3FA8] =	sst s8  }
0x11: {  	[smem:$0x3FA9] =	sst s9;
	s0 =	simm.s32 @!p0 $0x0  }
0x12: {  	s1 =	sld [smem:$0x3F8F];
	s0 =	simm.s32 @p0 $0x1  }
0x13: {  	[smem:$0x3FAA] =	sst s0;
	s0 =	simm.s32 @!p1 $0x0  }
0x14: {  	s2 =	sld [smem:$0x3F8E];
	s0 =	simm.s32 @p1 $0x1  }
0x15: {  	[smem:$0x3FAB] =	sst s0;
	s0 =	simm.s32 @!p2 $0x0  }
0x16: {  	s3 =	sld [smem:$0x3FDB];
	s0 =	simm.s32 @p2 $0x1  }
0x17: {  	s4 =	simm.s32 $0x1BF5;
	[smem:$0x3FAD] =	sst s0  }
0x18: {  	s0 =	sld [smem:$0x3F90];
	_ =	swait.ge [sflag:s4], $0x0  }
0x19: {  	s7 =	sld [smem:$0x3F91]  }
0x1a: {  	s8 =	sadd.s32 $0xFFFFE003, lr  }
0x1b: {  	s9 =	sadd.s32 $0xFFFFFEF7, lr;
	s5 =	simm.s32 $0xFFFFFFFF;
	p2 =	slt.u32 s8, $0xFFFFF086  }
0x1c: {  	p1 =	slt.u32 s9, $0xF7A;
	s5 =	simm.s32 @!p2 $0x0  }
0x1d: {  	s5 =	simm.s32 @p1 $0x1;
	p0 =	seq.s32 s7, s2  }
0x1e: {  	s7 =	smul.u32 @!p0 $0xF7A, s2;
	p2 =	seq.s32 @!p0 s5, $0x0  }
0x1f: {  	s9 =	smul.u32 $0xF7A, s1;
	s8 =	simm.s32 @!p0 $0x1BF5;
	p2 =	por !p2, p0  }
0x20: {  	[sflag:s8] =	ssyncset.s32 @!p0 $0xFFFFF086;
	s6 =	sadd.s32 @!p0 s3, s7;
	s7 =	simm.s32 @!p0 $0x108  }
0x21: {  	s3 =	sadd.s32 s3, s9;
	s6 =	sadd.s32 @!p0 $0x88, s6;
	s7 =	simm.s32 @p2 $0x1082  }
0x22: {  	[simem:s7], [sflag:s8] =	dma.local @!p0 [hbm:s6], $0xF7A  }
0x23: {  	s9 =	sor.u32 $0xD0000000, s2;
	s6 =	simm.s32 $0x108;
	_ =	swait.ge @!p0 [sflag:s8], $0x0  }
0x24: {  	s3 =	sadd.s32 $0x88, s3;
	s6 =	simm.s32 @!p1 $0x1082;
	[sflag:s4] =	ssyncset.s32 $0xFFFFF086  }
0x25: {  	[simem:s6], [sflag:s4] =	dma.local [hbm:s3], $0xF7A  }
0x26: {  	[smem:$0x3F91] =	sst s1;
	(tag) =	ssettag s2;
	_ =	strace s9  }
0x27: {  	s1 =	sld [smem:$0x3FA1]  }
0x28: {  	s2 =	sld [smem:$0x3FA2]  }
0x29: {  	s4 =	sld [smem:$0x3FA4]  }
0x2a: {  	p0 =	seq.s32 s5, $0x0;
	s5 =	sld [smem:$0x3FA5]  }
0x2b: {  	s6 =	sld [smem:$0x3FA6]  }
0x2c: {  	s7 =	sld [smem:$0x3FA7]  }
0x2d: {  	s3 =	simm.s32 $0x108;
	s8 =	sld [smem:$0x3FA8]  }
0x2e: {  	s3 =	simm.s32 @!p0 $0x1082;
	s9 =	sld [smem:$0x3FA9]  }
0x2f: {  	lr =	sadd.s32 s0, s3;
	s0 =	sld [smem:$0x3FA0]  }
0x30: {  	s3 =	sld [smem:$0x3FA3]  }
0x31: {  	[smem:$0x3FAC] =	sst s10  }
0x32: {  	s10 =	sld [smem:$0x3FAA];
	_ =	sdelay $0x3  }
0x33: {  	p0 =	seq.s32 s10, $0x1;
	s10 =	sld [smem:$0x3FAC];
	_ =	sdelay $0x3  }
0x34: {  	[smem:$0x3FAC] =	sst s10  }
0x35: {  	s10 =	sld [smem:$0x3FAB];
	_ =	sdelay $0x3  }
0x36: {  	p1 =	seq.s32 s10, $0x1;
	s10 =	sld [smem:$0x3FAC];
	_ =	sdelay $0x3  }
0x37: {  	[smem:$0x3FAC] =	sst s10  }
0x38: {  	s10 =	sld [smem:$0x3FAD]  }
0x39: {  	_ = 	snop;
	(pc) =	sbr.ind lr, $3  }
0x3a: {  	_ = 	snop  }
0x3b: {  	_ = 	snop  }
0x3c: {  	p2 =	seq.s32 s10, $0x1;
	s10 =	sld [smem:$0x3FAC]  }
0x3d: {  	_ =	shalt  }
0x3e: {  	_ =	shalt  }
0x3f: {  	_ =	shalt  }
0x40: {  	_ =	shalt  }
0x41: {  	_ =	shalt  }
0x42: {  	_ =	shalt  }
0x43: {  	_ =	shalt  }
0x44: {  	_ =	shalt  }
0x45: {  	_ =	shalt  }
0x46: {  	_ =	shalt  }
0x47: {  	_ =	shalt  }
0x48: {  	_ =	shalt  }
0x49: {  	_ =	shalt  }
0x4a: {  	_ =	shalt  }
0x4b: {  	_ =	shalt  }
0x4c: {  	_ =	shalt  }
0x4d: {  	_ =	shalt  }
0x4e: {  	_ =	shalt  }
0x4f: {  	_ =	shalt  }
0x50: {  	_ =	shalt  }
0x51: {  	_ =	shalt  }
0x52: {  	_ =	shalt  }
0x53: {  	_ =	shalt  }
0x54: {  	_ =	shalt  }
0x55: {  	_ =	shalt  }
0x56: {  	_ =	shalt  }
0x57: {  	_ =	shalt  }
0x58: {  	_ =	shalt  }
0x59: {  	_ =	shalt  }
0x5a: {  	_ =	shalt  }
0x5b: {  	_ =	shalt  }
0x5c: {  	_ =	shalt  }
0x5d: {  	_ =	shalt  }
0x5e: {  	_ =	shalt  }
0x5f: {  	_ =	shalt  }
0x60: {  	_ =	shalt  }
0x61: {  	_ =	shalt  }
0x62: {  	_ =	shalt  }
0x63: {  	_ =	shalt  }
0x64: {  	_ =	shalt  }
0x65: {  	_ =	shalt  }
0x66: {  	_ =	shalt  }
0x67: {  	_ =	shalt  }
0x68: {  	_ =	shalt  }
0x69: {  	_ =	shalt  }
0x6a: {  	_ =	shalt  }
0x6b: {  	_ =	shalt  }
0x6c: {  	_ =	shalt  }
0x6d: {  	_ =	shalt  }
0x6e: {  	_ =	shalt  }
0x6f: {  	_ =	shalt  }
0x70: {  	_ =	shalt  }
0x71: {  	_ =	shalt  }
0x72: {  	_ =	shalt  }
0x73: {  	_ =	shalt  }
0x74: {  	_ =	shalt  }
0x75: {  	_ =	shalt  }
0x76: {  	_ =	shalt  }
0x77: {  	_ =	shalt  }
0x78: {  	_ =	shalt  }
0x79: {  	_ =	shalt  }
0x7a: {  	_ =	shalt  }
0x7b: {  	_ =	shalt  }
0x7c: {  	_ =	shalt  }
0x7d: {  	_ =	shalt  }
0x7e: {  	_ =	shalt  }
0x7f: {  	_ =	shalt  }
0x80: {  	_ =	shalt  }
0x81: {  	_ =	shalt  }
0x82: {  	_ =	shalt  }
0x83: {  	_ =	shalt  }
0x84: {  	_ =	shalt  }
0x85: {  	_ =	shalt  }
0x86: {  	_ =	shalt  }
0x87: {  	_ =	shalt  }
.Lfunc_end0:
.L_simem_size_0:
called_computation.2_lowered:
.L_overlay_start_0:
0x88: {  	s2 =	sld [smem:$0x3FD9]  }
0x89: {  	s3 =	sld [smem:$0x3FFE];
	_ =	sdelay $0x1  }
0x8a: {  	s1 =	srdreg.scid  }
0x8b: {  	s0 =	sand.u32 $0x1, s1  }
0x8c: {  	s16 =	sshll.u32 s0, $0xA;
	s2 =	sadd.s32 s3, s2  }
0x8d: {  	s2 =	sadd.s32 s2, s16  }
0x8e: {  	[smem:$0x3FB8] =	sst s2  }
0x8f: {  	_ = 	snop  }
0x90: {  	(tm) =	ssettm $0x1  }
0x91: {  	s17 =	sld [smem:$0x3FFB];
	_ =	sdelay $0x3  }
0x92: {  	_ =	strace s17  }
0x93: {  	s2 =	sld [smem:$0x3FFC];
	_ =	sdelay $0x3  }
0x94: {  	_ =	strace s2  }
0x95: {  	s2 =	sld [smem:$0x3FFD];
	_ =	sdelay $0x3  }
0x96: {  	_ =	strace s2  }
0x97: {  	_ =	strace $0x8FFFFFFF  }
0x98: {  	s18 =	sld [smem:$0x3FDB];
	_ =	sdelay $0x1  }
0x99: {  	s19 =	simm.s32 $_scs_section_size  }
0x9a: {  	s4 =	simm.s32 $_size__tile_overlayer_lowered;
	s5 =	simm.s32 $_tile_overlayer_lowered  }
0x9b: {  	s22 =	simm.s32 $0x1BFF;
	s21 =	sshll.u32 s5, $0x1;
	s2 =	sadd.s32 s19, s18  }
0x9c: {  	s6 =	simm.s32 $0x0;
	s20 =	sshll.u32 s4, $0x1;
	s4 =	sadd.s32 s21, s2  }
0x9d: {  	[timem:s6], [sflag:s22] =	dma.local [hbm:s4], s20  }
0x9e: {  	_ =	swait.ge [sflag:s22], s20  }
0x9f: {  	s3 =	ssub.s32 $0x0, s20;
	[sflag:s22] =	ssyncset.done $0x0  }
0xa0: {  	[sflag:s22] =	ssyncadd.s32 s3;
	_ =	sdelay $0x1  }
0xa1: {  	s23 =	simm.s32 $0x1B8B  }
0xa2: {  	_ =	swait.ge [sflag:s23], $0x1  }
0xa3: {  	[sflag:s23] =	ssyncset.done $0x0  }
0xa4: {  	s25 =	simm.s32 $0x1B8E;
	s24 =	sld [smem:$0x3FFE];
	[sflag:s23] =	ssyncadd.s32 $0xFFFFFFFF  }
0xa5: {  	s26 =	simm.s32 $execute0_lowered;
	[smem:$0x3FD2] =	sst s25  }
0xa6: {  	s4 =	sshll.u32 s26, $0x1;
	_ =	strace $0x8000004C;
	[dreg:$0x1] =	wrdreg $0xFFFFFFFF  }
0xa7: {  	s28 =	simm.s32 $_size_execute0_lowered;
	s2 =	sadd.s32 s2, s4;
	[dreg:$0x0] =	wrdreg $0x0  }
0xa8: {  	s4 =	sshll.u32 s28, $0x1;
	[dreg:$0x2] =	wrdreg s2  }
0xa9: {  	[dreg:$0x3] =	wrdreg s4  }
0xaa: {  	[dreg:$0x4] =	wrdreg $0xC0  }
0xab: {  	_ =	task [dreg:s6], $0x5FFFF  }
0xac: {  	[dreg:$0x1] =	wrdreg $0xFFFFFFFF  }
0xad: {  	[dreg:$0x0] =	wrdreg $0x60  }
0xae: {  	[dreg:$0x2] =	wrdreg s24  }
0xaf: {  	[dreg:$0x3] =	wrdreg $0x9  }
0xb0: {  	_ =	task.clear_ibuf [dreg:s6], $0x4FFFF;
	_ =	strace $0x9000004C  }
0xb1: {  	s29 =	simm.s32 $0x9;
	_ =	strace $0x8000004E  }
0xb2: {  	_ =	swait.ge [sflag:s29], $0x1  }
0xb3: {  	[sflag:s29] =	ssyncadd.s32 $0xFFFFFFFF  }
0xb4: {  	_ =	strace $0x9000004E  }
0xb5: {  	_ =	sfence  }
0xb6: {  	s30 =	sld [smem:$0x0];
	_ =	sdelay $0x2  }
0xb7: {  	s31 =	sshll.u32 s1, $0xD;
	s1 =	sshrl.u32 s1, $0x2  }
0xb8: {  	s3 =	sand.u32 $0x4000, s31;
	s1 =	sadd.s32 s1, s30  }
0xb9: {  	s0 =	sor.u32 s3, s0;
	s1 =	sshll.u32 s1, $0x11  }
0xba: {  	s0 =	sor.u32 s1, s0  }
0xbb: {  	s0 =	sadd.s32 $0x8F2B, s0  }
0xbc: {  	[sflag:s0] =	ssyncadd.remote.s32 $0x1  }
0xbd: {  	_ =	sfence.sel $0xFFFF  }
0xbe: {  	[dreg:$0x0] =	wrdreg $0xFFFFFFFF;
	(pc) =	sbr.abs _section_cstart, $3  }
0xbf: {  	[dreg:$0x1] =	wrdreg $0xFFFFFFFF  }
0xc0: {  	_ =	task.clear_ibuf [dreg:s6], $0x2FFFF;
	_ =	strace $0x9FFFFFFF  }
0xc1: {  	(tm) =	ssettm $0x7FFFFFFF  }
tec
execute0_lowered:
.L_overlay_start_1:
0x0: {  	(tag) =	ssettag $0x1  }
0x1: {  	s4 =	rddreg [dreg:$0x0]  }
0x2: {  	s0 =	rddreg [dreg:$0x1];
	s2 =	simm.s32 $0x0;
	s5 =	srdreg.scid  }
0x3: {  	s1 =	stileid.u32;
	s11 =	simm.s32 $0x0;
	[smem:$0x7FF] =	sst s2  }
0x4: {  	s3 =	sadd.s32 $0x7000, s4;
	s5 =	sand.u32 $0x1, s5;
	s6 =	sshll.u32 s1, $0xD  }
0x5: {  	s8 =	smul.u32 $0x30000, s1;
	_ =	strace $0x8000004D;
	s7 =	sshll.u32 s5, $0xC  }
0x6: {  	s9 =	ssub.s32 $0x2, s5;
	s10 =	smul.u32 $0x18000, s5;
	s6 =	sor.u32 s7, s6  }
0x7: {  	s29 =	sshrl.u32 s9, $0x1;
	s31 =	sadd.s32 s8, s4;
	s8 =	simm.s32 $0x18  }
0x8: {  	s30 =	sadd.s32 s6, s4;
	s7 =	ssub.s32 s9, s29;
	s6 =	sadd.s32 s10, s31  }
0x9: {  	s9 =	simm.s32 $0x8000;
	s10 =	simm.s32 $0x1;
	s4 =	sadd.s32 $0x27000, s30  }
0xa: {  	s5 =	smax.u32 s7, $0x1;
	s6 =	sadd.s32 $0x47000, s6;
	s7 =	simm.s32 $0x2  }
.LBB2_1:
0xb: {  	[tilespmem:s2], [sflag:$0x2] =	stream.linear.gather [hbm4b:s4+s2], $0x8000, $0x38;
	[tilespmem:$0x8C00] =	vst v63  }
0xc: {  	_ =	swait.ge [sflag:s7], $0x8000  }
0xd: {  	[sflag:s7] =	ssyncset.done $0x0  }
0xe: {  	[sflag:s7] =	ssyncadd.s32 $0xFFFF8000  }
0xf: {  	[tilespmem:s9], [sflag:$0x1] =	stream.indirect.gather [hbm4b:s3+s8], $0x80, s2, s8, $0xb8;
	[tilespmem:$0x8C00] =	vst v63  }
0x10: {  	_ =	swait.ge [sflag:s10], $0xC00  }
0x11: {  	[sflag:s10] =	ssyncset.done $0x0  }
0x12: {  	s12 =	sadd.s32 $0x0, s6;
	[sflag:s10] =	ssyncadd.s32 $0xFFFFF400  }
0x13: {  	[hbm4b:s12+s2] =	stream.linear.scatter [tilespmem:s9], [sflag:$0x2], $0xC00, $0x38;
	[tilespmem:$0x8C00] =	vst v63  }
0x14: {  	_ =	swait.ge [sflag:s7], $0xC00  }
0x15: {  	s13 =	simm.s32 $0x0;
	s12 =	simm.s32 $0x180;
	[sflag:s7] =	ssyncset.done $0x0  }
.LBB2_2:
0x16: {  	p0 =	sne.s32 s12, $0x17E80;
	[sflag:s7] =	ssyncadd.s32 $0xFFFFF400;
	s13 =	sadd.s32 $0x80, s13  }
0x17: {  	[tilespmem:s9], [sflag:$0x1] =	stream.indirect.gather [hbm4b:s3+s8], $0x80, s13, s8, $0xb8;
	[tilespmem:$0x8C00] =	vst v63  }
0x18: {  	s14 =	smov.u32 s12;
	s12 =	sadd.s32 $0x180, s12;
	_ =	swait.ge [sflag:s10], $0xC00  }
.Ltmp0:
0x19: {  	[sflag:s10] =	ssyncset.done $0x0;
	(pc) =	sbr.rel @p0 .LBB2_2-.Ltmp0, $4  }
0x1a: {  	s14 =	sadd.s32 s14, s6;
	[sflag:s10] =	ssyncadd.s32 $0xFFFFF400  }
0x1b: {  	[hbm4b:s14+s2] =	stream.linear.scatter [tilespmem:s9], [sflag:$0x2], $0xC00, $0x38;
	[tilespmem:$0x8C00] =	vst v63  }
0x1c: {  	_ =	swait.ge [sflag:s7], $0xC00  }
0x1d: {  	[sflag:s7] =	ssyncset.done $0x0  }
0x1e: {  	s11 =	sadd.s32 $0x1, s11  }
0x1f: {  	p0 =	sne.s32 s11, s5  }
.Ltmp1:
0x20: {  	_ = 	snop;
	(pc) =	sbr.rel @p0 .LBB2_1-.Ltmp1, $2  }
0x21: {  	_ =	sdelay $0x2  }
0x22: {  	[sflag:s7] =	ssyncadd.s32 $0xFFFFF400  }
0x23: {  	_ =	sfence.sel $0x180000  }
0x24: {  	[bflag:$0x0] =	sbarrier.arrive $0xFFFF  }
0x25: {  	p0 =	sne.s32 s1, $0x0;
	_ =	strace $0x9000004D  }
0x26: {  	s0 =	sadd.s32 @!p0 $0x100000, s0;
	[bflag:$0x2] =	sbarrier.arrive $0xFFFF  }
0x27: {  	[sflag:s0] =	ssyncadd.tile.s32 @!p0 $0x1;
	_ =	shalt  }
.Lfunc_end2:
_tile_overlayer_lowered:
.L_overlay_start_2:
0x28: {  	(tag) =	ssettag $0x2  }
0x29: {  	s0 =	rddreg [dreg:$0x0];
	s2 =	stileid.u32  }
0x2a: {  	s1 =	rddreg [dreg:$0x1];
	p0 =	sne.s32 s2, $0x0  }
0x2b: {  	s3 =	rddreg [dreg:$0x2];
	[bflag:$0x3] =	sbarrier.arrive $0xFFFF;
	s2 =	simm.s32 @!p0 $0x1C02  }
0x2c: {  	[timem:s3], [sflag:s2] =	dma.local @!p0 [hbm:s0], s1  }
0x2d: {  	s0 =	simm.s32 @!p0 $0x2  }
0x2e: {  	_ =	swait.ge @!p0 [sflag:s0], s1  }
0x2f: {  	s1 =	ssub.s32 @!p0 $0x0, s1;
	[sflag:s0] =	ssyncset.done @!p0 $0x0  }
0x30: {  	[sflag:s0] =	ssyncadd.s32 @!p0 s1  }
0x31: {  	[bflag:$0x3] =	sbarrier.arrive $0xFFFF  }
0x32: {  	_ =	shalt  }

// kernel: kernel.31.cloned.1.call-start
scs
__scs_entry_jumppad:
0x0: {  	(pc) =	sbr.rel $0x88, $3  }
0x1: {  	(tag) =	ssettag $0x0;
	lr =	simm.s32 $0x1  }
0x2: {  	[smem:$0x3F91] =	sst lr;
	_ =	strace $0xD0000000  }
0x3: {  	_ = 	snop  }
0x4: {  	_ = 	snop  }
0x5: {  	_ = 	snop  }
0x6: {  	_ = 	snop  }
0x7: {  	_ = 	snop  }
__scs_overlays_trampoline_lowered:
0x8: {  	[smem:$0x3FA0] =	sst s0  }
0x9: {  	[smem:$0x3FA1] =	sst s1  }
0xa: {  	[smem:$0x3FA2] =	sst s2  }
0xb: {  	[smem:$0x3FA3] =	sst s3  }
0xc: {  	[smem:$0x3FA4] =	sst s4  }
0xd: {  	[smem:$0x3FA5] =	sst s5  }
0xe: {  	[smem:$0x3FA6] =	sst s6  }
0xf: {  	[smem:$0x3FA7] =	sst s7  }
0x10: {  	[smem:$0x3FA8] =	sst s8  }
0x11: {  	[smem:$0x3FA9] =	sst s9;
	s0 =	simm.s32 @!p0 $0x0  }
0x12: {  	s1 =	sld [smem:$0x3F8F];
	s0 =	simm.s32 @p0 $0x1  }
0x13: {  	[smem:$0x3FAA] =	sst s0;
	s0 =	simm.s32 @!p1 $0x0  }
0x14: {  	s2 =	sld [smem:$0x3F8E];
	s0 =	simm.s32 @p1 $0x1  }
0x15: {  	[smem:$0x3FAB] =	sst s0;
	s0 =	simm.s32 @!p2 $0x0  }
0x16: {  	s3 =	sld [smem:$0x3FDB];
	s0 =	simm.s32 @p2 $0x1  }
0x17: {  	s4 =	simm.s32 $0x1BF5;
	[smem:$0x3FAD] =	sst s0  }
0x18: {  	s0 =	sld [smem:$0x3F90];
	_ =	swait.ge [sflag:s4], $0x0  }
0x19: {  	s7 =	sld [smem:$0x3F91]  }
0x1a: {  	s8 =	sadd.s32 $0xFFFFE003, lr  }
0x1b: {  	s9 =	sadd.s32 $0xFFFFFEF7, lr;
	s5 =	simm.s32 $0xFFFFFFFF;
	p2 =	slt.u32 s8, $0xFFFFF086  }
0x1c: {  	p1 =	slt.u32 s9, $0xF7A;
	s5 =	simm.s32 @!p2 $0x0  }
0x1d: {  	s5 =	simm.s32 @p1 $0x1;
	p0 =	seq.s32 s7, s2  }
0x1e: {  	s7 =	smul.u32 @!p0 $0xF7A, s2;
	p2 =	seq.s32 @!p0 s5, $0x0  }
0x1f: {  	s9 =	smul.u32 $0xF7A, s1;
	s8 =	simm.s32 @!p0 $0x1BF5;
	p2 =	por !p2, p0  }
0x20: {  	[sflag:s8] =	ssyncset.s32 @!p0 $0xFFFFF086;
	s6 =	sadd.s32 @!p0 s3, s7;
	s7 =	simm.s32 @!p0 $0x108  }
0x21: {  	s3 =	sadd.s32 s3, s9;
	s6 =	sadd.s32 @!p0 $0x88, s6;
	s7 =	simm.s32 @p2 $0x1082  }
0x22: {  	[simem:s7], [sflag:s8] =	dma.local @!p0 [hbm:s6], $0xF7A  }
0x23: {  	s9 =	sor.u32 $0xD0000000, s2;
	s6 =	simm.s32 $0x108;
	_ =	swait.ge @!p0 [sflag:s8], $0x0  }
0x24: {  	s3 =	sadd.s32 $0x88, s3;
	s6 =	simm.s32 @!p1 $0x1082;
	[sflag:s4] =	ssyncset.s32 $0xFFFFF086  }
0x25: {  	[simem:s6], [sflag:s4] =	dma.local [hbm:s3], $0xF7A  }
0x26: {  	[smem:$0x3F91] =	sst s1;
	(tag) =	ssettag s2;
	_ =	strace s9  }
0x27: {  	s1 =	sld [smem:$0x3FA1]  }
0x28: {  	s2 =	sld [smem:$0x3FA2]  }
0x29: {  	s4 =	sld [smem:$0x3FA4]  }
0x2a: {  	p0 =	seq.s32 s5, $0x0;
	s5 =	sld [smem:$0x3FA5]  }
0x2b: {  	s6 =	sld [smem:$0x3FA6]  }
0x2c: {  	s7 =	sld [smem:$0x3FA7]  }
0x2d: {  	s3 =	simm.s32 $0x108;
	s8 =	sld [smem:$0x3FA8]  }
0x2e: {  	s3 =	simm.s32 @!p0 $0x1082;
	s9 =	sld [smem:$0x3FA9]  }
0x2f: {  	lr =	sadd.s32 s0, s3;
	s0 =	sld [smem:$0x3FA0]  }
0x30: {  	s3 =	sld [smem:$0x3FA3]  }
0x31: {  	[smem:$0x3FAC] =	sst s10  }
0x32: {  	s10 =	sld [smem:$0x3FAA];
	_ =	sdelay $0x3  }
0x33: {  	p0 =	seq.s32 s10, $0x1;
	s10 =	sld [smem:$0x3FAC];
	_ =	sdelay $0x3  }
0x34: {  	[smem:$0x3FAC] =	sst s10  }
0x35: {  	s10 =	sld [smem:$0x3FAB];
	_ =	sdelay $0x3  }
0x36: {  	p1 =	seq.s32 s10, $0x1;
	s10 =	sld [smem:$0x3FAC];
	_ =	sdelay $0x3  }
0x37: {  	[smem:$0x3FAC] =	sst s10  }
0x38: {  	s10 =	sld [smem:$0x3FAD]  }
0x39: {  	_ = 	snop;
	(pc) =	sbr.ind lr, $3  }
0x3a: {  	_ = 	snop  }
0x3b: {  	_ = 	snop  }
0x3c: {  	p2 =	seq.s32 s10, $0x1;
	s10 =	sld [smem:$0x3FAC]  }
0x3d: {  	_ =	shalt  }
0x3e: {  	_ =	shalt  }
0x3f: {  	_ =	shalt  }
0x40: {  	_ =	shalt  }
0x41: {  	_ =	shalt  }
0x42: {  	_ =	shalt  }
0x43: {  	_ =	shalt  }
0x44: {  	_ =	shalt  }
0x45: {  	_ =	shalt  }
0x46: {  	_ =	shalt  }
0x47: {  	_ =	shalt  }
0x48: {  	_ =	shalt  }
0x49: {  	_ =	shalt  }
0x4a: {  	_ =	shalt  }
0x4b: {  	_ =	shalt  }
0x4c: {  	_ =	shalt  }
0x4d: {  	_ =	shalt  }
0x4e: {  	_ =	shalt  }
0x4f: {  	_ =	shalt  }
0x50: {  	_ =	shalt  }
0x51: {  	_ =	shalt  }
0x52: {  	_ =	shalt  }
0x53: {  	_ =	shalt  }
0x54: {  	_ =	shalt  }
0x55: {  	_ =	shalt  }
0x56: {  	_ =	shalt  }
0x57: {  	_ =	shalt  }
0x58: {  	_ =	shalt  }
0x59: {  	_ =	shalt  }
0x5a: {  	_ =	shalt  }
0x5b: {  	_ =	shalt  }
0x5c: {  	_ =	shalt  }
0x5d: {  	_ =	shalt  }
0x5e: {  	_ =	shalt  }
0x5f: {  	_ =	shalt  }
0x60: {  	_ =	shalt  }
0x61: {  	_ =	shalt  }
0x62: {  	_ =	shalt  }
0x63: {  	_ =	shalt  }
0x64: {  	_ =	shalt  }
0x65: {  	_ =	shalt  }
0x66: {  	_ =	shalt  }
0x67: {  	_ =	shalt  }
0x68: {  	_ =	shalt  }
0x69: {  	_ =	shalt  }
0x6a: {  	_ =	shalt  }
0x6b: {  	_ =	shalt  }
0x6c: {  	_ =	shalt  }
0x6d: {  	_ =	shalt  }
0x6e: {  	_ =	shalt  }
0x6f: {  	_ =	shalt  }
0x70: {  	_ =	shalt  }
0x71: {  	_ =	shalt  }
0x72: {  	_ =	shalt  }
0x73: {  	_ =	shalt  }
0x74: {  	_ =	shalt  }
0x75: {  	_ =	shalt  }
0x76: {  	_ =	shalt  }
0x77: {  	_ =	shalt  }
0x78: {  	_ =	shalt  }
0x79: {  	_ =	shalt  }
0x7a: {  	_ =	shalt  }
0x7b: {  	_ =	shalt  }
0x7c: {  	_ =	shalt  }
0x7d: {  	_ =	shalt  }
0x7e: {  	_ =	shalt  }
0x7f: {  	_ =	shalt  }
0x80: {  	_ =	shalt  }
0x81: {  	_ =	shalt  }
0x82: {  	_ =	shalt  }
0x83: {  	_ =	shalt  }
0x84: {  	_ =	shalt  }
0x85: {  	_ =	shalt  }
0x86: {  	_ =	shalt  }
0x87: {  	_ =	shalt  }
.Lfunc_end0:
.L_simem_size_0:
called_computation.3_lowered:
.L_overlay_start_0:
0x88: {  	s2 =	sld [smem:$0x3FD9]  }
0x89: {  	s3 =	sld [smem:$0x3FFE];
	_ =	sdelay $0x1  }
0x8a: {  	s1 =	srdreg.scid  }
0x8b: {  	s0 =	sand.u32 $0x1, s1  }
0x8c: {  	s16 =	sshll.u32 s0, $0xA;
	s2 =	sadd.s32 s3, s2  }
0x8d: {  	s2 =	sadd.s32 s2, s16  }
0x8e: {  	[smem:$0x3FB8] =	sst s2  }
0x8f: {  	_ = 	snop  }
0x90: {  	(tm) =	ssettm $0x1  }
0x91: {  	s17 =	sld [smem:$0x3FFB];
	_ =	sdelay $0x3  }
0x92: {  	_ =	strace s17  }
0x93: {  	s2 =	sld [smem:$0x3FFC];
	_ =	sdelay $0x3  }
0x94: {  	_ =	strace s2  }
0x95: {  	s2 =	sld [smem:$0x3FFD];
	_ =	sdelay $0x3  }
0x96: {  	_ =	strace s2  }
0x97: {  	_ =	strace $0x8FFFFFFF  }
0x98: {  	s18 =	sld [smem:$0x3FDB];
	_ =	sdelay $0x1  }
0x99: {  	s19 =	simm.s32 $_scs_section_size  }
0x9a: {  	s4 =	simm.s32 $_size__tile_overlayer_lowered;
	s5 =	simm.s32 $_tile_overlayer_lowered  }
0x9b: {  	s22 =	simm.s32 $0x1BFF;
	s21 =	sshll.u32 s5, $0x1;
	s2 =	sadd.s32 s19, s18  }
0x9c: {  	s6 =	simm.s32 $0x0;
	s20 =	sshll.u32 s4, $0x1;
	s4 =	sadd.s32 s21, s2  }
0x9d: {  	[timem:s6], [sflag:s22] =	dma.local [hbm:s4], s20  }
0x9e: {  	_ =	swait.ge [sflag:s22], s20  }
0x9f: {  	s3 =	ssub.s32 $0x0, s20;
	[sflag:s22] =	ssyncset.done $0x0  }
0xa0: {  	[sflag:s22] =	ssyncadd.s32 s3;
	_ =	sdelay $0x1  }
0xa1: {  	s23 =	simm.s32 $0x1B8B  }
0xa2: {  	_ =	swait.ge [sflag:s23], $0x1  }
0xa3: {  	[sflag:s23] =	ssyncset.done $0x0  }
0xa4: {  	s25 =	simm.s32 $0x1B8E;
	s24 =	sld [smem:$0x3FFE];
	[sflag:s23] =	ssyncadd.s32 $0xFFFFFFFF  }
0xa5: {  	s26 =	simm.s32 $execute0_lowered;
	[smem:$0x3FD2] =	sst s25  }
0xa6: {  	s4 =	sshll.u32 s26, $0x1;
	_ =	strace $0x8000004F;
	[dreg:$0x1] =	wrdreg $0xFFFFFFFF  }
0xa7: {  	s28 =	simm.s32 $_size_execute0_lowered;
	s2 =	sadd.s32 s2, s4;
	[dreg:$0x0] =	wrdreg $0x0  }
0xa8: {  	s4 =	sshll.u32 s28, $0x1;
	[dreg:$0x2] =	wrdreg s2  }
0xa9: {  	[dreg:$0x3] =	wrdreg s4  }
0xaa: {  	[dreg:$0x4] =	wrdreg $0xC0  }
0xab: {  	_ =	task [dreg:s6], $0x5FFFF  }
0xac: {  	[dreg:$0x1] =	wrdreg $0xFFFFFFFF  }
0xad: {  	[dreg:$0x0] =	wrdreg $0x60  }
0xae: {  	[dreg:$0x2] =	wrdreg s24  }
0xaf: {  	[dreg:$0x3] =	wrdreg $0x9  }
0xb0: {  	_ =	task.clear_ibuf [dreg:s6], $0x4FFFF;
	_ =	strace $0x9000004F  }
0xb1: {  	s29 =	simm.s32 $0x9;
	_ =	strace $0x80000051  }
0xb2: {  	_ =	swait.ge [sflag:s29], $0x1  }
0xb3: {  	[sflag:s29] =	ssyncadd.s32 $0xFFFFFFFF  }
0xb4: {  	_ =	strace $0x90000051  }
0xb5: {  	_ =	sfence  }
0xb6: {  	s30 =	sld [smem:$0x0];
	_ =	sdelay $0x2  }
0xb7: {  	s31 =	sshll.u32 s1, $0xD;
	s1 =	sshrl.u32 s1, $0x2  }
0xb8: {  	s3 =	sand.u32 $0x4000, s31;
	s1 =	sadd.s32 s1, s30  }
0xb9: {  	s0 =	sor.u32 s3, s0;
	s1 =	sshll.u32 s1, $0x11  }
0xba: {  	s0 =	sor.u32 s1, s0  }
0xbb: {  	s0 =	sadd.s32 $0x8F2B, s0  }
0xbc: {  	[sflag:s0] =	ssyncadd.remote.s32 $0x1  }
0xbd: {  	_ =	sfence.sel $0xFFFF  }
0xbe: {  	[dreg:$0x0] =	wrdreg $0xFFFFFFFF;
	(pc) =	sbr.abs _section_cstart, $3  }
0xbf: {  	[dreg:$0x1] =	wrdreg $0xFFFFFFFF  }
0xc0: {  	_ =	task.clear_ibuf [dreg:s6], $0x2FFFF;
	_ =	strace $0x9FFFFFFF  }
0xc1: {  	(tm) =	ssettm $0x7FFFFFFF  }
tec
execute0_lowered:
.L_overlay_start_1:
0x0: {  	(tag) =	ssettag $0x1  }
0x1: {  	s4 =	rddreg [dreg:$0x0]  }
0x2: {  	s0 =	rddreg [dreg:$0x1];
	s2 =	simm.s32 $0x0;
	s5 =	srdreg.scid  }
0x3: {  	s1 =	stileid.u32;
	s11 =	simm.s32 $0x0;
	[smem:$0x7FF] =	sst s2  }
0x4: {  	s3 =	sadd.s32 $0x27000, s4;
	s5 =	sand.u32 $0x1, s5;
	s6 =	sshll.u32 s1, $0xD  }
0x5: {  	s8 =	smul.u32 $0x30000, s1;
	_ =	strace $0x80000050;
	s7 =	sshll.u32 s5, $0xC  }
0x6: {  	s9 =	ssub.s32 $0x2, s5;
	s10 =	smul.u32 $0x18000, s5;
	s6 =	sor.u32 s7, s6  }
0x7: {  	s29 =	sshrl.u32 s9, $0x1;
	s31 =	sadd.s32 s8, s4;
	s8 =	simm.s32 $0x18  }
0x8: {  	s30 =	sadd.s32 s6, s4;
	s7 =	ssub.s32 s9, s29;
	s6 =	sadd.s32 s10, s31  }
0x9: {  	s9 =	simm.s32 $0x8000;
	s10 =	simm.s32 $0x1;
	s4 =	sadd.s32 $0x47000, s30  }
0xa: {  	s5 =	smax.u32 s7, $0x1;
	s6 =	sadd.s32 $0x67000, s6;
	s7 =	simm.s32 $0x2  }
.LBB2_1:
0xb: {  	[tilespmem:s2], [sflag:$0x2] =	stream.linear.gather [hbm4b:s4+s2], $0x8000, $0x38;
	[tilespmem:$0x8C00] =	vst v63  }
0xc: {  	_ =	swait.ge [sflag:s7], $0x8000  }
0xd: {  	[sflag:s7] =	ssyncset.done $0x0  }
0xe: {  	[sflag:s7] =	ssyncadd.s32 $0xFFFF8000  }
0xf: {  	[tilespmem:s9], [sflag:$0x1] =	stream.indirect.gather [hbm4b:s3+s8], $0x80, s2, s8, $0xb8;
	[tilespmem:$0x8C00] =	vst v63  }
0x10: {  	_ =	swait.ge [sflag:s10], $0xC00  }
0x11: {  	[sflag:s10] =	ssyncset.done $0x0  }
0x12: {  	s12 =	sadd.s32 $0x0, s6;
	[sflag:s10] =	ssyncadd.s32 $0xFFFFF400  }
0x13: {  	[hbm4b:s12+s2] =	stream.linear.scatter [tilespmem:s9], [sflag:$0x2], $0xC00, $0x38;
	[tilespmem:$0x8C00] =	vst v63  }
0x14: {  	_ =	swait.ge [sflag:s7], $0xC00  }
0x15: {  	s13 =	simm.s32 $0x0;
	s12 =	simm.s32 $0x180;
	[sflag:s7] =	ssyncset.done $0x0  }
.LBB2_2:
0x16: {  	p0 =	sne.s32 s12, $0x17E80;
	[sflag:s7] =	ssyncadd.s32 $0xFFFFF400;
	s13 =	sadd.s32 $0x80, s13  }
0x17: {  	[tilespmem:s9], [sflag:$0x1] =	stream.indirect.gather [hbm4b:s3+s8], $0x80, s13, s8, $0xb8;
	[tilespmem:$0x8C00] =	vst v63  }
0x18: {  	s14 =	smov.u32 s12;
	s12 =	sadd.s32 $0x180, s12;
	_ =	swait.ge [sflag:s10], $0xC00  }
.Ltmp0:
0x19: {  	[sflag:s10] =	ssyncset.done $0x0;
	(pc) =	sbr.rel @p0 .LBB2_2-.Ltmp0, $4  }
0x1a: {  	s14 =	sadd.s32 s14, s6;
	[sflag:s10] =	ssyncadd.s32 $0xFFFFF400  }
0x1b: {  	[hbm4b:s14+s2] =	stream.linear.scatter [tilespmem:s9], [sflag:$0x2], $0xC00, $0x38;
	[tilespmem:$0x8C00] =	vst v63  }
0x1c: {  	_ =	swait.ge [sflag:s7], $0xC00  }
0x1d: {  	[sflag:s7] =	ssyncset.done $0x0  }
0x1e: {  	s11 =	sadd.s32 $0x1, s11  }
0x1f: {  	p0 =	sne.s32 s11, s5  }
.Ltmp1:
0x20: {  	_ = 	snop;
	(pc) =	sbr.rel @p0 .LBB2_1-.Ltmp1, $2  }
0x21: {  	_ =	sdelay $0x2  }
0x22: {  	[sflag:s7] =	ssyncadd.s32 $0xFFFFF400  }
0x23: {  	_ =	sfence.sel $0x180000  }
0x24: {  	[bflag:$0x0] =	sbarrier.arrive $0xFFFF  }
0x25: {  	p0 =	sne.s32 s1, $0x0;
	_ =	strace $0x90000050  }
0x26: {  	s0 =	sadd.s32 @!p0 $0x100000, s0;
	[bflag:$0x2] =	sbarrier.arrive $0xFFFF  }
0x27: {  	[sflag:s0] =	ssyncadd.tile.s32 @!p0 $0x1;
	_ =	shalt  }
.Lfunc_end2:
_tile_overlayer_lowered:
.L_overlay_start_2:
0x28: {  	(tag) =	ssettag $0x2  }
0x29: {  	s0 =	rddreg [dreg:$0x0];
	s2 =	stileid.u32  }
0x2a: {  	s1 =	rddreg [dreg:$0x1];
	p0 =	sne.s32 s2, $0x0  }
0x2b: {  	s3 =	rddreg [dreg:$0x2];
	[bflag:$0x3] =	sbarrier.arrive $0xFFFF;
	s2 =	simm.s32 @!p0 $0x1C02  }
0x2c: {  	[timem:s3], [sflag:s2] =	dma.local @!p0 [hbm:s0], s1  }
0x2d: {  	s0 =	simm.s32 @!p0 $0x2  }
0x2e: {  	_ =	swait.ge @!p0 [sflag:s0], s1  }
0x2f: {  	s1 =	ssub.s32 @!p0 $0x0, s1;
	[sflag:s0] =	ssyncset.done @!p0 $0x0  }
0x30: {  	[sflag:s0] =	ssyncadd.s32 @!p0 s1  }
0x31: {  	[bflag:$0x3] =	sbarrier.arrive $0xFFFF  }
0x32: {  	_ =	shalt  }

// kernel: kernel.34.cloned.1.call-start
scs
__scs_entry_jumppad:
0x0: {  	(pc) =	sbr.rel $0x88, $3  }
0x1: {  	(tag) =	ssettag $0x0;
	lr =	simm.s32 $0x1  }
0x2: {  	[smem:$0x3F91] =	sst lr;
	_ =	strace $0xD0000000  }
0x3: {  	_ = 	snop  }
0x4: {  	_ = 	snop  }
0x5: {  	_ = 	snop  }
0x6: {  	_ = 	snop  }
0x7: {  	_ = 	snop  }
__scs_overlays_trampoline_lowered:
0x8: {  	[smem:$0x3FA0] =	sst s0  }
0x9: {  	[smem:$0x3FA1] =	sst s1  }
0xa: {  	[smem:$0x3FA2] =	sst s2  }
0xb: {  	[smem:$0x3FA3] =	sst s3  }
0xc: {  	[smem:$0x3FA4] =	sst s4  }
0xd: {  	[smem:$0x3FA5] =	sst s5  }
0xe: {  	[smem:$0x3FA6] =	sst s6  }
0xf: {  	[smem:$0x3FA7] =	sst s7  }
0x10: {  	[smem:$0x3FA8] =	sst s8  }
0x11: {  	[smem:$0x3FA9] =	sst s9;
	s0 =	simm.s32 @!p0 $0x0  }
0x12: {  	s1 =	sld [smem:$0x3F8F];
	s0 =	simm.s32 @p0 $0x1  }
0x13: {  	[smem:$0x3FAA] =	sst s0;
	s0 =	simm.s32 @!p1 $0x0  }
0x14: {  	s2 =	sld [smem:$0x3F8E];
	s0 =	simm.s32 @p1 $0x1  }
0x15: {  	[smem:$0x3FAB] =	sst s0;
	s0 =	simm.s32 @!p2 $0x0  }
0x16: {  	s3 =	sld [smem:$0x3FDB];
	s0 =	simm.s32 @p2 $0x1  }
0x17: {  	s4 =	simm.s32 $0x1BF5;
	[smem:$0x3FAD] =	sst s0  }
0x18: {  	s0 =	sld [smem:$0x3F90];
	_ =	swait.ge [sflag:s4], $0x0  }
0x19: {  	s7 =	sld [smem:$0x3F91]  }
0x1a: {  	s8 =	sadd.s32 $0xFFFFE003, lr  }
0x1b: {  	s9 =	sadd.s32 $0xFFFFFEF7, lr;
	s5 =	simm.s32 $0xFFFFFFFF;
	p2 =	slt.u32 s8, $0xFFFFF086  }
0x1c: {  	p1 =	slt.u32 s9, $0xF7A;
	s5 =	simm.s32 @!p2 $0x0  }
0x1d: {  	s5 =	simm.s32 @p1 $0x1;
	p0 =	seq.s32 s7, s2  }
0x1e: {  	s7 =	smul.u32 @!p0 $0xF7A, s2;
	p2 =	seq.s32 @!p0 s5, $0x0  }
0x1f: {  	s9 =	smul.u32 $0xF7A, s1;
	s8 =	simm.s32 @!p0 $0x1BF5;
	p2 =	por !p2, p0  }
0x20: {  	[sflag:s8] =	ssyncset.s32 @!p0 $0xFFFFF086;
	s6 =	sadd.s32 @!p0 s3, s7;
	s7 =	simm.s32 @!p0 $0x108  }
0x21: {  	s3 =	sadd.s32 s3, s9;
	s6 =	sadd.s32 @!p0 $0x88, s6;
	s7 =	simm.s32 @p2 $0x1082  }
0x22: {  	[simem:s7], [sflag:s8] =	dma.local @!p0 [hbm:s6], $0xF7A  }
0x23: {  	s9 =	sor.u32 $0xD0000000, s2;
	s6 =	simm.s32 $0x108;
	_ =	swait.ge @!p0 [sflag:s8], $0x0  }
0x24: {  	s3 =	sadd.s32 $0x88, s3;
	s6 =	simm.s32 @!p1 $0x1082;
	[sflag:s4] =	ssyncset.s32 $0xFFFFF086  }
0x25: {  	[simem:s6], [sflag:s4] =	dma.local [hbm:s3], $0xF7A  }
0x26: {  	[smem:$0x3F91] =	sst s1;
	(tag) =	ssettag s2;
	_ =	strace s9  }
0x27: {  	s1 =	sld [smem:$0x3FA1]  }
0x28: {  	s2 =	sld [smem:$0x3FA2]  }
0x29: {  	s4 =	sld [smem:$0x3FA4]  }
0x2a: {  	p0 =	seq.s32 s5, $0x0;
	s5 =	sld [smem:$0x3FA5]  }
0x2b: {  	s6 =	sld [smem:$0x3FA6]  }
0x2c: {  	s7 =	sld [smem:$0x3FA7]  }
0x2d: {  	s3 =	simm.s32 $0x108;
	s8 =	sld [smem:$0x3FA8]  }
0x2e: {  	s3 =	simm.s32 @!p0 $0x1082;
	s9 =	sld [smem:$0x3FA9]  }
0x2f: {  	lr =	sadd.s32 s0, s3;
	s0 =	sld [smem:$0x3FA0]  }
0x30: {  	s3 =	sld [smem:$0x3FA3]  }
0x31: {  	[smem:$0x3FAC] =	sst s10  }
0x32: {  	s10 =	sld [smem:$0x3FAA];
	_ =	sdelay $0x3  }
0x33: {  	p0 =	seq.s32 s10, $0x1;
	s10 =	sld [smem:$0x3FAC];
	_ =	sdelay $0x3  }
0x34: {  	[smem:$0x3FAC] =	sst s10  }
0x35: {  	s10 =	sld [smem:$0x3FAB];
	_ =	sdelay $0x3  }
0x36: {  	p1 =	seq.s32 s10, $0x1;
	s10 =	sld [smem:$0x3FAC];
	_ =	sdelay $0x3  }
0x37: {  	[smem:$0x3FAC] =	sst s10  }
0x38: {  	s10 =	sld [smem:$0x3FAD]  }
0x39: {  	_ = 	snop;
	(pc) =	sbr.ind lr, $3  }
0x3a: {  	_ = 	snop  }
0x3b: {  	_ = 	snop  }
0x3c: {  	p2 =	seq.s32 s10, $0x1;
	s10 =	sld [smem:$0x3FAC]  }
0x3d: {  	_ =	shalt  }
0x3e: {  	_ =	shalt  }
0x3f: {  	_ =	shalt  }
0x40: {  	_ =	shalt  }
0x41: {  	_ =	shalt  }
0x42: {  	_ =	shalt  }
0x43: {  	_ =	shalt  }
0x44: {  	_ =	shalt  }
0x45: {  	_ =	shalt  }
0x46: {  	_ =	shalt  }
0x47: {  	_ =	shalt  }
0x48: {  	_ =	shalt  }
0x49: {  	_ =	shalt  }
0x4a: {  	_ =	shalt  }
0x4b: {  	_ =	shalt  }
0x4c: {  	_ =	shalt  }
0x4d: {  	_ =	shalt  }
0x4e: {  	_ =	shalt  }
0x4f: {  	_ =	shalt  }
0x50: {  	_ =	shalt  }
0x51: {  	_ =	shalt  }
0x52: {  	_ =	shalt  }
0x53: {  	_ =	shalt  }
0x54: {  	_ =	shalt  }
0x55: {  	_ =	shalt  }
0x56: {  	_ =	shalt  }
0x57: {  	_ =	shalt  }
0x58: {  	_ =	shalt  }
0x59: {  	_ =	shalt  }
0x5a: {  	_ =	shalt  }
0x5b: {  	_ =	shalt  }
0x5c: {  	_ =	shalt  }
0x5d: {  	_ =	shalt  }
0x5e: {  	_ =	shalt  }
0x5f: {  	_ =	shalt  }
0x60: {  	_ =	shalt  }
0x61: {  	_ =	shalt  }
0x62: {  	_ =	shalt  }
0x63: {  	_ =	shalt  }
0x64: {  	_ =	shalt  }
0x65: {  	_ =	shalt  }
0x66: {  	_ =	shalt  }
0x67: {  	_ =	shalt  }
0x68: {  	_ =	shalt  }
0x69: {  	_ =	shalt  }
0x6a: {  	_ =	shalt  }
0x6b: {  	_ =	shalt  }
0x6c: {  	_ =	shalt  }
0x6d: {  	_ =	shalt  }
0x6e: {  	_ =	shalt  }
0x6f: {  	_ =	shalt  }
0x70: {  	_ =	shalt  }
0x71: {  	_ =	shalt  }
0x72: {  	_ =	shalt  }
0x73: {  	_ =	shalt  }
0x74: {  	_ =	shalt  }
0x75: {  	_ =	shalt  }
0x76: {  	_ =	shalt  }
0x77: {  	_ =	shalt  }
0x78: {  	_ =	shalt  }
0x79: {  	_ =	shalt  }
0x7a: {  	_ =	shalt  }
0x7b: {  	_ =	shalt  }
0x7c: {  	_ =	shalt  }
0x7d: {  	_ =	shalt  }
0x7e: {  	_ =	shalt  }
0x7f: {  	_ =	shalt  }
0x80: {  	_ =	shalt  }
0x81: {  	_ =	shalt  }
0x82: {  	_ =	shalt  }
0x83: {  	_ =	shalt  }
0x84: {  	_ =	shalt  }
0x85: {  	_ =	shalt  }
0x86: {  	_ =	shalt  }
0x87: {  	_ =	shalt  }
.Lfunc_end0:
.L_simem_size_0:
called_computation.4_lowered:
.L_overlay_start_0:
0x88: {  	s2 =	sld [smem:$0x3FD9]  }
0x89: {  	s3 =	sld [smem:$0x3FFE];
	_ =	sdelay $0x1  }
0x8a: {  	s1 =	srdreg.scid  }
0x8b: {  	s0 =	sand.u32 $0x1, s1  }
0x8c: {  	s16 =	sshll.u32 s0, $0xA;
	s2 =	sadd.s32 s3, s2  }
0x8d: {  	s2 =	sadd.s32 s2, s16  }
0x8e: {  	[smem:$0x3FB8] =	sst s2  }
0x8f: {  	_ = 	snop  }
0x90: {  	(tm) =	ssettm $0x1  }
0x91: {  	s17 =	sld [smem:$0x3FFB];
	_ =	sdelay $0x3  }
0x92: {  	_ =	strace s17  }
0x93: {  	s2 =	sld [smem:$0x3FFC];
	_ =	sdelay $0x3  }
0x94: {  	_ =	strace s2  }
0x95: {  	s2 =	sld [smem:$0x3FFD];
	_ =	sdelay $0x3  }
0x96: {  	_ =	strace s2  }
0x97: {  	_ =	strace $0x8FFFFFFF  }
0x98: {  	s18 =	sld [smem:$0x3FDB];
	_ =	sdelay $0x1  }
0x99: {  	s19 =	simm.s32 $_scs_section_size  }
0x9a: {  	s4 =	simm.s32 $_size__tile_overlayer_lowered;
	s5 =	simm.s32 $_tile_overlayer_lowered  }
0x9b: {  	s22 =	simm.s32 $0x1BFF;
	s21 =	sshll.u32 s5, $0x1;
	s2 =	sadd.s32 s19, s18  }
0x9c: {  	s6 =	simm.s32 $0x0;
	s20 =	sshll.u32 s4, $0x1;
	s4 =	sadd.s32 s21, s2  }
0x9d: {  	[timem:s6], [sflag:s22] =	dma.local [hbm:s4], s20  }
0x9e: {  	_ =	swait.ge [sflag:s22], s20  }
0x9f: {  	s3 =	ssub.s32 $0x0, s20;
	[sflag:s22] =	ssyncset.done $0x0  }
0xa0: {  	[sflag:s22] =	ssyncadd.s32 s3;
	_ =	sdelay $0x1  }
0xa1: {  	s23 =	simm.s32 $0x1B8B  }
0xa2: {  	_ =	swait.ge [sflag:s23], $0x1  }
0xa3: {  	[sflag:s23] =	ssyncset.done $0x0  }
0xa4: {  	s25 =	simm.s32 $0x1B8E;
	s24 =	sld [smem:$0x3FFE];
	[sflag:s23] =	ssyncadd.s32 $0xFFFFFFFF  }
0xa5: {  	s26 =	simm.s32 $execute0_lowered;
	[smem:$0x3FD2] =	sst s25  }
0xa6: {  	s4 =	sshll.u32 s26, $0x1;
	_ =	strace $0x80000052;
	[dreg:$0x1] =	wrdreg $0xFFFFFFFF  }
0xa7: {  	s28 =	simm.s32 $_size_execute0_lowered;
	s2 =	sadd.s32 s2, s4;
	[dreg:$0x0] =	wrdreg $0x0  }
0xa8: {  	s4 =	sshll.u32 s28, $0x1;
	[dreg:$0x2] =	wrdreg s2  }
0xa9: {  	[dreg:$0x3] =	wrdreg s4  }
0xaa: {  	[dreg:$0x4] =	wrdreg $0xC0  }
0xab: {  	_ =	task [dreg:s6], $0x5FFFF  }
0xac: {  	[dreg:$0x1] =	wrdreg $0xFFFFFFFF  }
0xad: {  	[dreg:$0x0] =	wrdreg $0x60  }
0xae: {  	[dreg:$0x2] =	wrdreg s24  }
0xaf: {  	[dreg:$0x3] =	wrdreg $0x9  }
0xb0: {  	_ =	task.clear_ibuf [dreg:s6], $0x4FFFF;
	_ =	strace $0x90000052  }
0xb1: {  	s29 =	simm.s32 $0x9;
	_ =	strace $0x80000054  }
0xb2: {  	_ =	swait.ge [sflag:s29], $0x1  }
0xb3: {  	[sflag:s29] =	ssyncadd.s32 $0xFFFFFFFF  }
0xb4: {  	_ =	strace $0x90000054  }
0xb5: {  	_ =	sfence  }
0xb6: {  	s30 =	sld [smem:$0x0];
	_ =	sdelay $0x2  }
0xb7: {  	s31 =	sshll.u32 s1, $0xD;
	s1 =	sshrl.u32 s1, $0x2  }
0xb8: {  	s3 =	sand.u32 $0x4000, s31;
	s1 =	sadd.s32 s1, s30  }
0xb9: {  	s0 =	sor.u32 s3, s0;
	s1 =	sshll.u32 s1, $0x11  }
0xba: {  	s0 =	sor.u32 s1, s0  }
0xbb: {  	s0 =	sadd.s32 $0x8F2B, s0  }
0xbc: {  	[sflag:s0] =	ssyncadd.remote.s32 $0x1  }
0xbd: {  	_ =	sfence.sel $0xFFFF  }
0xbe: {  	[dreg:$0x0] =	wrdreg $0xFFFFFFFF;
	(pc) =	sbr.abs _section_cstart, $3  }
0xbf: {  	[dreg:$0x1] =	wrdreg $0xFFFFFFFF  }
0xc0: {  	_ =	task.clear_ibuf [dreg:s6], $0x2FFFF;
	_ =	strace $0x9FFFFFFF  }
0xc1: {  	(tm) =	ssettm $0x7FFFFFFF  }
tec
execute0_lowered:
.L_overlay_start_1:
0x0: {  	(tag) =	ssettag $0x1  }
0x1: {  	s4 =	rddreg [dreg:$0x0]  }
0x2: {  	s0 =	rddreg [dreg:$0x1]  }
0x3: {  	s1 =	simm.s32 $0x0;
	s5 =	srdreg.scid;
	s2 =	stileid.u32  }
0x4: {  	s10 =	simm.s32 $0x9000;
	s11 =	simm.s32 $0x1;
	s12 =	simm.s32 $0x0  }
0x5: {  	[smem:$0x7FF] =	sst s1;
	s3 =	sadd.s32 $0x47000, s4;
	s5 =	sand.u32 $0x1, s5  }
0x6: {  	s6 =	sshll.u32 s2, $0xD;
	s7 =	smul.u32 $0x60000, s2;
	_ =	strace $0x80000053  }
0x7: {  	s8 =	sshll.u32 s5, $0xC;
	s9 =	ssub.s32 $0x2, s5;
	s5 =	smul.u32 $0x30000, s5  }
0x8: {  	s6 =	sor.u32 s8, s6;
	s7 =	sadd.s32 s7, s4;
	s30 =	sshrl.u32 s9, $0x1  }
0x9: {  	v2 =	vlaneseq.u32;
	s8 =	simm.s32 $0x8000;
	s4 =	sadd.s32 s6, s4;
	s31 =	ssub.s32 s9, s30  }
0xa: {  	vm0 =	vmmov $0xffff;
	v1 =	vshrl.u32 v2, $0x3;
	s7 =	sadd.s32 s5, s7;
	s9 =	simm.s32 $0x8800;
	s4 =	sadd.s32 $0x87000, s4  }
0xb: {  	v0 =	vand.u32 $0x7, v2;
	v2 =	vor.u32 $0x8, v2;
	v1 =	vmul.u32 $0x8, v1;
	s5 =	smax.u32 s31, $0x1;
	s6 =	sadd.s32 $0xA7000, s7;
	s7 =	simm.s32 $0x2  }
.LBB2_1:
0xc: {  	[tilespmem:s1], [sflag:$0x2] =	stream.linear.gather [hbm4b:s4+s1], $0x8000, $0x38;
	[tilespmem:$0x9800] =	vst v63  }
0xd: {  	_ =	swait.ge [sflag:s7], $0x8000  }
0xe: {  	[sflag:s7] =	ssyncset.done $0x0  }
0xf: {  	s13 =	smov.u32 s6;
	s14 =	simm.s32 $0x0;
	[sflag:s7] =	ssyncadd.s32 $0xFFFF8000  }
.LBB2_2:
0x10: {  	s15 =	sshra.s32 s14, $0x2  }
0x11: {  	v3 =	vld [tilespmem:s15+$0x0];
	_ =	sdelay $0x4  }
0x12: {  	v4 =	vshll.u32 v3, $0x1  }
0x13: {  	v3 =	vand.u32 $0x7, v3;
	v4 =	vand.u32 $0xFFFFFFF0, v4  }
0x14: {  	v3 =	vor.u32 v3, v4  }
0x15: {  	v4 =	vperm.xlane v3, v0;
	_ =	sdelay $0x1  }
0x16: {  	v3 =	vperm.xlane v3, v2;
	v4 =	vadd.s32 v1, v4;
	_ =	sdelay $0x1  }
0x17: {  	v3 =	vadd.s32 v1, v3;
	_ =	sdelay $0x2  }
0x18: {  	[tilespmem:s8], [sflag:$0x1] =	stream.indirect_vreg.gather [hbm4b:s3+s1], $0x80, v4, vm0, $0xb8;
	[tilespmem:$0x9800] =	vst v63  }
0x19: {  	_ = 	snop  }
0x1a: {  	[tilespmem:s9], [sflag:$0x1] =	stream.indirect_vreg.gather [hbm4b:s3+s1], $0x80, v3, vm0, $0xb8;
	[tilespmem:$0x9800] =	vst v63  }
0x1b: {  	v3 =	vld.msk [tilespmem:s15+$0x10], $0xff;
	_ =	sdelay $0x4  }
0x1c: {  	v63 =	vshll.u32 v3, $0x1  }
0x1d: {  	v3 =	vand.u32 $0x7, v3;
	v4 =	vand.u32 $0xFFFFFFF0, v63  }
0x1e: {  	v3 =	vor.u32 v3, v4  }
0x1f: {  	v3 =	vperm.xlane v3, v0;
	_ =	sdelay $0x1  }
0x20: {  	v3 =	vadd.s32 v1, v3;
	_ =	sdelay $0x4  }
0x21: {  	[tilespmem:s10], [sflag:$0x1] =	stream.indirect_vreg.gather [hbm4b:s3+s1], $0x80, v3, vm0, $0xb8;
	[tilespmem:$0x9800] =	vst v63  }
0x22: {  	_ =	swait.ge [sflag:s11], $0x1800  }
0x23: {  	p0 =	sne.s32 s14, $0x1FE00;
	[sflag:s11] =	ssyncset.done $0x0  }
.Ltmp0:
0x24: {  	[sflag:s11] =	ssyncadd.s32 $0xFFFFE800;
	(pc) =	sbr.rel @p0 .LBB2_2-.Ltmp0, $4  }
0x25: {  	[hbm4b:s13+s1] =	stream.linear.scatter [tilespmem:s8], [sflag:$0x2], $0x1800, $0x38;
	[tilespmem:$0x9800] =	vst v63  }
0x26: {  	_ =	swait.ge [sflag:s7], $0x1800  }
0x27: {  	[sflag:s7] =	ssyncset.done $0x0  }
0x28: {  	s14 =	sadd.s32 $0x200, s14;
	s13 =	sadd.s32 $0x300, s13;
	[sflag:s7] =	ssyncadd.s32 $0xFFFFE800  }
0x29: {  	s12 =	sadd.s32 $0x1, s12  }
0x2a: {  	p0 =	sne.s32 s12, s5  }
.Ltmp1:
0x2b: {  	_ = 	snop;
	(pc) =	sbr.rel @p0 .LBB2_1-.Ltmp1, $1  }
0x2c: {  	_ =	sdelay $0x3  }
0x2d: {  	_ =	sfence.sel $0x180000  }
0x2e: {  	[bflag:$0x0] =	sbarrier.arrive $0xFFFF  }
0x2f: {  	p0 =	sne.s32 s2, $0x0;
	_ =	strace $0x90000053  }
0x30: {  	s0 =	sadd.s32 @!p0 $0x100000, s0;
	[bflag:$0x2] =	sbarrier.arrive $0xFFFF  }
0x31: {  	[sflag:s0] =	ssyncadd.tile.s32 @!p0 $0x1;
	_ =	shalt  }
.Lfunc_end2:
_tile_overlayer_lowered:
.L_overlay_start_2:
0x32: {  	(tag) =	ssettag $0x2  }
0x33: {  	s0 =	rddreg [dreg:$0x0];
	s2 =	stileid.u32  }
0x34: {  	s1 =	rddreg [dreg:$0x1];
	p0 =	sne.s32 s2, $0x0  }
0x35: {  	s3 =	rddreg [dreg:$0x2];
	[bflag:$0x3] =	sbarrier.arrive $0xFFFF;
	s2 =	simm.s32 @!p0 $0x1C02  }
0x36: {  	[timem:s3], [sflag:s2] =	dma.local @!p0 [hbm:s0], s1  }
0x37: {  	s0 =	simm.s32 @!p0 $0x2  }
0x38: {  	_ =	swait.ge @!p0 [sflag:s0], s1  }
0x39: {  	s1 =	ssub.s32 @!p0 $0x0, s1;
	[sflag:s0] =	ssyncset.done @!p0 $0x0  }
0x3a: {  	[sflag:s0] =	ssyncadd.s32 @!p0 s1  }
0x3b: {  	[bflag:$0x3] =	sbarrier.arrive $0xFFFF  }
0x3c: {  	_ =	shalt  }

</sc_bundles>
